<compile_context>
chip_gen: v7x
topology: tpu7x:2x2x1
jax: 0.10.2.dev20260603
libtpu: 0.0.44.dev20260713+nightly
codegen_flags: <defaults>
</compile_context>

<pallas_src>
import functools

import jax
import jax.numpy as jnp
from jax import lax
from jax.experimental import pallas as pl
from jax.experimental.pallas import tpu as pltpu
from jax.experimental.pallas import tpu_sc as plsc

NUM_CLASSES = 37
NUM_INSTANCE = 64
FEAT = 256
N_ROWS = 65536
LANES = 16
HFEAT = 128
SCROWS = 28672
NH = SCROWS * FEAT // HFEAT
TCROWS = N_ROWS - SCROWS
TCCHUNK = 4096
NTC = TCROWS // TCCHUNK
SC_OFF = SCROWS // TCCHUNK
CLS_PAD = 64

NUM_CORES = 2
NUM_SUBCORES = 16
NW = NUM_CORES * NUM_SUBCORES
HROWS_PER_W = NH // NW
CHUNK = 256
NCHUNK = HROWS_PER_W // CHUNK
IDXW = 128
NIDX = HROWS_PER_W // IDXW
LROWS_PER_W = SCROWS // NW
LCHUNK = 128
NLCHUNK = LROWS_PER_W // LCHUNK
CPAD = 40
APAD = 2 * CPAD


def _sc_body(feat_hbm, lab_hbm, sums_out, cnts_out,
             rows_v, rows_v2, idx_v, labels_v, ones_v, sums_acc, cnts_acc,
             sem):
    cid = lax.axis_index("c")
    sid = lax.axis_index("s")
    wid = cid * NUM_SUBCORES + sid

    zeros16 = jnp.zeros((LANES,), jnp.float32)
    ones16 = jnp.ones((LANES,), jnp.float32)

    @pl.when(sid == 0)
    def _():
        def zrow(i, carry):
            for j in range(HFEAT // LANES):
                rows_v[i, pl.ds(j * LANES, LANES)] = zeros16
            ones_v[i, :] = zeros16
            return carry
        lax.fori_loop(0, APAD, zrow, 0)
        pltpu.sync_copy(rows_v.at[pl.ds(0, APAD), :], sums_acc)
        pltpu.sync_copy(ones_v.at[pl.ds(0, CPAD), :], cnts_acc)

    def fill_ones(i, carry):
        ones_v[i, :] = ones16
        return carry
    lax.fori_loop(0, LCHUNK, fill_ones, 0)

    pltpu.sync_copy(lab_hbm.at[wid], labels_v)
    lane_iota = lax.iota(jnp.int32, LANES)
    rin_iota = lane_iota & 7
    half_off = jnp.where(lane_iota >= 8, CPAD, 0).astype(jnp.int32)

    def idx_body(j, carry):
        for g in range(IDXW // LANES):
            p = j * 8 + g
            rowb = p // (LCHUNK // 8)
            colb = (p % (LCHUNK // 8)) * 8
            lab16 = plsc.load_gather(
                labels_v, [jnp.full((LANES,), rowb, jnp.int32),
                           colb + rin_iota])
            idx_v[j, pl.ds(g * LANES, LANES)] = lab16 + half_off
        return carry
    lax.fori_loop(0, NIDX, idx_body, 0)
    plsc.subcore_barrier()

    def cnt_body(k, carry):
        pltpu.sync_copy(ones_v, cnts_acc.at[labels_v.at[k]], add=True)
        return carry
    lax.fori_loop(0, NLCHUNK, cnt_body, 0)

    base = wid * HROWS_PER_W

    def _chunk_src(k):
        return feat_hbm.at[pl.ds(base + k * CHUNK, CHUNK), :]

    pltpu.async_copy(_chunk_src(0), rows_v, sem)

    def _scatter(buf, k):
        pltpu.sync_copy(buf.at[pl.ds(0, IDXW), :],
                        sums_acc.at[idx_v.at[2 * k]], add=True)
        pltpu.sync_copy(buf.at[pl.ds(IDXW, IDXW), :],
                        sums_acc.at[idx_v.at[2 * k + 1]], add=True)

    def pair_body(p, carry):
        k0 = 2 * p
        pltpu.make_async_copy(_chunk_src(k0), rows_v, sem).wait()
        pltpu.async_copy(_chunk_src(k0 + 1), rows_v2, sem)
        _scatter(rows_v, k0)
        pltpu.make_async_copy(_chunk_src(k0 + 1), rows_v2, sem).wait()

        @pl.when(k0 + 2 < NCHUNK)
        def _():
            pltpu.async_copy(_chunk_src(k0 + 2), rows_v, sem)

        _scatter(rows_v2, k0 + 1)
        return carry

    lax.fori_loop(0, NCHUNK // 2, pair_body, 0)

    if NCHUNK % 2:
        pltpu.make_async_copy(_chunk_src(NCHUNK - 1), rows_v, sem).wait()
        _scatter(rows_v, NCHUNK - 1)

    plsc.subcore_barrier()

    @pl.when(sid == 0)
    def _():
        pltpu.sync_copy(sums_acc, sums_out.at[cid])
        pltpu.sync_copy(cnts_acc, cnts_out.at[cid])


_sc_accum = functools.partial(
    pl.kernel,
    out_type=(
        jax.ShapeDtypeStruct((NUM_CORES, APAD, HFEAT), jnp.float32),
        jax.ShapeDtypeStruct((NUM_CORES, CPAD, LANES), jnp.float32),
    ),
    mesh=plsc.VectorSubcoreMesh(core_axis_name="c", subcore_axis_name="s"),
    scratch_types=[
        pltpu.VMEM((CHUNK, HFEAT), jnp.float32),
        pltpu.VMEM((CHUNK, HFEAT), jnp.float32),
        pltpu.VMEM((NIDX, IDXW), jnp.int32),
        pltpu.VMEM((NLCHUNK, LCHUNK), jnp.int32),
        pltpu.VMEM((LCHUNK, LANES), jnp.float32),
        pltpu.VMEM_SHARED((APAD, HFEAT), jnp.float32),
        pltpu.VMEM_SHARED((CPAD, LANES), jnp.float32),
        pltpu.SemaphoreType.DMA,
    ],
    compiler_params=pltpu.CompilerParams(use_tc_tiling_on_sc=False,
                                         needs_layout_passes=False),
)(_sc_body)


def _tc_partial_body(lab_ref, feat_ref, sums_ref, cnts_ref, acc_ref, cacc_ref):
    g = pl.program_id(0)
    labs2 = lab_ref[0]
    cls = lax.broadcasted_iota(jnp.int32, (CLS_PAD, TCCHUNK), 0)
    oh = (cls == labs2).astype(jnp.float32)
    f = feat_ref[...]
    f_hi = f.astype(jnp.bfloat16).astype(jnp.float32)
    f_lo = f - f_hi
    dn = (((1,), (0,)), ((), ()))
    part = (lax.dot_general(oh, f_hi, dn, preferred_element_type=jnp.float32)
            + lax.dot_general(oh, f_lo, dn, preferred_element_type=jnp.float32))
    cpart = jnp.sum(oh, axis=1, keepdims=True)

    @pl.when(g == 0)
    def _():
        acc_ref[...] = jnp.zeros_like(acc_ref)
        cacc_ref[...] = jnp.zeros_like(cacc_ref)

    acc_ref[...] += part
    cacc_ref[:, 0:1] += cpart

    @pl.when(g == NTC - 1)
    def _():
        sums_ref[...] = acc_ref[...]
        cnts_ref[...] = cacc_ref[...]


def _tc_partial(labels_tc, features):
    return pl.pallas_call(
        _tc_partial_body,
        grid=(NTC,),
        in_specs=[
            pl.BlockSpec((1, 1, TCCHUNK), lambda g: (g, 0, 0)),
            pl.BlockSpec((TCCHUNK, FEAT), lambda g: (g + SC_OFF, 0)),
        ],
        out_specs=[
            pl.BlockSpec((CLS_PAD, FEAT), lambda g: (0, 0)),
            pl.BlockSpec((CLS_PAD, HFEAT), lambda g: (0, 0)),
        ],
        out_shape=[
            jax.ShapeDtypeStruct((CLS_PAD, FEAT), jnp.float32),
            jax.ShapeDtypeStruct((CLS_PAD, HFEAT), jnp.float32),
        ],
        scratch_shapes=[
            pltpu.VMEM((CLS_PAD, FEAT), jnp.float32),
            pltpu.VMEM((CLS_PAD, HFEAT), jnp.float32),
        ],
    )(labels_tc, features)


def _combine_body(p_ref, c_ref, tp_ref, tc_ref, q_ref, t_ref, o_ref):
    lo = p_ref[0, :NUM_CLASSES] + p_ref[1, :NUM_CLASSES]
    hi = (p_ref[0, CPAD:CPAD + NUM_CLASSES]
          + p_ref[1, CPAD:CPAD + NUM_CLASSES])
    sums = jnp.concatenate([lo, hi], axis=1) + tp_ref[:NUM_CLASSES]
    cnts = c_ref[0, :NUM_CLASSES] + c_ref[1, :NUM_CLASSES]
    cnt = cnts[:, 0:1] + tc_ref[:NUM_CLASSES, 0:1]
    denom = jnp.maximum(cnt, 1.0)
    mean = sums / denom
    present = cnt > 0.0
    tail = t_ref[...]
    for j in range(NUM_INSTANCE):
        hit = (tail == j) & present
        o_ref[:, j, :] = jnp.where(hit, mean, q_ref[:, j, :])


def _combine(sums, cnts, tsums, tcnts, queue, tail2d):
    return pl.pallas_call(
        _combine_body,
        out_shape=jax.ShapeDtypeStruct((NUM_CLASSES, NUM_INSTANCE, FEAT),
                                       jnp.float32),
    )(sums, cnts, tsums, tcnts, queue, tail2d)


def kernel(features, pid_labels, large_batch_queue, tail):
    feat_h = features.reshape(N_ROWS // 8, 8, 2, HFEAT)
    feat_h = feat_h.transpose(0, 2, 1, 3).reshape(N_ROWS * 2, HFEAT)
    labels_r = pid_labels[:SCROWS].reshape(NW, NLCHUNK, LCHUNK)
    labels_tc = pid_labels[SCROWS:].reshape(NTC, 1, TCCHUNK)
    sums, cnts = _sc_accum(feat_h, labels_r)
    tsums, tcnts = _tc_partial(labels_tc, features)
    return _combine(sums, cnts, tsums, tcnts, large_batch_queue,
                    tail.reshape(NUM_CLASSES, 1))

# --- scband reference (transcript-rebuilt; emitter-appended) ---
"""Pipeline reference for scband-large-batch-queue-classwise-46548855554601 (READ-ONLY COPY).

The authoritative reference and input builder live on the scoring server;
editing this copy changes nothing except your own understanding.
"""

import jax, jax.numpy as jnp
import numpy as np

NUM_CLASSES = 37
NUM_INSTANCE = 64
FEAT_LEN = 256
N = 65536


def setup_inputs(seed: int = 0) -> dict:
    key = jax.random.key(seed)
    k1, k2 = jax.random.split(key)
    features = jax.random.normal(k1, (N, FEAT_LEN), dtype=jnp.float32)
    pid_labels = jax.random.randint(k2, (N,), 0, NUM_CLASSES, dtype=jnp.int32)
    large_batch_queue = jnp.zeros((NUM_CLASSES, NUM_INSTANCE, FEAT_LEN), dtype=jnp.float32)
    tail = jnp.zeros((NUM_CLASSES,), dtype=jnp.int32)
    return {
        "features": features,
        "pid_labels": pid_labels,
        "large_batch_queue": large_batch_queue,
        "tail": tail,
    }


def reference(features, pid_labels, large_batch_queue, tail):
    # Faithful translation of Large_batch_queue_classwise.forward:
    # for each unique label in [0, num_classes): write mean of that class's
    # features at queue[label, tail[label]], then advance tail modulo depth.
    # Iterating label = 0..num_classes-1 in order is equivalent to iterating
    # torch.unique(pid_labels) (sorted) with the in-range filter, since
    # absent labels produce no update.
    num_classes, inst, _ = large_batch_queue.shape
    queue = large_batch_queue
    t = tail
    for label in range(num_classes):
        mask = (pid_labels == label)
        cnt = mask.sum()
        present = cnt > 0
        denom = jnp.maximum(cnt, 1).astype(features.dtype)
        mean = (features * mask[:, None].astype(features.dtype)).sum(axis=0) / denom
        pos = t[label]
        updated = queue.at[label, pos].set(mean)
        queue = jnp.where(present, updated, queue)
        t = t.at[label].set(jnp.where(present, (pos + 1) % inst, pos))
    return queue

if __name__ == "__main__":
    import jax
    _d = setup_inputs()
    print(jax.jit(kernel)(*tuple(_d.values())))

</pallas_src>

<mosaic_0001>
#map = affine_map<(d0, d1) -> (0, 0)>
#map1 = affine_map<(d0, d1) -> (0, 0, 0)>
module attributes {stable_mosaic.version = 14 : i64} {
  func.func @_sc_body(%arg0: i32, %arg1: i32, %arg2: memref<131072x128xf32, #tpu.memory_space<hbm>>, %arg3: memref<32x7x128xi32, #tpu.memory_space<hbm>>, %arg4: memref<2x80x128xf32, #tpu.memory_space<hbm>>, %arg5: memref<2x40x16xf32, #tpu.memory_space<hbm>>, %arg6: memref<256x128xf32, #tpu.memory_space<vmem>>, %arg7: memref<256x128xf32, #tpu.memory_space<vmem>>, %arg8: memref<14x128xi32, #tpu.memory_space<vmem>>, %arg9: memref<7x128xi32, #tpu.memory_space<vmem>>, %arg10: memref<128x16xf32, #tpu.memory_space<vmem>>, %arg11: memref<80x128xf32, #tpu.memory_space<vmem_shared>>, %arg12: memref<40x16xf32, #tpu.memory_space<vmem_shared>>, %arg13: memref<!tpu.dma_semaphore, #tpu.memory_space<semaphore_mem>>) attributes {dimension_semantics = [#tpu.dimension_semantics<core_parallel>, #tpu.dimension_semantics<subcore_parallel>], iteration_bounds = array<i64: 2, 16>, scalar_prefetch = 0 : i64, scratch_operands = 8 : i64, tpu.core_type = #tpu.core_type<sc_vector_subcore>, window_params = [{transform_indices = #map}, {transform_indices = #map1}, {transform_indices = #map1}, {transform_indices = #map1}]} {
    %mul3A = arith.constant 16 : i32
    %mul3A_0 = arith.muli %arg0, %mul3A : i32
    %add3A = arith.addi %mul3A_0, %arg1 : i32
    %broadcast_in_dim3A = arith.constant 0.000000e+00 : f32
    %broadcast_in_dim3A_1 = vector.broadcast %broadcast_in_dim3A : f32 to vector<16xf32>
    %broadcast_in_dim3A_2 = arith.constant 1.000000e+00 : f32
    %broadcast_in_dim3A_3 = vector.broadcast %broadcast_in_dim3A_2 : f32 to vector<16xf32>
    %eq3A = arith.constant 0 : i32
    %eq3A_4 = arith.cmpi eq, %arg1, %eq3A : i32
    %convert_element_type3A = arith.extui %eq3A_4 : i1 to i32
    %cond3A = arith.constant 0 : i32
    %cond3A_5 = arith.cmpi ne, %convert_element_type3A, %cond3A : i32
    scf.if %cond3A_5 {
      %scan3A_55 = arith.constant 0 : i32
      %scan3A_56 = arith.constant 0 : i32
      %scan3A_57 = arith.constant 80 : i32
      %scan3A_58 = arith.addi %scan3A_56, %scan3A_57 : i32
      %scan3A_59 = arith.constant 1 : i32
      scf.for %scan3A_61 = %scan3A_56 to %scan3A_58 step %scan3A_59  : i32 {
        %swap3A = arith.index_cast %scan3A_61 : i32 to index
        %swap3A_62 = arith.constant 0 : index
        %swap3A_63 = tpu.vector_load %arg6[%swap3A, %swap3A_62] {strides = array<i32>} : memref<256x128xf32, #tpu.memory_space<vmem>>, vector<16xf32>,
        tpu.vector_store %arg6[%swap3A, %swap3A_62], %broadcast_in_dim3A_1 {strides = array<i32>} : memref<256x128xf32, #tpu.memory_space<vmem>>, vector<16xf32>,
        %swap3A_64 = arith.index_cast %scan3A_61 : i32 to index
        %swap3A_65 = arith.constant 16 : index
        %swap3A_66 = tpu.vector_load %arg6[%swap3A_64, %swap3A_65] {strides = array<i32>} : memref<256x128xf32, #tpu.memory_space<vmem>>, vector<16xf32>,
        tpu.vector_store %arg6[%swap3A_64, %swap3A_65], %broadcast_in_dim3A_1 {strides = array<i32>} : memref<256x128xf32, #tpu.memory_space<vmem>>, vector<16xf32>,
        %swap3A_67 = arith.index_cast %scan3A_61 : i32 to index
        %swap3A_68 = arith.constant 32 : index
        %swap3A_69 = tpu.vector_load %arg6[%swap3A_67, %swap3A_68] {strides = array<i32>} : memref<256x128xf32, #tpu.memory_space<vmem>>, vector<16xf32>,
        tpu.vector_store %arg6[%swap3A_67, %swap3A_68], %broadcast_in_dim3A_1 {strides = array<i32>} : memref<256x128xf32, #tpu.memory_space<vmem>>, vector<16xf32>,
        %swap3A_70 = arith.index_cast %scan3A_61 : i32 to index
        %swap3A_71 = arith.constant 48 : index
        %swap3A_72 = tpu.vector_load %arg6[%swap3A_70, %swap3A_71] {strides = array<i32>} : memref<256x128xf32, #tpu.memory_space<vmem>>, vector<16xf32>,
        tpu.vector_store %arg6[%swap3A_70, %swap3A_71], %broadcast_in_dim3A_1 {strides = array<i32>} : memref<256x128xf32, #tpu.memory_space<vmem>>, vector<16xf32>,
        %swap3A_73 = arith.index_cast %scan3A_61 : i32 to index
        %swap3A_74 = arith.constant 64 : index
        %swap3A_75 = tpu.vector_load %arg6[%swap3A_73, %swap3A_74] {strides = array<i32>} : memref<256x128xf32, #tpu.memory_space<vmem>>, vector<16xf32>,
        tpu.vector_store %arg6[%swap3A_73, %swap3A_74], %broadcast_in_dim3A_1 {strides = array<i32>} : memref<256x128xf32, #tpu.memory_space<vmem>>, vector<16xf32>,
        %swap3A_76 = arith.index_cast %scan3A_61 : i32 to index
        %swap3A_77 = arith.constant 80 : index
        %swap3A_78 = tpu.vector_load %arg6[%swap3A_76, %swap3A_77] {strides = array<i32>} : memref<256x128xf32, #tpu.memory_space<vmem>>, vector<16xf32>,
        tpu.vector_store %arg6[%swap3A_76, %swap3A_77], %broadcast_in_dim3A_1 {strides = array<i32>} : memref<256x128xf32, #tpu.memory_space<vmem>>, vector<16xf32>,
        %swap3A_79 = arith.index_cast %scan3A_61 : i32 to index
        %swap3A_80 = arith.constant 96 : index
        %swap3A_81 = tpu.vector_load %arg6[%swap3A_79, %swap3A_80] {strides = array<i32>} : memref<256x128xf32, #tpu.memory_space<vmem>>, vector<16xf32>,
        tpu.vector_store %arg6[%swap3A_79, %swap3A_80], %broadcast_in_dim3A_1 {strides = array<i32>} : memref<256x128xf32, #tpu.memory_space<vmem>>, vector<16xf32>,
        %swap3A_82 = arith.index_cast %scan3A_61 : i32 to index
        %swap3A_83 = arith.constant 112 : index
        %swap3A_84 = tpu.vector_load %arg6[%swap3A_82, %swap3A_83] {strides = array<i32>} : memref<256x128xf32, #tpu.memory_space<vmem>>, vector<16xf32>,
        tpu.vector_store %arg6[%swap3A_82, %swap3A_83], %broadcast_in_dim3A_1 {strides = array<i32>} : memref<256x128xf32, #tpu.memory_space<vmem>>, vector<16xf32>,
        %swap3A_85 = arith.index_cast %scan3A_61 : i32 to index
        %swap3A_86 = arith.constant 0 : index
        %swap3A_87 = tpu.vector_load %arg10[%swap3A_85, %swap3A_86] {strides = array<i32>} : memref<128x16xf32, #tpu.memory_space<vmem>>, vector<16xf32>,
        tpu.vector_store %arg10[%swap3A_85, %swap3A_86], %broadcast_in_dim3A_1 {strides = array<i32>} : memref<128x16xf32, #tpu.memory_space<vmem>>, vector<16xf32>,
      }
      %scan3A_60 = arith.constant 80 : i32
      "tpu.region"() ({
        %run_scoped3A_61 = tpu.sem_alloc : memref<!tpu.dma_semaphore, #tpu.memory_space<semaphore_mem>>
        %dma_start3A_62 = arith.constant 0 : i32
        %dma_start3A_63 = arith.constant 0 : i32
        %dma_start3A_64 = tpu.memref_slice %arg6[%dma_start3A_62, %dma_start3A_63] : memref<256x128xf32, #tpu.memory_space<vmem>> -> memref<80x128xf32, #tpu.memory_space<vmem>>
        %dma_start3A_65 = arith.constant 0 : i32
        %dma_start3A_66 = arith.constant 0 : i32
        %dma_start3A_67 = tpu.memref_slice %arg6[%dma_start3A_65, %dma_start3A_66] : memref<256x128xf32, #tpu.memory_space<vmem>> -> memref<80x128xf32, #tpu.memory_space<vmem>>
        tpu.enqueue_dma source(%dma_start3A_67 : memref<80x128xf32, #tpu.memory_space<vmem>>) target(%arg11 : memref<80x128xf32, #tpu.memory_space<vmem_shared>>) target_semaphore(%run_scoped3A_61 : memref<!tpu.dma_semaphore, #tpu.memory_space<semaphore_mem>>)
        %dma_wait3A_68 = arith.constant 0 : i32
        %dma_wait3A_69 = arith.constant 0 : i32
        %dma_wait3A_70 = tpu.memref_slice %arg6[%dma_wait3A_68, %dma_wait3A_69] : memref<256x128xf32, #tpu.memory_space<vmem>> -> memref<80x128xf32, #tpu.memory_space<vmem>>
        %dma_wait3A_71 = arith.constant 0 : i32
        %dma_wait3A_72 = arith.constant 0 : i32
        %dma_wait3A_73 = tpu.memref_slice %arg6[%dma_wait3A_71, %dma_wait3A_72] : memref<256x128xf32, #tpu.memory_space<vmem>> -> memref<80x128xf32, #tpu.memory_space<vmem>>
        tpu.wait_dma2 semaphore(%run_scoped3A_61 : memref<!tpu.dma_semaphore, #tpu.memory_space<semaphore_mem>>) src(%dma_wait3A_73 : memref<80x128xf32, #tpu.memory_space<vmem>>) dst(%arg11 : memref<80x128xf32, #tpu.memory_space<vmem_shared>>)
        tpu.yield
      }) : () -> ()
      "tpu.region"() ({
        %run_scoped3A_61 = tpu.sem_alloc : memref<!tpu.dma_semaphore, #tpu.memory_space<semaphore_mem>>
        %dma_start3A_62 = arith.constant 0 : i32
        %dma_start3A_63 = arith.constant 0 : i32
        %dma_start3A_64 = tpu.memref_slice %arg10[%dma_start3A_62, %dma_start3A_63] : memref<128x16xf32, #tpu.memory_space<vmem>> -> memref<40x16xf32, #tpu.memory_space<vmem>>
        %dma_start3A_65 = arith.constant 0 : i32
        %dma_start3A_66 = arith.constant 0 : i32
        %dma_start3A_67 = tpu.memref_slice %arg10[%dma_start3A_65, %dma_start3A_66] : memref<128x16xf32, #tpu.memory_space<vmem>> -> memref<40x16xf32, #tpu.memory_space<vmem>>
        tpu.enqueue_dma source(%dma_start3A_67 : memref<40x16xf32, #tpu.memory_space<vmem>>) target(%arg12 : memref<40x16xf32, #tpu.memory_space<vmem_shared>>) target_semaphore(%run_scoped3A_61 : memref<!tpu.dma_semaphore, #tpu.memory_space<semaphore_mem>>)
        %dma_wait3A_68 = arith.constant 0 : i32
        %dma_wait3A_69 = arith.constant 0 : i32
        %dma_wait3A_70 = tpu.memref_slice %arg10[%dma_wait3A_68, %dma_wait3A_69] : memref<128x16xf32, #tpu.memory_space<vmem>> -> memref<40x16xf32, #tpu.memory_space<vmem>>
        %dma_wait3A_71 = arith.constant 0 : i32
        %dma_wait3A_72 = arith.constant 0 : i32
        %dma_wait3A_73 = tpu.memref_slice %arg10[%dma_wait3A_71, %dma_wait3A_72] : memref<128x16xf32, #tpu.memory_space<vmem>> -> memref<40x16xf32, #tpu.memory_space<vmem>>
        tpu.wait_dma2 semaphore(%run_scoped3A_61 : memref<!tpu.dma_semaphore, #tpu.memory_space<semaphore_mem>>) src(%dma_wait3A_73 : memref<40x16xf32, #tpu.memory_space<vmem>>) dst(%arg12 : memref<40x16xf32, #tpu.memory_space<vmem_shared>>)
        tpu.yield
      }) : () -> ()
    } else {
    }
    %scan3A = arith.constant 0 : i32
    %scan3A_6 = arith.constant 0 : i32
    %scan3A_7 = arith.constant 128 : i32
    %scan3A_8 = arith.addi %scan3A_6, %scan3A_7 : i32
    %scan3A_9 = arith.constant 1 : i32
    scf.for %scan3A_55 = %scan3A_6 to %scan3A_8 step %scan3A_9  : i32 {
      %swap3A = arith.index_cast %scan3A_55 : i32 to index
      %swap3A_56 = arith.constant 0 : index
      %swap3A_57 = tpu.vector_load %arg10[%swap3A, %swap3A_56] {strides = array<i32>} : memref<128x16xf32, #tpu.memory_space<vmem>>, vector<16xf32>,
      tpu.vector_store %arg10[%swap3A, %swap3A_56], %broadcast_in_dim3A_3 {strides = array<i32>} : memref<128x16xf32, #tpu.memory_space<vmem>>, vector<16xf32>,
    }
    %scan3A_10 = arith.constant 128 : i32
    "tpu.region"() ({
      %run_scoped3A_55 = tpu.sem_alloc : memref<!tpu.dma_semaphore, #tpu.memory_space<semaphore_mem>>
      %dma_start3A_56 = arith.constant 0 : i32
      %dma_start3A_57 = arith.constant 0 : i32
      %dma_start3A_58 = tpu.memref_slice %arg3[%add3A, %dma_start3A_56, %dma_start3A_57] : memref<32x7x128xi32, #tpu.memory_space<hbm>> -> memref<1x7x128xi32, #tpu.memory_space<hbm>>
      %dma_start3A_59 = tpu.memref_squeeze %dma_start3A_58 : memref<1x7x128xi32, #tpu.memory_space<hbm>> -> memref<7x128xi32, #tpu.memory_space<hbm>>
      %dma_start3A_60 = arith.constant 0 : i32
      %dma_start3A_61 = arith.constant 0 : i32
      %dma_start3A_62 = tpu.memref_slice %arg3[%add3A, %dma_start3A_60, %dma_start3A_61] : memref<32x7x128xi32, #tpu.memory_space<hbm>> -> memref<1x7x128xi32, #tpu.memory_space<hbm>>
      %dma_start3A_63 = tpu.memref_squeeze %dma_start3A_62 : memref<1x7x128xi32, #tpu.memory_space<hbm>> -> memref<7x128xi32, #tpu.memory_space<hbm>>
      tpu.enqueue_dma source(%dma_start3A_63 : memref<7x128xi32, #tpu.memory_space<hbm>>) target(%arg9 : memref<7x128xi32, #tpu.memory_space<vmem>>) target_semaphore(%run_scoped3A_55 : memref<!tpu.dma_semaphore, #tpu.memory_space<semaphore_mem>>)
      %dma_wait3A_64 = arith.constant 0 : i32
      %dma_wait3A_65 = arith.constant 0 : i32
      %dma_wait3A_66 = tpu.memref_slice %arg3[%add3A, %dma_wait3A_64, %dma_wait3A_65] : memref<32x7x128xi32, #tpu.memory_space<hbm>> -> memref<1x7x128xi32, #tpu.memory_space<hbm>>
      %dma_wait3A_67 = tpu.memref_squeeze %dma_wait3A_66 : memref<1x7x128xi32, #tpu.memory_space<hbm>> -> memref<7x128xi32, #tpu.memory_space<hbm>>
      %dma_wait3A_68 = arith.constant 0 : i32
      %dma_wait3A_69 = arith.constant 0 : i32
      %dma_wait3A_70 = tpu.memref_slice %arg3[%add3A, %dma_wait3A_68, %dma_wait3A_69] : memref<32x7x128xi32, #tpu.memory_space<hbm>> -> memref<1x7x128xi32, #tpu.memory_space<hbm>>
      %dma_wait3A_71 = tpu.memref_squeeze %dma_wait3A_70 : memref<1x7x128xi32, #tpu.memory_space<hbm>> -> memref<7x128xi32, #tpu.memory_space<hbm>>
      tpu.wait_dma2 semaphore(%run_scoped3A_55 : memref<!tpu.dma_semaphore, #tpu.memory_space<semaphore_mem>>) src(%dma_wait3A_71 : memref<7x128xi32, #tpu.memory_space<hbm>>) dst(%arg9 : memref<7x128xi32, #tpu.memory_space<vmem>>)
      tpu.yield
    }) : () -> ()
    %iota3A = tpu.iota {dimensions = array<i32: 0>} : vector<16xi32>
    %and3A = arith.constant 7 : i32
    %and3A_11 = vector.broadcast %and3A : i32 to vector<16xi32>
    %and3A_12 = arith.andi %iota3A, %and3A_11 : vector<16xi32>
    %ge3A = arith.constant 8 : i32
    %ge3A_13 = vector.broadcast %ge3A : i32 to vector<16xi32>
    %ge3A_14 = arith.cmpi sge, %iota3A, %ge3A_13 : vector<16xi32>
    %jit3A = arith.constant 40 : i32
    %jit3A_15 = arith.constant 0 : i32
    %broadcast_in_dim3A_16 = vector.broadcast %jit3A : i32 to vector<16xi32>
    %broadcast_in_dim3A_17 = vector.broadcast %jit3A_15 : i32 to vector<16xi32>
    %select_n3A = arith.select %ge3A_14, %broadcast_in_dim3A_16, %broadcast_in_dim3A_17 : vector<16xi1>, vector<16xi32>
    %scan3A_18 = arith.constant 0 : i32
    %scan3A_19 = arith.constant 0 : i32
    %scan3A_20 = arith.constant 14 : i32
    %scan3A_21 = arith.addi %scan3A_19, %scan3A_20 : i32
    %scan3A_22 = arith.constant 1 : i32
    scf.for %scan3A_55 = %scan3A_19 to %scan3A_21 step %scan3A_22  : i32 {
      %mul3A_56 = arith.constant 8 : i32
      %mul3A_57 = arith.muli %scan3A_55, %mul3A_56 : i32
      %add3A_58 = arith.constant 0 : i32
      %add3A_59 = arith.addi %mul3A_57, %add3A_58 : i32
      %jit3A_60 = arith.constant 16 : i32
      %div3A = arith.divsi %add3A_59, %jit3A_60 : i32
      %sign3A = arith.constant 0 : i32
      %sign3A_61 = arith.cmpi sgt, %add3A_59, %sign3A : i32
      %sign3A_62 = arith.extui %sign3A_61 : i1 to i32
      %sign3A_63 = arith.constant 0 : i32
      %sign3A_64 = arith.cmpi slt, %add3A_59, %sign3A_63 : i32
      %sign3A_65 = arith.extui %sign3A_64 : i1 to i32
      %sign3A_66 = arith.subi %sign3A_62, %sign3A_65 : i32
      %sign3A_67 = arith.constant 0 : i32
      %sign3A_68 = arith.cmpi sgt, %jit3A_60, %sign3A_67 : i32
      %sign3A_69 = arith.extui %sign3A_68 : i1 to i32
      %sign3A_70 = arith.constant 0 : i32
      %sign3A_71 = arith.cmpi slt, %jit3A_60, %sign3A_70 : i32
      %sign3A_72 = arith.extui %sign3A_71 : i1 to i32
      %sign3A_73 = arith.subi %sign3A_69, %sign3A_72 : i32
      %ne3A = arith.cmpi ne, %sign3A_66, %sign3A_73 : i32
      %rem3A = arith.remsi %add3A_59, %jit3A_60 : i32
      %ne3A_74 = arith.constant 0 : i32
      %ne3A_75 = arith.cmpi ne, %rem3A, %ne3A_74 : i32
      %and3A_76 = arith.andi %ne3A, %ne3A_75 : i1
      %sub3A = arith.constant 1 : i32
      %sub3A_77 = arith.subi %div3A, %sub3A : i32
      %select_n3A_78 = arith.select %and3A_76, %sub3A_77, %div3A : i32
      %jit3A_79 = arith.constant 16 : i32
      %eq3A_80 = arith.constant 0 : i32
      %eq3A_81 = arith.cmpi eq, %jit3A_79, %eq3A_80 : i32
      %jit3A_82 = arith.constant 1 : i32
      %select_n3A_83 = arith.select %eq3A_81, %jit3A_82, %jit3A_79 : i32
      %rem3A_84 = arith.remsi %add3A_59, %select_n3A_83 : i32
      %ne3A_85 = arith.constant 0 : i32
      %ne3A_86 = arith.cmpi ne, %rem3A_84, %ne3A_85 : i32
      %lt3A = arith.constant 0 : i32
      %lt3A_87 = arith.cmpi slt, %rem3A_84, %lt3A : i32
      %lt3A_88 = arith.constant 0 : i32
      %lt3A_89 = arith.cmpi slt, %select_n3A_83, %lt3A_88 : i32
      %ne3A_90 = arith.xori %lt3A_87, %lt3A_89 : i1
      %and3A_91 = arith.andi %ne3A_90, %ne3A_86 : i1
      %add3A_92 = arith.addi %rem3A_84, %select_n3A_83 : i32
      %select_n3A_93 = arith.select %and3A_91, %add3A_92, %rem3A_84 : i32
      %mul3A_94 = arith.constant 8 : i32
      %mul3A_95 = arith.muli %select_n3A_93, %mul3A_94 : i32
      %broadcast_in_dim3A_96 = vector.broadcast %select_n3A_78 : i32 to vector<16xi32>
      %add3A_97 = vector.broadcast %mul3A_95 : i32 to vector<16xi32>
      %add3A_98 = arith.addi %add3A_97, %and3A_12 : vector<16xi32>
      %gather3A = tpu.vector_load_idx %arg9[%broadcast_in_dim3A_96, %add3A_98] : memref<7x128xi32, #tpu.memory_space<vmem>>[vector<16xi32>, vector<16xi32>], vector<16xi32>,
      %add3A_99 = arith.addi %gather3A, %select_n3A : vector<16xi32>
      %swap3A = arith.index_cast %scan3A_55 : i32 to index
      %swap3A_100 = arith.constant 0 : index
      %swap3A_101 = tpu.vector_load %arg8[%swap3A, %swap3A_100] {strides = array<i32>} : memref<14x128xi32, #tpu.memory_space<vmem>>, vector<16xi32>,
      tpu.vector_store %arg8[%swap3A, %swap3A_100], %add3A_99 {strides = array<i32>} : memref<14x128xi32, #tpu.memory_space<vmem>>, vector<16xi32>,
      %mul3A_102 = arith.constant 8 : i32
      %mul3A_103 = arith.muli %scan3A_55, %mul3A_102 : i32
      %add3A_104 = arith.constant 1 : i32
      %add3A_105 = arith.addi %mul3A_103, %add3A_104 : i32
      %jit3A_106 = arith.constant 16 : i32
      %div3A_107 = arith.divsi %add3A_105, %jit3A_106 : i32
      %sign3A_108 = arith.constant 0 : i32
      %sign3A_109 = arith.cmpi sgt, %add3A_105, %sign3A_108 : i32
      %sign3A_110 = arith.extui %sign3A_109 : i1 to i32
      %sign3A_111 = arith.constant 0 : i32
      %sign3A_112 = arith.cmpi slt, %add3A_105, %sign3A_111 : i32
      %sign3A_113 = arith.extui %sign3A_112 : i1 to i32
      %sign3A_114 = arith.subi %sign3A_110, %sign3A_113 : i32
      %sign3A_115 = arith.constant 0 : i32
      %sign3A_116 = arith.cmpi sgt, %jit3A_106, %sign3A_115 : i32
      %sign3A_117 = arith.extui %sign3A_116 : i1 to i32
      %sign3A_118 = arith.constant 0 : i32
      %sign3A_119 = arith.cmpi slt, %jit3A_106, %sign3A_118 : i32
      %sign3A_120 = arith.extui %sign3A_119 : i1 to i32
      %sign3A_121 = arith.subi %sign3A_117, %sign3A_120 : i32
      %ne3A_122 = arith.cmpi ne, %sign3A_114, %sign3A_121 : i32
      %rem3A_123 = arith.remsi %add3A_105, %jit3A_106 : i32
      %ne3A_124 = arith.constant 0 : i32
      %ne3A_125 = arith.cmpi ne, %rem3A_123, %ne3A_124 : i32
      %and3A_126 = arith.andi %ne3A_122, %ne3A_125 : i1
      %sub3A_127 = arith.constant 1 : i32
      %sub3A_128 = arith.subi %div3A_107, %sub3A_127 : i32
      %select_n3A_129 = arith.select %and3A_126, %sub3A_128, %div3A_107 : i32
      %jit3A_130 = arith.constant 16 : i32
      %eq3A_131 = arith.constant 0 : i32
      %eq3A_132 = arith.cmpi eq, %jit3A_130, %eq3A_131 : i32
      %jit3A_133 = arith.constant 1 : i32
      %select_n3A_134 = arith.select %eq3A_132, %jit3A_133, %jit3A_130 : i32
      %rem3A_135 = arith.remsi %add3A_105, %select_n3A_134 : i32
      %ne3A_136 = arith.constant 0 : i32
      %ne3A_137 = arith.cmpi ne, %rem3A_135, %ne3A_136 : i32
      %lt3A_138 = arith.constant 0 : i32
      %lt3A_139 = arith.cmpi slt, %rem3A_135, %lt3A_138 : i32
      %lt3A_140 = arith.constant 0 : i32
      %lt3A_141 = arith.cmpi slt, %select_n3A_134, %lt3A_140 : i32
      %ne3A_142 = arith.xori %lt3A_139, %lt3A_141 : i1
      %and3A_143 = arith.andi %ne3A_142, %ne3A_137 : i1
      %add3A_144 = arith.addi %rem3A_135, %select_n3A_134 : i32
      %select_n3A_145 = arith.select %and3A_143, %add3A_144, %rem3A_135 : i32
      %mul3A_146 = arith.constant 8 : i32
      %mul3A_147 = arith.muli %select_n3A_145, %mul3A_146 : i32
      %broadcast_in_dim3A_148 = vector.broadcast %select_n3A_129 : i32 to vector<16xi32>
      %add3A_149 = vector.broadcast %mul3A_147 : i32 to vector<16xi32>
      %add3A_150 = arith.addi %add3A_149, %and3A_12 : vector<16xi32>
      %gather3A_151 = tpu.vector_load_idx %arg9[%broadcast_in_dim3A_148, %add3A_150] : memref<7x128xi32, #tpu.memory_space<vmem>>[vector<16xi32>, vector<16xi32>], vector<16xi32>,
      %add3A_152 = arith.addi %gather3A_151, %select_n3A : vector<16xi32>
      %swap3A_153 = arith.index_cast %scan3A_55 : i32 to index
      %swap3A_154 = arith.constant 16 : index
      %swap3A_155 = tpu.vector_load %arg8[%swap3A_153, %swap3A_154] {strides = array<i32>} : memref<14x128xi32, #tpu.memory_space<vmem>>, vector<16xi32>,
      tpu.vector_store %arg8[%swap3A_153, %swap3A_154], %add3A_152 {strides = array<i32>} : memref<14x128xi32, #tpu.memory_space<vmem>>, vector<16xi32>,
      %mul3A_156 = arith.constant 8 : i32
      %mul3A_157 = arith.muli %scan3A_55, %mul3A_156 : i32
      %add3A_158 = arith.constant 2 : i32
      %add3A_159 = arith.addi %mul3A_157, %add3A_158 : i32
      %jit3A_160 = arith.constant 16 : i32
      %div3A_161 = arith.divsi %add3A_159, %jit3A_160 : i32
      %sign3A_162 = arith.constant 0 : i32
      %sign3A_163 = arith.cmpi sgt, %add3A_159, %sign3A_162 : i32
      %sign3A_164 = arith.extui %sign3A_163 : i1 to i32
      %sign3A_165 = arith.constant 0 : i32
      %sign3A_166 = arith.cmpi slt, %add3A_159, %sign3A_165 : i32
      %sign3A_167 = arith.extui %sign3A_166 : i1 to i32
      %sign3A_168 = arith.subi %sign3A_164, %sign3A_167 : i32
      %sign3A_169 = arith.constant 0 : i32
      %sign3A_170 = arith.cmpi sgt, %jit3A_160, %sign3A_169 : i32
      %sign3A_171 = arith.extui %sign3A_170 : i1 to i32
      %sign3A_172 = arith.constant 0 : i32
      %sign3A_173 = arith.cmpi slt, %jit3A_160, %sign3A_172 : i32
      %sign3A_174 = arith.extui %sign3A_173 : i1 to i32
      %sign3A_175 = arith.subi %sign3A_171, %sign3A_174 : i32
      %ne3A_176 = arith.cmpi ne, %sign3A_168, %sign3A_175 : i32
      %rem3A_177 = arith.remsi %add3A_159, %jit3A_160 : i32
      %ne3A_178 = arith.constant 0 : i32
      %ne3A_179 = arith.cmpi ne, %rem3A_177, %ne3A_178 : i32
      %and3A_180 = arith.andi %ne3A_176, %ne3A_179 : i1
      %sub3A_181 = arith.constant 1 : i32
      %sub3A_182 = arith.subi %div3A_161, %sub3A_181 : i32
      %select_n3A_183 = arith.select %and3A_180, %sub3A_182, %div3A_161 : i32
      %jit3A_184 = arith.constant 16 : i32
      %eq3A_185 = arith.constant 0 : i32
      %eq3A_186 = arith.cmpi eq, %jit3A_184, %eq3A_185 : i32
      %jit3A_187 = arith.constant 1 : i32
      %select_n3A_188 = arith.select %eq3A_186, %jit3A_187, %jit3A_184 : i32
      %rem3A_189 = arith.remsi %add3A_159, %select_n3A_188 : i32
      %ne3A_190 = arith.constant 0 : i32
      %ne3A_191 = arith.cmpi ne, %rem3A_189, %ne3A_190 : i32
      %lt3A_192 = arith.constant 0 : i32
      %lt3A_193 = arith.cmpi slt, %rem3A_189, %lt3A_192 : i32
      %lt3A_194 = arith.constant 0 : i32
      %lt3A_195 = arith.cmpi slt, %select_n3A_188, %lt3A_194 : i32
      %ne3A_196 = arith.xori %lt3A_193, %lt3A_195 : i1
      %and3A_197 = arith.andi %ne3A_196, %ne3A_191 : i1
      %add3A_198 = arith.addi %rem3A_189, %select_n3A_188 : i32
      %select_n3A_199 = arith.select %and3A_197, %add3A_198, %rem3A_189 : i32
      %mul3A_200 = arith.constant 8 : i32
      %mul3A_201 = arith.muli %select_n3A_199, %mul3A_200 : i32
      %broadcast_in_dim3A_202 = vector.broadcast %select_n3A_183 : i32 to vector<16xi32>
      %add3A_203 = vector.broadcast %mul3A_201 : i32 to vector<16xi32>
      %add3A_204 = arith.addi %add3A_203, %and3A_12 : vector<16xi32>
      %gather3A_205 = tpu.vector_load_idx %arg9[%broadcast_in_dim3A_202, %add3A_204] : memref<7x128xi32, #tpu.memory_space<vmem>>[vector<16xi32>, vector<16xi32>], vector<16xi32>,
      %add3A_206 = arith.addi %gather3A_205, %select_n3A : vector<16xi32>
      %swap3A_207 = arith.index_cast %scan3A_55 : i32 to index
      %swap3A_208 = arith.constant 32 : index
      %swap3A_209 = tpu.vector_load %arg8[%swap3A_207, %swap3A_208] {strides = array<i32>} : memref<14x128xi32, #tpu.memory_space<vmem>>, vector<16xi32>,
      tpu.vector_store %arg8[%swap3A_207, %swap3A_208], %add3A_206 {strides = array<i32>} : memref<14x128xi32, #tpu.memory_space<vmem>>, vector<16xi32>,
      %mul3A_210 = arith.constant 8 : i32
      %mul3A_211 = arith.muli %scan3A_55, %mul3A_210 : i32
      %add3A_212 = arith.constant 3 : i32
      %add3A_213 = arith.addi %mul3A_211, %add3A_212 : i32
      %jit3A_214 = arith.constant 16 : i32
      %div3A_215 = arith.divsi %add3A_213, %jit3A_214 : i32
      %sign3A_216 = arith.constant 0 : i32
      %sign3A_217 = arith.cmpi sgt, %add3A_213, %sign3A_216 : i32
      %sign3A_218 = arith.extui %sign3A_217 : i1 to i32
      %sign3A_219 = arith.constant 0 : i32
      %sign3A_220 = arith.cmpi slt, %add3A_213, %sign3A_219 : i32
      %sign3A_221 = arith.extui %sign3A_220 : i1 to i32
      %sign3A_222 = arith.subi %sign3A_218, %sign3A_221 : i32
      %sign3A_223 = arith.constant 0 : i32
      %sign3A_224 = arith.cmpi sgt, %jit3A_214, %sign3A_223 : i32
      %sign3A_225 = arith.extui %sign3A_224 : i1 to i32
      %sign3A_226 = arith.constant 0 : i32
      %sign3A_227 = arith.cmpi slt, %jit3A_214, %sign3A_226 : i32
      %sign3A_228 = arith.extui %sign3A_227 : i1 to i32
      %sign3A_229 = arith.subi %sign3A_225, %sign3A_228 : i32
      %ne3A_230 = arith.cmpi ne, %sign3A_222, %sign3A_229 : i32
      %rem3A_231 = arith.remsi %add3A_213, %jit3A_214 : i32
      %ne3A_232 = arith.constant 0 : i32
      %ne3A_233 = arith.cmpi ne, %rem3A_231, %ne3A_232 : i32
      %and3A_234 = arith.andi %ne3A_230, %ne3A_233 : i1
      %sub3A_235 = arith.constant 1 : i32
      %sub3A_236 = arith.subi %div3A_215, %sub3A_235 : i32
      %select_n3A_237 = arith.select %and3A_234, %sub3A_236, %div3A_215 : i32
      %jit3A_238 = arith.constant 16 : i32
      %eq3A_239 = arith.constant 0 : i32
      %eq3A_240 = arith.cmpi eq, %jit3A_238, %eq3A_239 : i32
      %jit3A_241 = arith.constant 1 : i32
      %select_n3A_242 = arith.select %eq3A_240, %jit3A_241, %jit3A_238 : i32
      %rem3A_243 = arith.remsi %add3A_213, %select_n3A_242 : i32
      %ne3A_244 = arith.constant 0 : i32
      %ne3A_245 = arith.cmpi ne, %rem3A_243, %ne3A_244 : i32
      %lt3A_246 = arith.constant 0 : i32
      %lt3A_247 = arith.cmpi slt, %rem3A_243, %lt3A_246 : i32
      %lt3A_248 = arith.constant 0 : i32
      %lt3A_249 = arith.cmpi slt, %select_n3A_242, %lt3A_248 : i32
      %ne3A_250 = arith.xori %lt3A_247, %lt3A_249 : i1
      %and3A_251 = arith.andi %ne3A_250, %ne3A_245 : i1
      %add3A_252 = arith.addi %rem3A_243, %select_n3A_242 : i32
      %select_n3A_253 = arith.select %and3A_251, %add3A_252, %rem3A_243 : i32
      %mul3A_254 = arith.constant 8 : i32
      %mul3A_255 = arith.muli %select_n3A_253, %mul3A_254 : i32
      %broadcast_in_dim3A_256 = vector.broadcast %select_n3A_237 : i32 to vector<16xi32>
      %add3A_257 = vector.broadcast %mul3A_255 : i32 to vector<16xi32>
      %add3A_258 = arith.addi %add3A_257, %and3A_12 : vector<16xi32>
      %gather3A_259 = tpu.vector_load_idx %arg9[%broadcast_in_dim3A_256, %add3A_258] : memref<7x128xi32, #tpu.memory_space<vmem>>[vector<16xi32>, vector<16xi32>], vector<16xi32>,
      %add3A_260 = arith.addi %gather3A_259, %select_n3A : vector<16xi32>
      %swap3A_261 = arith.index_cast %scan3A_55 : i32 to index
      %swap3A_262 = arith.constant 48 : index
      %swap3A_263 = tpu.vector_load %arg8[%swap3A_261, %swap3A_262] {strides = array<i32>} : memref<14x128xi32, #tpu.memory_space<vmem>>, vector<16xi32>,
      tpu.vector_store %arg8[%swap3A_261, %swap3A_262], %add3A_260 {strides = array<i32>} : memref<14x128xi32, #tpu.memory_space<vmem>>, vector<16xi32>,
      %mul3A_264 = arith.constant 8 : i32
      %mul3A_265 = arith.muli %scan3A_55, %mul3A_264 : i32
      %add3A_266 = arith.constant 4 : i32
      %add3A_267 = arith.addi %mul3A_265, %add3A_266 : i32
      %jit3A_268 = arith.constant 16 : i32
      %div3A_269 = arith.divsi %add3A_267, %jit3A_268 : i32
      %sign3A_270 = arith.constant 0 : i32
      %sign3A_271 = arith.cmpi sgt, %add3A_267, %sign3A_270 : i32
      %sign3A_272 = arith.extui %sign3A_271 : i1 to i32
      %sign3A_273 = arith.constant 0 : i32
      %sign3A_274 = arith.cmpi slt, %add3A_267, %sign3A_273 : i32
      %sign3A_275 = arith.extui %sign3A_274 : i1 to i32
      %sign3A_276 = arith.subi %sign3A_272, %sign3A_275 : i32
      %sign3A_277 = arith.constant 0 : i32
      %sign3A_278 = arith.cmpi sgt, %jit3A_268, %sign3A_277 : i32
      %sign3A_279 = arith.extui %sign3A_278 : i1 to i32
      %sign3A_280 = arith.constant 0 : i32
      %sign3A_281 = arith.cmpi slt, %jit3A_268, %sign3A_280 : i32
      %sign3A_282 = arith.extui %sign3A_281 : i1 to i32
      %sign3A_283 = arith.subi %sign3A_279, %sign3A_282 : i32
      %ne3A_284 = arith.cmpi ne, %sign3A_276, %sign3A_283 : i32
      %rem3A_285 = arith.remsi %add3A_267, %jit3A_268 : i32
      %ne3A_286 = arith.constant 0 : i32
      %ne3A_287 = arith.cmpi ne, %rem3A_285, %ne3A_286 : i32
      %and3A_288 = arith.andi %ne3A_284, %ne3A_287 : i1
      %sub3A_289 = arith.constant 1 : i32
      %sub3A_290 = arith.subi %div3A_269, %sub3A_289 : i32
      %select_n3A_291 = arith.select %and3A_288, %sub3A_290, %div3A_269 : i32
      %jit3A_292 = arith.constant 16 : i32
      %eq3A_293 = arith.constant 0 : i32
      %eq3A_294 = arith.cmpi eq, %jit3A_292, %eq3A_293 : i32
      %jit3A_295 = arith.constant 1 : i32
      %select_n3A_296 = arith.select %eq3A_294, %jit3A_295, %jit3A_292 : i32
      %rem3A_297 = arith.remsi %add3A_267, %select_n3A_296 : i32
      %ne3A_298 = arith.constant 0 : i32
      %ne3A_299 = arith.cmpi ne, %rem3A_297, %ne3A_298 : i32
      %lt3A_300 = arith.constant 0 : i32
      %lt3A_301 = arith.cmpi slt, %rem3A_297, %lt3A_300 : i32
      %lt3A_302 = arith.constant 0 : i32
      %lt3A_303 = arith.cmpi slt, %select_n3A_296, %lt3A_302 : i32
      %ne3A_304 = arith.xori %lt3A_301, %lt3A_303 : i1
      %and3A_305 = arith.andi %ne3A_304, %ne3A_299 : i1
      %add3A_306 = arith.addi %rem3A_297, %select_n3A_296 : i32
      %select_n3A_307 = arith.select %and3A_305, %add3A_306, %rem3A_297 : i32
      %mul3A_308 = arith.constant 8 : i32
      %mul3A_309 = arith.muli %select_n3A_307, %mul3A_308 : i32
      %broadcast_in_dim3A_310 = vector.broadcast %select_n3A_291 : i32 to vector<16xi32>
      %add3A_311 = vector.broadcast %mul3A_309 : i32 to vector<16xi32>
      %add3A_312 = arith.addi %add3A_311, %and3A_12 : vector<16xi32>
      %gather3A_313 = tpu.vector_load_idx %arg9[%broadcast_in_dim3A_310, %add3A_312] : memref<7x128xi32, #tpu.memory_space<vmem>>[vector<16xi32>, vector<16xi32>], vector<16xi32>,
      %add3A_314 = arith.addi %gather3A_313, %select_n3A : vector<16xi32>
      %swap3A_315 = arith.index_cast %scan3A_55 : i32 to index
      %swap3A_316 = arith.constant 64 : index
      %swap3A_317 = tpu.vector_load %arg8[%swap3A_315, %swap3A_316] {strides = array<i32>} : memref<14x128xi32, #tpu.memory_space<vmem>>, vector<16xi32>,
      tpu.vector_store %arg8[%swap3A_315, %swap3A_316], %add3A_314 {strides = array<i32>} : memref<14x128xi32, #tpu.memory_space<vmem>>, vector<16xi32>,
      %mul3A_318 = arith.constant 8 : i32
      %mul3A_319 = arith.muli %scan3A_55, %mul3A_318 : i32
      %add3A_320 = arith.constant 5 : i32
      %add3A_321 = arith.addi %mul3A_319, %add3A_320 : i32
      %jit3A_322 = arith.constant 16 : i32
      %div3A_323 = arith.divsi %add3A_321, %jit3A_322 : i32
      %sign3A_324 = arith.constant 0 : i32
      %sign3A_325 = arith.cmpi sgt, %add3A_321, %sign3A_324 : i32
      %sign3A_326 = arith.extui %sign3A_325 : i1 to i32
      %sign3A_327 = arith.constant 0 : i32
      %sign3A_328 = arith.cmpi slt, %add3A_321, %sign3A_327 : i32
      %sign3A_329 = arith.extui %sign3A_328 : i1 to i32
      %sign3A_330 = arith.subi %sign3A_326, %sign3A_329 : i32
      %sign3A_331 = arith.constant 0 : i32
      %sign3A_332 = arith.cmpi sgt, %jit3A_322, %sign3A_331 : i32
      %sign3A_333 = arith.extui %sign3A_332 : i1 to i32
      %sign3A_334 = arith.constant 0 : i32
      %sign3A_335 = arith.cmpi slt, %jit3A_322, %sign3A_334 : i32
      %sign3A_336 = arith.extui %sign3A_335 : i1 to i32
      %sign3A_337 = arith.subi %sign3A_333, %sign3A_336 : i32
      %ne3A_338 = arith.cmpi ne, %sign3A_330, %sign3A_337 : i32
      %rem3A_339 = arith.remsi %add3A_321, %jit3A_322 : i32
      %ne3A_340 = arith.constant 0 : i32
      %ne3A_341 = arith.cmpi ne, %rem3A_339, %ne3A_340 : i32
      %and3A_342 = arith.andi %ne3A_338, %ne3A_341 : i1
      %sub3A_343 = arith.constant 1 : i32
      %sub3A_344 = arith.subi %div3A_323, %sub3A_343 : i32
      %select_n3A_345 = arith.select %and3A_342, %sub3A_344, %div3A_323 : i32
      %jit3A_346 = arith.constant 16 : i32
      %eq3A_347 = arith.constant 0 : i32
      %eq3A_348 = arith.cmpi eq, %jit3A_346, %eq3A_347 : i32
      %jit3A_349 = arith.constant 1 : i32
      %select_n3A_350 = arith.select %eq3A_348, %jit3A_349, %jit3A_346 : i32
      %rem3A_351 = arith.remsi %add3A_321, %select_n3A_350 : i32
      %ne3A_352 = arith.constant 0 : i32
      %ne3A_353 = arith.cmpi ne, %rem3A_351, %ne3A_352 : i32
      %lt3A_354 = arith.constant 0 : i32
      %lt3A_355 = arith.cmpi slt, %rem3A_351, %lt3A_354 : i32
      %lt3A_356 = arith.constant 0 : i32
      %lt3A_357 = arith.cmpi slt, %select_n3A_350, %lt3A_356 : i32
      %ne3A_358 = arith.xori %lt3A_355, %lt3A_357 : i1
      %and3A_359 = arith.andi %ne3A_358, %ne3A_353 : i1
      %add3A_360 = arith.addi %rem3A_351, %select_n3A_350 : i32
      %select_n3A_361 = arith.select %and3A_359, %add3A_360, %rem3A_351 : i32
      %mul3A_362 = arith.constant 8 : i32
      %mul3A_363 = arith.muli %select_n3A_361, %mul3A_362 : i32
      %broadcast_in_dim3A_364 = vector.broadcast %select_n3A_345 : i32 to vector<16xi32>
      %add3A_365 = vector.broadcast %mul3A_363 : i32 to vector<16xi32>
      %add3A_366 = arith.addi %add3A_365, %and3A_12 : vector<16xi32>
      %gather3A_367 = tpu.vector_load_idx %arg9[%broadcast_in_dim3A_364, %add3A_366] : memref<7x128xi32, #tpu.memory_space<vmem>>[vector<16xi32>, vector<16xi32>], vector<16xi32>,
      %add3A_368 = arith.addi %gather3A_367, %select_n3A : vector<16xi32>
      %swap3A_369 = arith.index_cast %scan3A_55 : i32 to index
      %swap3A_370 = arith.constant 80 : index
      %swap3A_371 = tpu.vector_load %arg8[%swap3A_369, %swap3A_370] {strides = array<i32>} : memref<14x128xi32, #tpu.memory_space<vmem>>, vector<16xi32>,
      tpu.vector_store %arg8[%swap3A_369, %swap3A_370], %add3A_368 {strides = array<i32>} : memref<14x128xi32, #tpu.memory_space<vmem>>, vector<16xi32>,
      %mul3A_372 = arith.constant 8 : i32
      %mul3A_373 = arith.muli %scan3A_55, %mul3A_372 : i32
      %add3A_374 = arith.constant 6 : i32
      %add3A_375 = arith.addi %mul3A_373, %add3A_374 : i32
      %jit3A_376 = arith.constant 16 : i32
      %div3A_377 = arith.divsi %add3A_375, %jit3A_376 : i32
      %sign3A_378 = arith.constant 0 : i32
      %sign3A_379 = arith.cmpi sgt, %add3A_375, %sign3A_378 : i32
      %sign3A_380 = arith.extui %sign3A_379 : i1 to i32
      %sign3A_381 = arith.constant 0 : i32
      %sign3A_382 = arith.cmpi slt, %add3A_375, %sign3A_381 : i32
      %sign3A_383 = arith.extui %sign3A_382 : i1 to i32
      %sign3A_384 = arith.subi %sign3A_380, %sign3A_383 : i32
      %sign3A_385 = arith.constant 0 : i32
      %sign3A_386 = arith.cmpi sgt, %jit3A_376, %sign3A_385 : i32
      %sign3A_387 = arith.extui %sign3A_386 : i1 to i32
      %sign3A_388 = arith.constant 0 : i32
      %sign3A_389 = arith.cmpi slt, %jit3A_376, %sign3A_388 : i32
      %sign3A_390 = arith.extui %sign3A_389 : i1 to i32
      %sign3A_391 = arith.subi %sign3A_387, %sign3A_390 : i32
      %ne3A_392 = arith.cmpi ne, %sign3A_384, %sign3A_391 : i32
      %rem3A_393 = arith.remsi %add3A_375, %jit3A_376 : i32
      %ne3A_394 = arith.constant 0 : i32
      %ne3A_395 = arith.cmpi ne, %rem3A_393, %ne3A_394 : i32
      %and3A_396 = arith.andi %ne3A_392, %ne3A_395 : i1
      %sub3A_397 = arith.constant 1 : i32
      %sub3A_398 = arith.subi %div3A_377, %sub3A_397 : i32
      %select_n3A_399 = arith.select %and3A_396, %sub3A_398, %div3A_377 : i32
      %jit3A_400 = arith.constant 16 : i32
      %eq3A_401 = arith.constant 0 : i32
      %eq3A_402 = arith.cmpi eq, %jit3A_400, %eq3A_401 : i32
      %jit3A_403 = arith.constant 1 : i32
      %select_n3A_404 = arith.select %eq3A_402, %jit3A_403, %jit3A_400 : i32
      %rem3A_405 = arith.remsi %add3A_375, %select_n3A_404 : i32
      %ne3A_406 = arith.constant 0 : i32
      %ne3A_407 = arith.cmpi ne, %rem3A_405, %ne3A_406 : i32
      %lt3A_408 = arith.constant 0 : i32
      %lt3A_409 = arith.cmpi slt, %rem3A_405, %lt3A_408 : i32
      %lt3A_410 = arith.constant 0 : i32
      %lt3A_411 = arith.cmpi slt, %select_n3A_404, %lt3A_410 : i32
      %ne3A_412 = arith.xori %lt3A_409, %lt3A_411 : i1
      %and3A_413 = arith.andi %ne3A_412, %ne3A_407 : i1
      %add3A_414 = arith.addi %rem3A_405, %select_n3A_404 : i32
      %select_n3A_415 = arith.select %and3A_413, %add3A_414, %rem3A_405 : i32
      %mul3A_416 = arith.constant 8 : i32
      %mul3A_417 = arith.muli %select_n3A_415, %mul3A_416 : i32
      %broadcast_in_dim3A_418 = vector.broadcast %select_n3A_399 : i32 to vector<16xi32>
      %add3A_419 = vector.broadcast %mul3A_417 : i32 to vector<16xi32>
      %add3A_420 = arith.addi %add3A_419, %and3A_12 : vector<16xi32>
      %gather3A_421 = tpu.vector_load_idx %arg9[%broadcast_in_dim3A_418, %add3A_420] : memref<7x128xi32, #tpu.memory_space<vmem>>[vector<16xi32>, vector<16xi32>], vector<16xi32>,
      %add3A_422 = arith.addi %gather3A_421, %select_n3A : vector<16xi32>
      %swap3A_423 = arith.index_cast %scan3A_55 : i32 to index
      %swap3A_424 = arith.constant 96 : index
      %swap3A_425 = tpu.vector_load %arg8[%swap3A_423, %swap3A_424] {strides = array<i32>} : memref<14x128xi32, #tpu.memory_space<vmem>>, vector<16xi32>,
      tpu.vector_store %arg8[%swap3A_423, %swap3A_424], %add3A_422 {strides = array<i32>} : memref<14x128xi32, #tpu.memory_space<vmem>>, vector<16xi32>,
      %mul3A_426 = arith.constant 8 : i32
      %mul3A_427 = arith.muli %scan3A_55, %mul3A_426 : i32
      %add3A_428 = arith.constant 7 : i32
      %add3A_429 = arith.addi %mul3A_427, %add3A_428 : i32
      %jit3A_430 = arith.constant 16 : i32
      %div3A_431 = arith.divsi %add3A_429, %jit3A_430 : i32
      %sign3A_432 = arith.constant 0 : i32
      %sign3A_433 = arith.cmpi sgt, %add3A_429, %sign3A_432 : i32
      %sign3A_434 = arith.extui %sign3A_433 : i1 to i32
      %sign3A_435 = arith.constant 0 : i32
      %sign3A_436 = arith.cmpi slt, %add3A_429, %sign3A_435 : i32
      %sign3A_437 = arith.extui %sign3A_436 : i1 to i32
      %sign3A_438 = arith.subi %sign3A_434, %sign3A_437 : i32
      %sign3A_439 = arith.constant 0 : i32
      %sign3A_440 = arith.cmpi sgt, %jit3A_430, %sign3A_439 : i32
      %sign3A_441 = arith.extui %sign3A_440 : i1 to i32
      %sign3A_442 = arith.constant 0 : i32
      %sign3A_443 = arith.cmpi slt, %jit3A_430, %sign3A_442 : i32
      %sign3A_444 = arith.extui %sign3A_443 : i1 to i32
      %sign3A_445 = arith.subi %sign3A_441, %sign3A_444 : i32
      %ne3A_446 = arith.cmpi ne, %sign3A_438, %sign3A_445 : i32
      %rem3A_447 = arith.remsi %add3A_429, %jit3A_430 : i32
      %ne3A_448 = arith.constant 0 : i32
      %ne3A_449 = arith.cmpi ne, %rem3A_447, %ne3A_448 : i32
      %and3A_450 = arith.andi %ne3A_446, %ne3A_449 : i1
      %sub3A_451 = arith.constant 1 : i32
      %sub3A_452 = arith.subi %div3A_431, %sub3A_451 : i32
      %select_n3A_453 = arith.select %and3A_450, %sub3A_452, %div3A_431 : i32
      %jit3A_454 = arith.constant 16 : i32
      %eq3A_455 = arith.constant 0 : i32
      %eq3A_456 = arith.cmpi eq, %jit3A_454, %eq3A_455 : i32
      %jit3A_457 = arith.constant 1 : i32
      %select_n3A_458 = arith.select %eq3A_456, %jit3A_457, %jit3A_454 : i32
      %rem3A_459 = arith.remsi %add3A_429, %select_n3A_458 : i32
      %ne3A_460 = arith.constant 0 : i32
      %ne3A_461 = arith.cmpi ne, %rem3A_459, %ne3A_460 : i32
      %lt3A_462 = arith.constant 0 : i32
      %lt3A_463 = arith.cmpi slt, %rem3A_459, %lt3A_462 : i32
      %lt3A_464 = arith.constant 0 : i32
      %lt3A_465 = arith.cmpi slt, %select_n3A_458, %lt3A_464 : i32
      %ne3A_466 = arith.xori %lt3A_463, %lt3A_465 : i1
      %and3A_467 = arith.andi %ne3A_466, %ne3A_461 : i1
      %add3A_468 = arith.addi %rem3A_459, %select_n3A_458 : i32
      %select_n3A_469 = arith.select %and3A_467, %add3A_468, %rem3A_459 : i32
      %mul3A_470 = arith.constant 8 : i32
      %mul3A_471 = arith.muli %select_n3A_469, %mul3A_470 : i32
      %broadcast_in_dim3A_472 = vector.broadcast %select_n3A_453 : i32 to vector<16xi32>
      %add3A_473 = vector.broadcast %mul3A_471 : i32 to vector<16xi32>
      %add3A_474 = arith.addi %add3A_473, %and3A_12 : vector<16xi32>
      %gather3A_475 = tpu.vector_load_idx %arg9[%broadcast_in_dim3A_472, %add3A_474] : memref<7x128xi32, #tpu.memory_space<vmem>>[vector<16xi32>, vector<16xi32>], vector<16xi32>,
      %add3A_476 = arith.addi %gather3A_475, %select_n3A : vector<16xi32>
      %swap3A_477 = arith.index_cast %scan3A_55 : i32 to index
      %swap3A_478 = arith.constant 112 : index
      %swap3A_479 = tpu.vector_load %arg8[%swap3A_477, %swap3A_478] {strides = array<i32>} : memref<14x128xi32, #tpu.memory_space<vmem>>, vector<16xi32>,
      tpu.vector_store %arg8[%swap3A_477, %swap3A_478], %add3A_476 {strides = array<i32>} : memref<14x128xi32, #tpu.memory_space<vmem>>, vector<16xi32>,
    }
    %scan3A_23 = arith.constant 14 : i32
    %barrier3A = arith.constant 0 : index
    tpu.barrier barrier_id(%barrier3A)
    %scan3A_24 = arith.constant 0 : i32
    %scan3A_25 = arith.constant 0 : i32
    %scan3A_26 = arith.constant 7 : i32
    %scan3A_27 = arith.addi %scan3A_25, %scan3A_26 : i32
    %scan3A_28 = arith.constant 1 : i32
    scf.for %scan3A_55 = %scan3A_25 to %scan3A_27 step %scan3A_28  : i32 {
      "tpu.region"() ({
        %run_scoped3A_56 = tpu.sem_alloc : memref<!tpu.dma_semaphore, #tpu.memory_space<semaphore_mem>>
        %dma_start3A_57 = arith.constant 0 : i32
        %dma_start3A_58 = tpu.memref_slice %arg9[%scan3A_55, %dma_start3A_57] : memref<7x128xi32, #tpu.memory_space<vmem>> -> memref<1x128xi32, #tpu.memory_space<vmem>>
        %dma_start3A_59 = tpu.memref_squeeze %dma_start3A_58 : memref<1x128xi32, #tpu.memory_space<vmem>> -> memref<128xi32, #tpu.memory_space<vmem>>
        %dma_start3A_60 = arith.constant 0 : i32
        %dma_start3A_61 = arith.constant 0 : i32
        %dma_start3A_62 = tpu.memref_slice %arg12[%dma_start3A_60, %dma_start3A_61] : memref<40x16xf32, #tpu.memory_space<vmem_shared>> -> memref<40x16xf32, #tpu.memory_space<vmem_shared>>
        tpu.enqueue_indirect_dma source(%arg10 : memref<128x16xf32, #tpu.memory_space<vmem>>) target(%dma_start3A_62 : memref<40x16xf32, #tpu.memory_space<vmem_shared>>) offsets(%dma_start3A_59 : memref<128xi32, #tpu.memory_space<vmem>>) semaphore(%run_scoped3A_56 : memref<!tpu.dma_semaphore, #tpu.memory_space<semaphore_mem>>) {add = true}
        %dma_wait3A_63 = arith.constant 0 : i32
        %dma_wait3A_64 = tpu.memref_slice %arg9[%scan3A_55, %dma_wait3A_63] : memref<7x128xi32, #tpu.memory_space<vmem>> -> memref<1x128xi32, #tpu.memory_space<vmem>>
        %dma_wait3A_65 = tpu.memref_squeeze %dma_wait3A_64 : memref<1x128xi32, #tpu.memory_space<vmem>> -> memref<128xi32, #tpu.memory_space<vmem>>
        %dma_wait3A_66 = arith.constant 0 : i32
        %dma_wait3A_67 = arith.constant 0 : i32
        %dma_wait3A_68 = tpu.memref_slice %arg12[%dma_wait3A_66, %dma_wait3A_67] : memref<40x16xf32, #tpu.memory_space<vmem_shared>> -> memref<40x16xf32, #tpu.memory_space<vmem_shared>>
        tpu.wait_indirect_dma semaphore(%run_scoped3A_56 : memref<!tpu.dma_semaphore, #tpu.memory_space<semaphore_mem>>) src(%arg10 : memref<128x16xf32, #tpu.memory_space<vmem>>) dst(%dma_wait3A_68 : memref<40x16xf32, #tpu.memory_space<vmem_shared>>)
        tpu.yield
      }) : () -> ()
    }
    %scan3A_29 = arith.constant 7 : i32
    %mul3A_30 = arith.constant 1792 : i32
    %mul3A_31 = arith.muli %add3A, %mul3A_30 : i32
    %add3A_32 = arith.constant 0 : i32
    %add3A_33 = arith.addi %mul3A_31, %add3A_32 : i32
    %dma_start3A = arith.constant 0 : i32
    %dma_start3A_34 = tpu.memref_slice %arg2[%add3A_33, %dma_start3A] : memref<131072x128xf32, #tpu.memory_space<hbm>> -> memref<256x128xf32, #tpu.memory_space<hbm>>
    %dma_start3A_35 = arith.constant 0 : i32
    %dma_start3A_36 = tpu.memref_slice %arg2[%add3A_33, %dma_start3A_35] : memref<131072x128xf32, #tpu.memory_space<hbm>> -> memref<256x128xf32, #tpu.memory_space<hbm>>
    tpu.enqueue_dma source(%dma_start3A_36 : memref<256x128xf32, #tpu.memory_space<hbm>>) target(%arg6 : memref<256x128xf32, #tpu.memory_space<vmem>>) target_semaphore(%arg13 : memref<!tpu.dma_semaphore, #tpu.memory_space<semaphore_mem>>)
    %scan3A_37 = arith.constant 0 : i32
    %scan3A_38 = arith.constant 0 : i32
    %scan3A_39 = arith.constant 3 : i32
    %scan3A_40 = arith.addi %scan3A_38, %scan3A_39 : i32
    %scan3A_41 = arith.constant 1 : i32
    scf.for %scan3A_55 = %scan3A_38 to %scan3A_40 step %scan3A_41  : i32 {
      %mul3A_56 = arith.constant 2 : i32
      %mul3A_57 = arith.muli %mul3A_56, %scan3A_55 : i32
      %mul3A_58 = arith.constant 256 : i32
      %mul3A_59 = arith.muli %mul3A_57, %mul3A_58 : i32
      %add3A_60 = arith.addi %mul3A_31, %mul3A_59 : i32
      %dma_wait3A_61 = arith.constant 0 : i32
      %dma_wait3A_62 = tpu.memref_slice %arg2[%add3A_60, %dma_wait3A_61] : memref<131072x128xf32, #tpu.memory_space<hbm>> -> memref<256x128xf32, #tpu.memory_space<hbm>>
      %dma_wait3A_63 = arith.constant 0 : i32
      %dma_wait3A_64 = tpu.memref_slice %arg2[%add3A_60, %dma_wait3A_63] : memref<131072x128xf32, #tpu.memory_space<hbm>> -> memref<256x128xf32, #tpu.memory_space<hbm>>
      tpu.wait_dma2 semaphore(%arg13 : memref<!tpu.dma_semaphore, #tpu.memory_space<semaphore_mem>>) src(%dma_wait3A_64 : memref<256x128xf32, #tpu.memory_space<hbm>>) dst(%arg6 : memref<256x128xf32, #tpu.memory_space<vmem>>)
      %add3A_65 = arith.constant 1 : i32
      %add3A_66 = arith.addi %mul3A_57, %add3A_65 : i32
      %mul3A_67 = arith.constant 256 : i32
      %mul3A_68 = arith.muli %add3A_66, %mul3A_67 : i32
      %add3A_69 = arith.addi %mul3A_31, %mul3A_68 : i32
      %dma_start3A_70 = arith.constant 0 : i32
      %dma_start3A_71 = tpu.memref_slice %arg2[%add3A_69, %dma_start3A_70] : memref<131072x128xf32, #tpu.memory_space<hbm>> -> memref<256x128xf32, #tpu.memory_space<hbm>>
      %dma_start3A_72 = arith.constant 0 : i32
      %dma_start3A_73 = tpu.memref_slice %arg2[%add3A_69, %dma_start3A_72] : memref<131072x128xf32, #tpu.memory_space<hbm>> -> memref<256x128xf32, #tpu.memory_space<hbm>>
      tpu.enqueue_dma source(%dma_start3A_73 : memref<256x128xf32, #tpu.memory_space<hbm>>) target(%arg7 : memref<256x128xf32, #tpu.memory_space<vmem>>) target_semaphore(%arg13 : memref<!tpu.dma_semaphore, #tpu.memory_space<semaphore_mem>>)
      %mul3A_74 = arith.constant 2 : i32
      %mul3A_75 = arith.muli %mul3A_74, %mul3A_57 : i32
      "tpu.region"() ({
        %run_scoped3A_103 = tpu.sem_alloc : memref<!tpu.dma_semaphore, #tpu.memory_space<semaphore_mem>>
        %dma_start3A_104 = arith.constant 0 : i32
        %dma_start3A_105 = arith.constant 0 : i32
        %dma_start3A_106 = tpu.memref_slice %arg6[%dma_start3A_104, %dma_start3A_105] : memref<256x128xf32, #tpu.memory_space<vmem>> -> memref<128x128xf32, #tpu.memory_space<vmem>>
        %dma_start3A_107 = arith.constant 0 : i32
        %dma_start3A_108 = tpu.memref_slice %arg8[%mul3A_75, %dma_start3A_107] : memref<14x128xi32, #tpu.memory_space<vmem>> -> memref<1x128xi32, #tpu.memory_space<vmem>>
        %dma_start3A_109 = tpu.memref_squeeze %dma_start3A_108 : memref<1x128xi32, #tpu.memory_space<vmem>> -> memref<128xi32, #tpu.memory_space<vmem>>
        %dma_start3A_110 = arith.constant 0 : i32
        %dma_start3A_111 = arith.constant 0 : i32
        %dma_start3A_112 = tpu.memref_slice %arg11[%dma_start3A_110, %dma_start3A_111] : memref<80x128xf32, #tpu.memory_space<vmem_shared>> -> memref<80x128xf32, #tpu.memory_space<vmem_shared>>
        tpu.enqueue_indirect_dma source(%dma_start3A_106 : memref<128x128xf32, #tpu.memory_space<vmem>>) target(%dma_start3A_112 : memref<80x128xf32, #tpu.memory_space<vmem_shared>>) offsets(%dma_start3A_109 : memref<128xi32, #tpu.memory_space<vmem>>) semaphore(%run_scoped3A_103 : memref<!tpu.dma_semaphore, #tpu.memory_space<semaphore_mem>>) {add = true}
        %dma_wait3A_113 = arith.constant 0 : i32
        %dma_wait3A_114 = arith.constant 0 : i32
        %dma_wait3A_115 = tpu.memref_slice %arg6[%dma_wait3A_113, %dma_wait3A_114] : memref<256x128xf32, #tpu.memory_space<vmem>> -> memref<128x128xf32, #tpu.memory_space<vmem>>
        %dma_wait3A_116 = arith.constant 0 : i32
        %dma_wait3A_117 = tpu.memref_slice %arg8[%mul3A_75, %dma_wait3A_116] : memref<14x128xi32, #tpu.memory_space<vmem>> -> memref<1x128xi32, #tpu.memory_space<vmem>>
        %dma_wait3A_118 = tpu.memref_squeeze %dma_wait3A_117 : memref<1x128xi32, #tpu.memory_space<vmem>> -> memref<128xi32, #tpu.memory_space<vmem>>
        %dma_wait3A_119 = arith.constant 0 : i32
        %dma_wait3A_120 = arith.constant 0 : i32
        %dma_wait3A_121 = tpu.memref_slice %arg11[%dma_wait3A_119, %dma_wait3A_120] : memref<80x128xf32, #tpu.memory_space<vmem_shared>> -> memref<80x128xf32, #tpu.memory_space<vmem_shared>>
        tpu.wait_indirect_dma semaphore(%run_scoped3A_103 : memref<!tpu.dma_semaphore, #tpu.memory_space<semaphore_mem>>) src(%dma_wait3A_115 : memref<128x128xf32, #tpu.memory_space<vmem>>) dst(%dma_wait3A_121 : memref<80x128xf32, #tpu.memory_space<vmem_shared>>)
        tpu.yield
      }) : () -> ()
      %mul3A_76 = arith.constant 2 : i32
      %mul3A_77 = arith.muli %mul3A_76, %mul3A_57 : i32
      %add3A_78 = arith.constant 1 : i32
      %add3A_79 = arith.addi %mul3A_77, %add3A_78 : i32
      "tpu.region"() ({
        %run_scoped3A_103 = tpu.sem_alloc : memref<!tpu.dma_semaphore, #tpu.memory_space<semaphore_mem>>
        %dma_start3A_104 = arith.constant 128 : i32
        %dma_start3A_105 = arith.constant 0 : i32
        %dma_start3A_106 = tpu.memref_slice %arg6[%dma_start3A_104, %dma_start3A_105] : memref<256x128xf32, #tpu.memory_space<vmem>> -> memref<128x128xf32, #tpu.memory_space<vmem>>
        %dma_start3A_107 = arith.constant 0 : i32
        %dma_start3A_108 = tpu.memref_slice %arg8[%add3A_79, %dma_start3A_107] : memref<14x128xi32, #tpu.memory_space<vmem>> -> memref<1x128xi32, #tpu.memory_space<vmem>>
        %dma_start3A_109 = tpu.memref_squeeze %dma_start3A_108 : memref<1x128xi32, #tpu.memory_space<vmem>> -> memref<128xi32, #tpu.memory_space<vmem>>
        %dma_start3A_110 = arith.constant 0 : i32
        %dma_start3A_111 = arith.constant 0 : i32
        %dma_start3A_112 = tpu.memref_slice %arg11[%dma_start3A_110, %dma_start3A_111] : memref<80x128xf32, #tpu.memory_space<vmem_shared>> -> memref<80x128xf32, #tpu.memory_space<vmem_shared>>
        tpu.enqueue_indirect_dma source(%dma_start3A_106 : memref<128x128xf32, #tpu.memory_space<vmem>>) target(%dma_start3A_112 : memref<80x128xf32, #tpu.memory_space<vmem_shared>>) offsets(%dma_start3A_109 : memref<128xi32, #tpu.memory_space<vmem>>) semaphore(%run_scoped3A_103 : memref<!tpu.dma_semaphore, #tpu.memory_space<semaphore_mem>>) {add = true}
        %dma_wait3A_113 = arith.constant 128 : i32
        %dma_wait3A_114 = arith.constant 0 : i32
        %dma_wait3A_115 = tpu.memref_slice %arg6[%dma_wait3A_113, %dma_wait3A_114] : memref<256x128xf32, #tpu.memory_space<vmem>> -> memref<128x128xf32, #tpu.memory_space<vmem>>
        %dma_wait3A_116 = arith.constant 0 : i32
        %dma_wait3A_117 = tpu.memref_slice %arg8[%add3A_79, %dma_wait3A_116] : memref<14x128xi32, #tpu.memory_space<vmem>> -> memref<1x128xi32, #tpu.memory_space<vmem>>
        %dma_wait3A_118 = tpu.memref_squeeze %dma_wait3A_117 : memref<1x128xi32, #tpu.memory_space<vmem>> -> memref<128xi32, #tpu.memory_space<vmem>>
        %dma_wait3A_119 = arith.constant 0 : i32
        %dma_wait3A_120 = arith.constant 0 : i32
        %dma_wait3A_121 = tpu.memref_slice %arg11[%dma_wait3A_119, %dma_wait3A_120] : memref<80x128xf32, #tpu.memory_space<vmem_shared>> -> memref<80x128xf32, #tpu.memory_space<vmem_shared>>
        tpu.wait_indirect_dma semaphore(%run_scoped3A_103 : memref<!tpu.dma_semaphore, #tpu.memory_space<semaphore_mem>>) src(%dma_wait3A_115 : memref<128x128xf32, #tpu.memory_space<vmem>>) dst(%dma_wait3A_121 : memref<80x128xf32, #tpu.memory_space<vmem_shared>>)
        tpu.yield
      }) : () -> ()
      %add3A_80 = arith.constant 1 : i32
      %add3A_81 = arith.addi %mul3A_57, %add3A_80 : i32
      %mul3A_82 = arith.constant 256 : i32
      %mul3A_83 = arith.muli %add3A_81, %mul3A_82 : i32
      %add3A_84 = arith.addi %mul3A_31, %mul3A_83 : i32
      %dma_wait3A_85 = arith.constant 0 : i32
      %dma_wait3A_86 = tpu.memref_slice %arg2[%add3A_84, %dma_wait3A_85] : memref<131072x128xf32, #tpu.memory_space<hbm>> -> memref<256x128xf32, #tpu.memory_space<hbm>>
      %dma_wait3A_87 = arith.constant 0 : i32
      %dma_wait3A_88 = tpu.memref_slice %arg2[%add3A_84, %dma_wait3A_87] : memref<131072x128xf32, #tpu.memory_space<hbm>> -> memref<256x128xf32, #tpu.memory_space<hbm>>
      tpu.wait_dma2 semaphore(%arg13 : memref<!tpu.dma_semaphore, #tpu.memory_space<semaphore_mem>>) src(%dma_wait3A_88 : memref<256x128xf32, #tpu.memory_space<hbm>>) dst(%arg7 : memref<256x128xf32, #tpu.memory_space<vmem>>)
      %add3A_89 = arith.constant 2 : i32
      %add3A_90 = arith.addi %mul3A_57, %add3A_89 : i32
      %lt3A = arith.constant 7 : i32
      %lt3A_91 = arith.cmpi slt, %add3A_90, %lt3A : i32
      %convert_element_type3A_92 = arith.extui %lt3A_91 : i1 to i32
      %cond3A_93 = arith.constant 0 : i32
      %cond3A_94 = arith.cmpi ne, %convert_element_type3A_92, %cond3A_93 : i32
      scf.if %cond3A_94 {
        %add3A_103 = arith.constant 2 : i32
        %add3A_104 = arith.addi %mul3A_57, %add3A_103 : i32
        %mul3A_105 = arith.constant 256 : i32
        %mul3A_106 = arith.muli %add3A_104, %mul3A_105 : i32
        %add3A_107 = arith.addi %mul3A_31, %mul3A_106 : i32
        %dma_start3A_108 = arith.constant 0 : i32
        %dma_start3A_109 = tpu.memref_slice %arg2[%add3A_107, %dma_start3A_108] : memref<131072x128xf32, #tpu.memory_space<hbm>> -> memref<256x128xf32, #tpu.memory_space<hbm>>
        %dma_start3A_110 = arith.constant 0 : i32
        %dma_start3A_111 = tpu.memref_slice %arg2[%add3A_107, %dma_start3A_110] : memref<131072x128xf32, #tpu.memory_space<hbm>> -> memref<256x128xf32, #tpu.memory_space<hbm>>
        tpu.enqueue_dma source(%dma_start3A_111 : memref<256x128xf32, #tpu.memory_space<hbm>>) target(%arg6 : memref<256x128xf32, #tpu.memory_space<vmem>>) target_semaphore(%arg13 : memref<!tpu.dma_semaphore, #tpu.memory_space<semaphore_mem>>)
      } else {
      }
      %add3A_95 = arith.constant 1 : i32
      %add3A_96 = arith.addi %mul3A_57, %add3A_95 : i32
      %mul3A_97 = arith.constant 2 : i32
      %mul3A_98 = arith.muli %mul3A_97, %add3A_96 : i32
      "tpu.region"() ({
        %run_scoped3A_103 = tpu.sem_alloc : memref<!tpu.dma_semaphore, #tpu.memory_space<semaphore_mem>>
        %dma_start3A_104 = arith.constant 0 : i32
        %dma_start3A_105 = arith.constant 0 : i32
        %dma_start3A_106 = tpu.memref_slice %arg7[%dma_start3A_104, %dma_start3A_105] : memref<256x128xf32, #tpu.memory_space<vmem>> -> memref<128x128xf32, #tpu.memory_space<vmem>>
        %dma_start3A_107 = arith.constant 0 : i32
        %dma_start3A_108 = tpu.memref_slice %arg8[%mul3A_98, %dma_start3A_107] : memref<14x128xi32, #tpu.memory_space<vmem>> -> memref<1x128xi32, #tpu.memory_space<vmem>>
        %dma_start3A_109 = tpu.memref_squeeze %dma_start3A_108 : memref<1x128xi32, #tpu.memory_space<vmem>> -> memref<128xi32, #tpu.memory_space<vmem>>
        %dma_start3A_110 = arith.constant 0 : i32
        %dma_start3A_111 = arith.constant 0 : i32
        %dma_start3A_112 = tpu.memref_slice %arg11[%dma_start3A_110, %dma_start3A_111] : memref<80x128xf32, #tpu.memory_space<vmem_shared>> -> memref<80x128xf32, #tpu.memory_space<vmem_shared>>
        tpu.enqueue_indirect_dma source(%dma_start3A_106 : memref<128x128xf32, #tpu.memory_space<vmem>>) target(%dma_start3A_112 : memref<80x128xf32, #tpu.memory_space<vmem_shared>>) offsets(%dma_start3A_109 : memref<128xi32, #tpu.memory_space<vmem>>) semaphore(%run_scoped3A_103 : memref<!tpu.dma_semaphore, #tpu.memory_space<semaphore_mem>>) {add = true}
        %dma_wait3A_113 = arith.constant 0 : i32
        %dma_wait3A_114 = arith.constant 0 : i32
        %dma_wait3A_115 = tpu.memref_slice %arg7[%dma_wait3A_113, %dma_wait3A_114] : memref<256x128xf32, #tpu.memory_space<vmem>> -> memref<128x128xf32, #tpu.memory_space<vmem>>
        %dma_wait3A_116 = arith.constant 0 : i32
        %dma_wait3A_117 = tpu.memref_slice %arg8[%mul3A_98, %dma_wait3A_116] : memref<14x128xi32, #tpu.memory_space<vmem>> -> memref<1x128xi32, #tpu.memory_space<vmem>>
        %dma_wait3A_118 = tpu.memref_squeeze %dma_wait3A_117 : memref<1x128xi32, #tpu.memory_space<vmem>> -> memref<128xi32, #tpu.memory_space<vmem>>
        %dma_wait3A_119 = arith.constant 0 : i32
        %dma_wait3A_120 = arith.constant 0 : i32
        %dma_wait3A_121 = tpu.memref_slice %arg11[%dma_wait3A_119, %dma_wait3A_120] : memref<80x128xf32, #tpu.memory_space<vmem_shared>> -> memref<80x128xf32, #tpu.memory_space<vmem_shared>>
        tpu.wait_indirect_dma semaphore(%run_scoped3A_103 : memref<!tpu.dma_semaphore, #tpu.memory_space<semaphore_mem>>) src(%dma_wait3A_115 : memref<128x128xf32, #tpu.memory_space<vmem>>) dst(%dma_wait3A_121 : memref<80x128xf32, #tpu.memory_space<vmem_shared>>)
        tpu.yield
      }) : () -> ()
      %mul3A_99 = arith.constant 2 : i32
      %mul3A_100 = arith.muli %mul3A_99, %add3A_96 : i32
      %add3A_101 = arith.constant 1 : i32
      %add3A_102 = arith.addi %mul3A_100, %add3A_101 : i32
      "tpu.region"() ({
        %run_scoped3A_103 = tpu.sem_alloc : memref<!tpu.dma_semaphore, #tpu.memory_space<semaphore_mem>>
        %dma_start3A_104 = arith.constant 128 : i32
        %dma_start3A_105 = arith.constant 0 : i32
        %dma_start3A_106 = tpu.memref_slice %arg7[%dma_start3A_104, %dma_start3A_105] : memref<256x128xf32, #tpu.memory_space<vmem>> -> memref<128x128xf32, #tpu.memory_space<vmem>>
        %dma_start3A_107 = arith.constant 0 : i32
        %dma_start3A_108 = tpu.memref_slice %arg8[%add3A_102, %dma_start3A_107] : memref<14x128xi32, #tpu.memory_space<vmem>> -> memref<1x128xi32, #tpu.memory_space<vmem>>
        %dma_start3A_109 = tpu.memref_squeeze %dma_start3A_108 : memref<1x128xi32, #tpu.memory_space<vmem>> -> memref<128xi32, #tpu.memory_space<vmem>>
        %dma_start3A_110 = arith.constant 0 : i32
        %dma_start3A_111 = arith.constant 0 : i32
        %dma_start3A_112 = tpu.memref_slice %arg11[%dma_start3A_110, %dma_start3A_111] : memref<80x128xf32, #tpu.memory_space<vmem_shared>> -> memref<80x128xf32, #tpu.memory_space<vmem_shared>>
        tpu.enqueue_indirect_dma source(%dma_start3A_106 : memref<128x128xf32, #tpu.memory_space<vmem>>) target(%dma_start3A_112 : memref<80x128xf32, #tpu.memory_space<vmem_shared>>) offsets(%dma_start3A_109 : memref<128xi32, #tpu.memory_space<vmem>>) semaphore(%run_scoped3A_103 : memref<!tpu.dma_semaphore, #tpu.memory_space<semaphore_mem>>) {add = true}
        %dma_wait3A_113 = arith.constant 128 : i32
        %dma_wait3A_114 = arith.constant 0 : i32
        %dma_wait3A_115 = tpu.memref_slice %arg7[%dma_wait3A_113, %dma_wait3A_114] : memref<256x128xf32, #tpu.memory_space<vmem>> -> memref<128x128xf32, #tpu.memory_space<vmem>>
        %dma_wait3A_116 = arith.constant 0 : i32
        %dma_wait3A_117 = tpu.memref_slice %arg8[%add3A_102, %dma_wait3A_116] : memref<14x128xi32, #tpu.memory_space<vmem>> -> memref<1x128xi32, #tpu.memory_space<vmem>>
        %dma_wait3A_118 = tpu.memref_squeeze %dma_wait3A_117 : memref<1x128xi32, #tpu.memory_space<vmem>> -> memref<128xi32, #tpu.memory_space<vmem>>
        %dma_wait3A_119 = arith.constant 0 : i32
        %dma_wait3A_120 = arith.constant 0 : i32
        %dma_wait3A_121 = tpu.memref_slice %arg11[%dma_wait3A_119, %dma_wait3A_120] : memref<80x128xf32, #tpu.memory_space<vmem_shared>> -> memref<80x128xf32, #tpu.memory_space<vmem_shared>>
        tpu.wait_indirect_dma semaphore(%run_scoped3A_103 : memref<!tpu.dma_semaphore, #tpu.memory_space<semaphore_mem>>) src(%dma_wait3A_115 : memref<128x128xf32, #tpu.memory_space<vmem>>) dst(%dma_wait3A_121 : memref<80x128xf32, #tpu.memory_space<vmem_shared>>)
        tpu.yield
      }) : () -> ()
    }
    %scan3A_42 = arith.constant 3 : i32
    %add3A_43 = arith.constant 1536 : i32
    %add3A_44 = arith.addi %mul3A_31, %add3A_43 : i32
    %dma_wait3A = arith.constant 0 : i32
    %dma_wait3A_45 = tpu.memref_slice %arg2[%add3A_44, %dma_wait3A] : memref<131072x128xf32, #tpu.memory_space<hbm>> -> memref<256x128xf32, #tpu.memory_space<hbm>>
    %dma_wait3A_46 = arith.constant 0 : i32
    %dma_wait3A_47 = tpu.memref_slice %arg2[%add3A_44, %dma_wait3A_46] : memref<131072x128xf32, #tpu.memory_space<hbm>> -> memref<256x128xf32, #tpu.memory_space<hbm>>
    tpu.wait_dma2 semaphore(%arg13 : memref<!tpu.dma_semaphore, #tpu.memory_space<semaphore_mem>>) src(%dma_wait3A_47 : memref<256x128xf32, #tpu.memory_space<hbm>>) dst(%arg6 : memref<256x128xf32, #tpu.memory_space<vmem>>)
    %run_scoped3A = arith.constant 12 : i32
    "tpu.region"() ({
      %run_scoped3A_55 = tpu.sem_alloc : memref<!tpu.dma_semaphore, #tpu.memory_space<semaphore_mem>>
      %dma_start3A_56 = arith.constant 0 : i32
      %dma_start3A_57 = arith.constant 0 : i32
      %dma_start3A_58 = tpu.memref_slice %arg6[%dma_start3A_56, %dma_start3A_57] : memref<256x128xf32, #tpu.memory_space<vmem>> -> memref<128x128xf32, #tpu.memory_space<vmem>>
      %dma_start3A_59 = arith.constant 0 : i32
      %dma_start3A_60 = tpu.memref_slice %arg8[%run_scoped3A, %dma_start3A_59] : memref<14x128xi32, #tpu.memory_space<vmem>> -> memref<1x128xi32, #tpu.memory_space<vmem>>
      %dma_start3A_61 = tpu.memref_squeeze %dma_start3A_60 : memref<1x128xi32, #tpu.memory_space<vmem>> -> memref<128xi32, #tpu.memory_space<vmem>>
      %dma_start3A_62 = arith.constant 0 : i32
      %dma_start3A_63 = arith.constant 0 : i32
      %dma_start3A_64 = tpu.memref_slice %arg11[%dma_start3A_62, %dma_start3A_63] : memref<80x128xf32, #tpu.memory_space<vmem_shared>> -> memref<80x128xf32, #tpu.memory_space<vmem_shared>>
      tpu.enqueue_indirect_dma source(%dma_start3A_58 : memref<128x128xf32, #tpu.memory_space<vmem>>) target(%dma_start3A_64 : memref<80x128xf32, #tpu.memory_space<vmem_shared>>) offsets(%dma_start3A_61 : memref<128xi32, #tpu.memory_space<vmem>>) semaphore(%run_scoped3A_55 : memref<!tpu.dma_semaphore, #tpu.memory_space<semaphore_mem>>) {add = true}
      %dma_wait3A_65 = arith.constant 0 : i32
      %dma_wait3A_66 = arith.constant 0 : i32
      %dma_wait3A_67 = tpu.memref_slice %arg6[%dma_wait3A_65, %dma_wait3A_66] : memref<256x128xf32, #tpu.memory_space<vmem>> -> memref<128x128xf32, #tpu.memory_space<vmem>>
      %dma_wait3A_68 = arith.constant 0 : i32
      %dma_wait3A_69 = tpu.memref_slice %arg8[%run_scoped3A, %dma_wait3A_68] : memref<14x128xi32, #tpu.memory_space<vmem>> -> memref<1x128xi32, #tpu.memory_space<vmem>>
      %dma_wait3A_70 = tpu.memref_squeeze %dma_wait3A_69 : memref<1x128xi32, #tpu.memory_space<vmem>> -> memref<128xi32, #tpu.memory_space<vmem>>
      %dma_wait3A_71 = arith.constant 0 : i32
      %dma_wait3A_72 = arith.constant 0 : i32
      %dma_wait3A_73 = tpu.memref_slice %arg11[%dma_wait3A_71, %dma_wait3A_72] : memref<80x128xf32, #tpu.memory_space<vmem_shared>> -> memref<80x128xf32, #tpu.memory_space<vmem_shared>>
      tpu.wait_indirect_dma semaphore(%run_scoped3A_55 : memref<!tpu.dma_semaphore, #tpu.memory_space<semaphore_mem>>) src(%dma_wait3A_67 : memref<128x128xf32, #tpu.memory_space<vmem>>) dst(%dma_wait3A_73 : memref<80x128xf32, #tpu.memory_space<vmem_shared>>)
      tpu.yield
    }) : () -> ()
    %run_scoped3A_48 = arith.constant 13 : i32
    "tpu.region"() ({
      %run_scoped3A_55 = tpu.sem_alloc : memref<!tpu.dma_semaphore, #tpu.memory_space<semaphore_mem>>
      %dma_start3A_56 = arith.constant 128 : i32
      %dma_start3A_57 = arith.constant 0 : i32
      %dma_start3A_58 = tpu.memref_slice %arg6[%dma_start3A_56, %dma_start3A_57] : memref<256x128xf32, #tpu.memory_space<vmem>> -> memref<128x128xf32, #tpu.memory_space<vmem>>
      %dma_start3A_59 = arith.constant 0 : i32
      %dma_start3A_60 = tpu.memref_slice %arg8[%run_scoped3A_48, %dma_start3A_59] : memref<14x128xi32, #tpu.memory_space<vmem>> -> memref<1x128xi32, #tpu.memory_space<vmem>>
      %dma_start3A_61 = tpu.memref_squeeze %dma_start3A_60 : memref<1x128xi32, #tpu.memory_space<vmem>> -> memref<128xi32, #tpu.memory_space<vmem>>
      %dma_start3A_62 = arith.constant 0 : i32
      %dma_start3A_63 = arith.constant 0 : i32
      %dma_start3A_64 = tpu.memref_slice %arg11[%dma_start3A_62, %dma_start3A_63] : memref<80x128xf32, #tpu.memory_space<vmem_shared>> -> memref<80x128xf32, #tpu.memory_space<vmem_shared>>
      tpu.enqueue_indirect_dma source(%dma_start3A_58 : memref<128x128xf32, #tpu.memory_space<vmem>>) target(%dma_start3A_64 : memref<80x128xf32, #tpu.memory_space<vmem_shared>>) offsets(%dma_start3A_61 : memref<128xi32, #tpu.memory_space<vmem>>) semaphore(%run_scoped3A_55 : memref<!tpu.dma_semaphore, #tpu.memory_space<semaphore_mem>>) {add = true}
      %dma_wait3A_65 = arith.constant 128 : i32
      %dma_wait3A_66 = arith.constant 0 : i32
      %dma_wait3A_67 = tpu.memref_slice %arg6[%dma_wait3A_65, %dma_wait3A_66] : memref<256x128xf32, #tpu.memory_space<vmem>> -> memref<128x128xf32, #tpu.memory_space<vmem>>
      %dma_wait3A_68 = arith.constant 0 : i32
      %dma_wait3A_69 = tpu.memref_slice %arg8[%run_scoped3A_48, %dma_wait3A_68] : memref<14x128xi32, #tpu.memory_space<vmem>> -> memref<1x128xi32, #tpu.memory_space<vmem>>
      %dma_wait3A_70 = tpu.memref_squeeze %dma_wait3A_69 : memref<1x128xi32, #tpu.memory_space<vmem>> -> memref<128xi32, #tpu.memory_space<vmem>>
      %dma_wait3A_71 = arith.constant 0 : i32
      %dma_wait3A_72 = arith.constant 0 : i32
      %dma_wait3A_73 = tpu.memref_slice %arg11[%dma_wait3A_71, %dma_wait3A_72] : memref<80x128xf32, #tpu.memory_space<vmem_shared>> -> memref<80x128xf32, #tpu.memory_space<vmem_shared>>
      tpu.wait_indirect_dma semaphore(%run_scoped3A_55 : memref<!tpu.dma_semaphore, #tpu.memory_space<semaphore_mem>>) src(%dma_wait3A_67 : memref<128x128xf32, #tpu.memory_space<vmem>>) dst(%dma_wait3A_73 : memref<80x128xf32, #tpu.memory_space<vmem_shared>>)
      tpu.yield
    }) : () -> ()
    %barrier3A_49 = arith.constant 0 : index
    tpu.barrier barrier_id(%barrier3A_49)
    %eq3A_50 = arith.constant 0 : i32
    %eq3A_51 = arith.cmpi eq, %arg1, %eq3A_50 : i32
    %convert_element_type3A_52 = arith.extui %eq3A_51 : i1 to i32
    %cond3A_53 = arith.constant 0 : i32
    %cond3A_54 = arith.cmpi ne, %convert_element_type3A_52, %cond3A_53 : i32
    scf.if %cond3A_54 {
      "tpu.region"() ({
        %run_scoped3A_55 = tpu.sem_alloc : memref<!tpu.dma_semaphore, #tpu.memory_space<semaphore_mem>>
        %dma_start3A_56 = arith.constant 0 : i32
        %dma_start3A_57 = arith.constant 0 : i32
        %dma_start3A_58 = tpu.memref_slice %arg4[%arg0, %dma_start3A_56, %dma_start3A_57] : memref<2x80x128xf32, #tpu.memory_space<hbm>> -> memref<1x80x128xf32, #tpu.memory_space<hbm>>
        %dma_start3A_59 = tpu.memref_squeeze %dma_start3A_58 : memref<1x80x128xf32, #tpu.memory_space<hbm>> -> memref<80x128xf32, #tpu.memory_space<hbm>>
        tpu.enqueue_dma source(%arg11 : memref<80x128xf32, #tpu.memory_space<vmem_shared>>) target(%dma_start3A_59 : memref<80x128xf32, #tpu.memory_space<hbm>>) target_semaphore(%run_scoped3A_55 : memref<!tpu.dma_semaphore, #tpu.memory_space<semaphore_mem>>)
        %dma_wait3A_60 = arith.constant 0 : i32
        %dma_wait3A_61 = arith.constant 0 : i32
        %dma_wait3A_62 = tpu.memref_slice %arg4[%arg0, %dma_wait3A_60, %dma_wait3A_61] : memref<2x80x128xf32, #tpu.memory_space<hbm>> -> memref<1x80x128xf32, #tpu.memory_space<hbm>>
        %dma_wait3A_63 = tpu.memref_squeeze %dma_wait3A_62 : memref<1x80x128xf32, #tpu.memory_space<hbm>> -> memref<80x128xf32, #tpu.memory_space<hbm>>
        tpu.wait_dma2 semaphore(%run_scoped3A_55 : memref<!tpu.dma_semaphore, #tpu.memory_space<semaphore_mem>>) src(%arg11 : memref<80x128xf32, #tpu.memory_space<vmem_shared>>) dst(%dma_wait3A_63 : memref<80x128xf32, #tpu.memory_space<hbm>>)
        tpu.yield
      }) : () -> ()
      "tpu.region"() ({
        %run_scoped3A_55 = tpu.sem_alloc : memref<!tpu.dma_semaphore, #tpu.memory_space<semaphore_mem>>
        %dma_start3A_56 = arith.constant 0 : i32
        %dma_start3A_57 = arith.constant 0 : i32
        %dma_start3A_58 = tpu.memref_slice %arg5[%arg0, %dma_start3A_56, %dma_start3A_57] : memref<2x40x16xf32, #tpu.memory_space<hbm>> -> memref<1x40x16xf32, #tpu.memory_space<hbm>>
        %dma_start3A_59 = tpu.memref_squeeze %dma_start3A_58 : memref<1x40x16xf32, #tpu.memory_space<hbm>> -> memref<40x16xf32, #tpu.memory_space<hbm>>
        tpu.enqueue_dma source(%arg12 : memref<40x16xf32, #tpu.memory_space<vmem_shared>>) target(%dma_start3A_59 : memref<40x16xf32, #tpu.memory_space<hbm>>) target_semaphore(%run_scoped3A_55 : memref<!tpu.dma_semaphore, #tpu.memory_space<semaphore_mem>>)
        %dma_wait3A_60 = arith.constant 0 : i32
        %dma_wait3A_61 = arith.constant 0 : i32
        %dma_wait3A_62 = tpu.memref_slice %arg5[%arg0, %dma_wait3A_60, %dma_wait3A_61] : memref<2x40x16xf32, #tpu.memory_space<hbm>> -> memref<1x40x16xf32, #tpu.memory_space<hbm>>
        %dma_wait3A_63 = tpu.memref_squeeze %dma_wait3A_62 : memref<1x40x16xf32, #tpu.memory_space<hbm>> -> memref<40x16xf32, #tpu.memory_space<hbm>>
        tpu.wait_dma2 semaphore(%run_scoped3A_55 : memref<!tpu.dma_semaphore, #tpu.memory_space<semaphore_mem>>) src(%arg12 : memref<40x16xf32, #tpu.memory_space<vmem_shared>>) dst(%dma_wait3A_63 : memref<40x16xf32, #tpu.memory_space<hbm>>)
        tpu.yield
      }) : () -> ()
    } else {
    }
    return
  }
}

module attributes {stable_mosaic.version = 14 : i64} {
  func.func @_tc_partial_body(%arg0: i32, %arg1: memref<1x1x4096xi32, #tpu.memory_space<vmem>>, %arg2: memref<4096x256xf32, #tpu.memory_space<vmem>>, %arg3: memref<64x256xf32, #tpu.memory_space<vmem>>, %arg4: memref<64x128xf32, #tpu.memory_space<vmem>>, %arg5: memref<64x256xf32, #tpu.memory_space<vmem>>, %arg6: memref<64x128xf32, #tpu.memory_space<vmem>>) attributes {dimension_semantics = [#tpu.dimension_semantics<arbitrary>], iteration_bounds = array<i64: 9>, scalar_prefetch = 0 : i64, scratch_operands = 2 : i64, tpu.core_type = #tpu.core_type<tc>, window_params = [{transform_indices = @transform_0, window_bounds = array<i64: 1, 1, 4096>}, {transform_indices = @transform_1, window_bounds = array<i64: 4096, 256>}, {pipeline_mode = #tpu.pipeline_mode<synchronous>, transform_indices = @transform_2, window_bounds = array<i64: 64, 256>}, {pipeline_mode = #tpu.pipeline_mode<synchronous>, transform_indices = @transform_3, window_bounds = array<i64: 64, 128>}]} {
    %get3A = arith.constant 0 : index
    %get3A_0 = arith.constant 0 : index
    %get3A_1 = arith.constant 0 : index
    %get3A_2 = vector.load %arg1[%get3A, %get3A_0, %get3A_1] : memref<1x1x4096xi32, #tpu.memory_space<vmem>>, vector<1x1x4096xi32>
    %get3A_3 = vector.shape_cast %get3A_2 : vector<1x1x4096xi32> to vector<1x4096xi32>
    %iota3A = tpu.iota {dimensions = array<i32: 0>} : vector<64x4096xi32>
    %eq3A = vector.broadcast %get3A_3 : vector<1x4096xi32> to vector<64x4096xi32>
    %eq3A_4 = arith.cmpi eq, %iota3A, %eq3A : vector<64x4096xi32>
    %convert_element_type3A = arith.extui %eq3A_4 : vector<64x4096xi1> to vector<64x4096xi32>
    %convert_element_type3A_5 = arith.sitofp %convert_element_type3A : vector<64x4096xi32> to vector<64x4096xf32>
    %get3A_6 = arith.constant 0 : index
    %get3A_7 = arith.constant 0 : index
    %get3A_8 = vector.load %arg2[%get3A_6, %get3A_7] : memref<4096x256xf32, #tpu.memory_space<vmem>>, vector<4096x256xf32>
    %convert_element_type3A_9 = arith.truncf %get3A_8 : vector<4096x256xf32> to vector<4096x256xbf16>
    %convert_element_type3A_10 = arith.extf %convert_element_type3A_9 : vector<4096x256xbf16> to vector<4096x256xf32>
    %sub3A = arith.subf %get3A_8, %convert_element_type3A_10 : vector<4096x256xf32>
    %dot_general3A = arith.constant dense<0.000000e+00> : vector<64x256xf32>
    %dot_general3A_11 = tpu.matmul %convert_element_type3A_5, %convert_element_type3A_10, %dot_general3A {dimension_numbers = #tpu.dot_dimension_numbers<[1], [0], [0], [1], [0, 0, 1, 1], [], []>, transpose_lhs_hint = false} : vector<64x4096xf32>, vector<4096x256xf32>, vector<64x256xf32> -> vector<64x256xf32>
    %dot_general3A_12 = arith.constant dense<0.000000e+00> : vector<64x256xf32>
    %dot_general3A_13 = tpu.matmul %convert_element_type3A_5, %sub3A, %dot_general3A_12 {dimension_numbers = #tpu.dot_dimension_numbers<[1], [0], [0], [1], [0, 0, 1, 1], [], []>, transpose_lhs_hint = false} : vector<64x4096xf32>, vector<4096x256xf32>, vector<64x256xf32> -> vector<64x256xf32>
    %add3A = arith.addf %dot_general3A_11, %dot_general3A_13 : vector<64x256xf32>
    %reduce_sum3A = arith.constant dense<0.000000e+00> : vector<64xf32>
    %reduce_sum3A_14 = vector.multi_reduction <add>, %convert_element_type3A_5, %reduce_sum3A [1] : vector<64x4096xf32> to vector<64xf32>
    %broadcast_in_dim3A = vector.shape_cast %reduce_sum3A_14 : vector<64xf32> to vector<64x1xf32>
    %eq3A_15 = arith.constant 0 : i32
    %eq3A_16 = arith.cmpi eq, %arg0, %eq3A_15 : i32
    %convert_element_type3A_17 = arith.extui %eq3A_16 : i1 to i32
    %cond3A = arith.constant 0 : i32
    %cond3A_18 = arith.cmpi ne, %convert_element_type3A_17, %cond3A : i32
    scf.if %cond3A_18 {
      %broadcast_in_dim3A_37 = arith.constant 0.000000e+00 : f32
      %broadcast_in_dim3A_38 = vector.broadcast %broadcast_in_dim3A_37 : f32 to vector<64x256xf32>
      %swap3A_39 = arith.constant 0 : index
      %swap3A_40 = arith.constant 0 : index
      %swap3A_41 = vector.load %arg5[%swap3A_39, %swap3A_40] : memref<64x256xf32, #tpu.memory_space<vmem>>, vector<64x256xf32>
      tpu.vector_store %arg5[%swap3A_39, %swap3A_40], %broadcast_in_dim3A_38 {strides = array<i32>} : memref<64x256xf32, #tpu.memory_space<vmem>>, vector<64x256xf32>,
      %broadcast_in_dim3A_42 = arith.constant 0.000000e+00 : f32
      %broadcast_in_dim3A_43 = vector.broadcast %broadcast_in_dim3A_42 : f32 to vector<64x128xf32>
      %swap3A_44 = arith.constant 0 : index
      %swap3A_45 = arith.constant 0 : index
      %swap3A_46 = vector.load %arg6[%swap3A_44, %swap3A_45] : memref<64x128xf32, #tpu.memory_space<vmem>>, vector<64x128xf32>
      tpu.vector_store %arg6[%swap3A_44, %swap3A_45], %broadcast_in_dim3A_43 {strides = array<i32>} : memref<64x128xf32, #tpu.memory_space<vmem>>, vector<64x128xf32>,
    } else {
    }
    %get3A_19 = arith.constant 0 : index
    %get3A_20 = arith.constant 0 : index
    %get3A_21 = vector.load %arg5[%get3A_19, %get3A_20] : memref<64x256xf32, #tpu.memory_space<vmem>>, vector<64x256xf32>
    %add3A_22 = arith.addf %get3A_21, %add3A : vector<64x256xf32>
    %swap3A = arith.constant 0 : index
    %swap3A_23 = arith.constant 0 : index
    %swap3A_24 = vector.load %arg5[%swap3A, %swap3A_23] : memref<64x256xf32, #tpu.memory_space<vmem>>, vector<64x256xf32>
    tpu.vector_store %arg5[%swap3A, %swap3A_23], %add3A_22 {strides = array<i32>} : memref<64x256xf32, #tpu.memory_space<vmem>>, vector<64x256xf32>,
    %get3A_25 = arith.constant 0 : index
    %get3A_26 = arith.constant 0 : index
    %get3A_27 = vector.load %arg6[%get3A_25, %get3A_26] : memref<64x128xf32, #tpu.memory_space<vmem>>, vector<64x1xf32>
    %add3A_28 = arith.addf %get3A_27, %broadcast_in_dim3A : vector<64x1xf32>
    %swap3A_29 = arith.constant 0 : index
    %swap3A_30 = arith.constant 0 : index
    %swap3A_31 = vector.load %arg6[%swap3A_29, %swap3A_30] : memref<64x128xf32, #tpu.memory_space<vmem>>, vector<64x1xf32>
    tpu.vector_store %arg6[%swap3A_29, %swap3A_30], %add3A_28 {strides = array<i32>} : memref<64x128xf32, #tpu.memory_space<vmem>>, vector<64x1xf32>,
    %eq3A_32 = arith.constant 8 : i32
    %eq3A_33 = arith.cmpi eq, %arg0, %eq3A_32 : i32
    %convert_element_type3A_34 = arith.extui %eq3A_33 : i1 to i32
    %cond3A_35 = arith.constant 0 : i32
    %cond3A_36 = arith.cmpi ne, %convert_element_type3A_34, %cond3A_35 : i32
    scf.if %cond3A_36 {
      %get3A_37 = arith.constant 0 : index
      %get3A_38 = arith.constant 0 : index
      %get3A_39 = vector.load %arg5[%get3A_37, %get3A_38] : memref<64x256xf32, #tpu.memory_space<vmem>>, vector<64x256xf32>
      %swap3A_40 = arith.constant 0 : index
      %swap3A_41 = arith.constant 0 : index
      %swap3A_42 = vector.load %arg3[%swap3A_40, %swap3A_41] : memref<64x256xf32, #tpu.memory_space<vmem>>, vector<64x256xf32>
      tpu.vector_store %arg3[%swap3A_40, %swap3A_41], %get3A_39 {strides = array<i32>} : memref<64x256xf32, #tpu.memory_space<vmem>>, vector<64x256xf32>,
      %get3A_43 = arith.constant 0 : index
      %get3A_44 = arith.constant 0 : index
      %get3A_45 = vector.load %arg6[%get3A_43, %get3A_44] : memref<64x128xf32, #tpu.memory_space<vmem>>, vector<64x128xf32>
      %swap3A_46 = arith.constant 0 : index
      %swap3A_47 = arith.constant 0 : index
      %swap3A_48 = vector.load %arg4[%swap3A_46, %swap3A_47] : memref<64x128xf32, #tpu.memory_space<vmem>>, vector<64x128xf32>
      tpu.vector_store %arg4[%swap3A_46, %swap3A_47], %get3A_45 {strides = array<i32>} : memref<64x128xf32, #tpu.memory_space<vmem>>, vector<64x128xf32>,
    } else {
    }
    return
  }
  func.func @transform_0(%arg0: i32) -> (i32, i32, i32) {
    %c0_i32 = arith.constant 0 : i32
    %c0_i32_0 = arith.constant 0 : i32
    %c0_i32_1 = arith.constant 0 : i32
    return %arg0, %c0_i32, %c0_i32_0 : i32, i32, i32
  }
  func.func @transform_1(%arg0: i32) -> (i32, i32) {
    %add3A = arith.constant 7 : i32
    %add3A_0 = arith.addi %arg0, %add3A : i32
    %c0_i32 = arith.constant 0 : i32
    %c0_i32_1 = arith.constant 0 : i32
    return %add3A_0, %c0_i32 : i32, i32
  }
  func.func @transform_2(%arg0: i32) -> (i32, i32) {
    %c0_i32 = arith.constant 0 : i32
    %c0_i32_0 = arith.constant 0 : i32
    %c0_i32_1 = arith.constant 0 : i32
    return %c0_i32, %c0_i32_0 : i32, i32
  }
  func.func @transform_3(%arg0: i32) -> (i32, i32) {
    %c0_i32 = arith.constant 0 : i32
    %c0_i32_0 = arith.constant 0 : i32
    %c0_i32_1 = arith.constant 0 : i32
    return %c0_i32, %c0_i32_0 : i32, i32
  }
}

module attributes {stable_mosaic.version = 14 : i64} {
  func.func @_combine_body(%arg0: memref<2x80x128xf32, #tpu.memory_space<vmem>>, %arg1: memref<2x40x16xf32, #tpu.memory_space<vmem>>, %arg2: memref<64x256xf32, #tpu.memory_space<vmem>>, %arg3: memref<64x128xf32, #tpu.memory_space<vmem>>, %arg4: memref<37x64x256xf32, #tpu.memory_space<vmem>>, %arg5: memref<37x1xi32, #tpu.memory_space<vmem>>, %arg6: memref<37x64x256xf32, #tpu.memory_space<vmem>>) attributes {dimension_semantics = [], scalar_prefetch = 0 : i64, scratch_operands = 0 : i64, tpu.core_type = #tpu.core_type<tc>} {
    %get3A = arith.constant 0 : index
    %get3A_0 = arith.constant 0 : index
    %get3A_1 = arith.constant 0 : index
    %get3A_2 = vector.load %arg0[%get3A, %get3A_0, %get3A_1] : memref<2x80x128xf32, #tpu.memory_space<vmem>>, vector<1x37x128xf32>
    %get3A_3 = vector.shape_cast %get3A_2 : vector<1x37x128xf32> to vector<37x128xf32>
    %get3A_4 = arith.constant 1 : index
    %get3A_5 = arith.constant 0 : index
    %get3A_6 = arith.constant 0 : index
    %get3A_7 = vector.load %arg0[%get3A_4, %get3A_5, %get3A_6] : memref<2x80x128xf32, #tpu.memory_space<vmem>>, vector<1x37x128xf32>
    %get3A_8 = vector.shape_cast %get3A_7 : vector<1x37x128xf32> to vector<37x128xf32>
    %add3A = arith.addf %get3A_3, %get3A_8 : vector<37x128xf32>
    %get3A_9 = arith.constant 0 : index
    %get3A_10 = arith.constant 40 : index
    %get3A_11 = arith.constant 0 : index
    %get3A_12 = vector.load %arg0[%get3A_9, %get3A_10, %get3A_11] : memref<2x80x128xf32, #tpu.memory_space<vmem>>, vector<1x37x128xf32>
    %get3A_13 = vector.shape_cast %get3A_12 : vector<1x37x128xf32> to vector<37x128xf32>
    %get3A_14 = arith.constant 1 : index
    %get3A_15 = arith.constant 40 : index
    %get3A_16 = arith.constant 0 : index
    %get3A_17 = vector.load %arg0[%get3A_14, %get3A_15, %get3A_16] : memref<2x80x128xf32, #tpu.memory_space<vmem>>, vector<1x37x128xf32>
    %get3A_18 = vector.shape_cast %get3A_17 : vector<1x37x128xf32> to vector<37x128xf32>
    %add3A_19 = arith.addf %get3A_13, %get3A_18 : vector<37x128xf32>
    %concatenate3A = tpu.concatenate %add3A, %add3A_19 in 1 : vector<37x128xf32>, vector<37x128xf32> -> vector<37x256xf32>
    %get3A_20 = arith.constant 0 : index
    %get3A_21 = arith.constant 0 : index
    %get3A_22 = vector.load %arg2[%get3A_20, %get3A_21] : memref<64x256xf32, #tpu.memory_space<vmem>>, vector<37x256xf32>
    %add3A_23 = arith.addf %concatenate3A, %get3A_22 : vector<37x256xf32>
    %get3A_24 = arith.constant 0 : index
    %get3A_25 = arith.constant 0 : index
    %get3A_26 = arith.constant 0 : index
    %get3A_27 = vector.load %arg1[%get3A_24, %get3A_25, %get3A_26] : memref<2x40x16xf32, #tpu.memory_space<vmem>>, vector<1x37x16xf32>
    %get3A_28 = vector.shape_cast %get3A_27 : vector<1x37x16xf32> to vector<37x16xf32>
    %get3A_29 = arith.constant 1 : index
    %get3A_30 = arith.constant 0 : index
    %get3A_31 = arith.constant 0 : index
    %get3A_32 = vector.load %arg1[%get3A_29, %get3A_30, %get3A_31] : memref<2x40x16xf32, #tpu.memory_space<vmem>>, vector<1x37x16xf32>
    %get3A_33 = vector.shape_cast %get3A_32 : vector<1x37x16xf32> to vector<37x16xf32>
    %add3A_34 = arith.addf %get3A_28, %get3A_33 : vector<37x16xf32>
    %slice3A = vector.extract_strided_slice %add3A_34 {offsets = [0, 0], sizes = [37, 1], strides = [1, 1]} : vector<37x16xf32> to vector<37x1xf32>
    %get3A_35 = arith.constant 0 : index
    %get3A_36 = arith.constant 0 : index
    %get3A_37 = vector.load %arg3[%get3A_35, %get3A_36] : memref<64x128xf32, #tpu.memory_space<vmem>>, vector<37x1xf32>
    %add3A_38 = arith.addf %slice3A, %get3A_37 : vector<37x1xf32>
    %max3A = arith.constant 1.000000e+00 : f32
    %max3A_39 = vector.broadcast %max3A : f32 to vector<37x1xf32>
    %max3A_40 = arith.maximumf %add3A_38, %max3A_39 : vector<37x1xf32>
    %div3A = vector.broadcast %max3A_40 : vector<37x1xf32> to vector<37x256xf32>
    %div3A_41 = arith.divf %add3A_23, %div3A : vector<37x256xf32>
    %gt3A = arith.constant 0.000000e+00 : f32
    %gt3A_42 = vector.broadcast %gt3A : f32 to vector<37x1xf32>
    %gt3A_43 = arith.cmpf ogt, %add3A_38, %gt3A_42 : vector<37x1xf32>
    %get3A_44 = arith.constant 0 : index
    %get3A_45 = arith.constant 0 : index
    %get3A_46 = vector.load %arg5[%get3A_44, %get3A_45] : memref<37x1xi32, #tpu.memory_space<vmem>>, vector<37x1xi32>
    %eq3A = arith.constant 0 : i32
    %eq3A_47 = vector.broadcast %eq3A : i32 to vector<37x1xi32>
    %eq3A_48 = arith.cmpi eq, %get3A_46, %eq3A_47 : vector<37x1xi32>
    %and3A = arith.andi %eq3A_48, %gt3A_43 : vector<37x1xi1>
    %get3A_49 = arith.constant 0 : index
    %get3A_50 = arith.constant 0 : index
    %get3A_51 = arith.constant 0 : index
    %get3A_52 = vector.load %arg4[%get3A_49, %get3A_50, %get3A_51] : memref<37x64x256xf32, #tpu.memory_space<vmem>>, vector<37x1x256xf32>
    %get3A_53 = vector.shape_cast %get3A_52 : vector<37x1x256xf32> to vector<37x256xf32>
    %broadcast_in_dim3A = vector.shape_cast %and3A : vector<37x1xi1> to vector<37x1xi1>
    %broadcast_in_dim3A_54 = vector.broadcast %broadcast_in_dim3A : vector<37x1xi1> to vector<37x256xi1>
    %select_n3A = arith.select %broadcast_in_dim3A_54, %div3A_41, %get3A_53 : vector<37x256xi1>, vector<37x256xf32>
    %swap3A = arith.constant 0 : index
    %swap3A_55 = arith.constant 0 : index
    %swap3A_56 = arith.constant 0 : index
    %swap3A_57 = vector.load %arg6[%swap3A, %swap3A_55, %swap3A_56] : memref<37x64x256xf32, #tpu.memory_space<vmem>>, vector<37x1x256xf32>
    %swap3A_58 = vector.shape_cast %swap3A_57 : vector<37x1x256xf32> to vector<37x256xf32>
    %swap3A_59 = vector.shape_cast %select_n3A : vector<37x256xf32> to vector<37x1x256xf32>
    tpu.vector_store %arg6[%swap3A, %swap3A_55, %swap3A_56], %swap3A_59 {strides = array<i32>} : memref<37x64x256xf32, #tpu.memory_space<vmem>>, vector<37x1x256xf32>,
    %eq3A_60 = arith.constant 1 : i32
    %eq3A_61 = vector.broadcast %eq3A_60 : i32 to vector<37x1xi32>
    %eq3A_62 = arith.cmpi eq, %get3A_46, %eq3A_61 : vector<37x1xi32>
    %and3A_63 = arith.andi %eq3A_62, %gt3A_43 : vector<37x1xi1>
    %get3A_64 = arith.constant 0 : index
    %get3A_65 = arith.constant 1 : index
    %get3A_66 = arith.constant 0 : index
    %get3A_67 = vector.load %arg4[%get3A_64, %get3A_65, %get3A_66] : memref<37x64x256xf32, #tpu.memory_space<vmem>>, vector<37x1x256xf32>
    %get3A_68 = vector.shape_cast %get3A_67 : vector<37x1x256xf32> to vector<37x256xf32>
    %broadcast_in_dim3A_69 = vector.shape_cast %and3A_63 : vector<37x1xi1> to vector<37x1xi1>
    %broadcast_in_dim3A_70 = vector.broadcast %broadcast_in_dim3A_69 : vector<37x1xi1> to vector<37x256xi1>
    %select_n3A_71 = arith.select %broadcast_in_dim3A_70, %div3A_41, %get3A_68 : vector<37x256xi1>, vector<37x256xf32>
    %swap3A_72 = arith.constant 0 : index
    %swap3A_73 = arith.constant 1 : index
    %swap3A_74 = arith.constant 0 : index
    %swap3A_75 = vector.load %arg6[%swap3A_72, %swap3A_73, %swap3A_74] : memref<37x64x256xf32, #tpu.memory_space<vmem>>, vector<37x1x256xf32>
    %swap3A_76 = vector.shape_cast %swap3A_75 : vector<37x1x256xf32> to vector<37x256xf32>
    %swap3A_77 = vector.shape_cast %select_n3A_71 : vector<37x256xf32> to vector<37x1x256xf32>
    tpu.vector_store %arg6[%swap3A_72, %swap3A_73, %swap3A_74], %swap3A_77 {strides = array<i32>} : memref<37x64x256xf32, #tpu.memory_space<vmem>>, vector<37x1x256xf32>,
    %eq3A_78 = arith.constant 2 : i32
    %eq3A_79 = vector.broadcast %eq3A_78 : i32 to vector<37x1xi32>
    %eq3A_80 = arith.cmpi eq, %get3A_46, %eq3A_79 : vector<37x1xi32>
    %and3A_81 = arith.andi %eq3A_80, %gt3A_43 : vector<37x1xi1>
    %get3A_82 = arith.constant 0 : index
    %get3A_83 = arith.constant 2 : index
    %get3A_84 = arith.constant 0 : index
    %get3A_85 = vector.load %arg4[%get3A_82, %get3A_83, %get3A_84] : memref<37x64x256xf32, #tpu.memory_space<vmem>>, vector<37x1x256xf32>
    %get3A_86 = vector.shape_cast %get3A_85 : vector<37x1x256xf32> to vector<37x256xf32>
    %broadcast_in_dim3A_87 = vector.shape_cast %and3A_81 : vector<37x1xi1> to vector<37x1xi1>
    %broadcast_in_dim3A_88 = vector.broadcast %broadcast_in_dim3A_87 : vector<37x1xi1> to vector<37x256xi1>
    %select_n3A_89 = arith.select %broadcast_in_dim3A_88, %div3A_41, %get3A_86 : vector<37x256xi1>, vector<37x256xf32>
    %swap3A_90 = arith.constant 0 : index
    %swap3A_91 = arith.constant 2 : index
    %swap3A_92 = arith.constant 0 : index
    %swap3A_93 = vector.load %arg6[%swap3A_90, %swap3A_91, %swap3A_92] : memref<37x64x256xf32, #tpu.memory_space<vmem>>, vector<37x1x256xf32>
    %swap3A_94 = vector.shape_cast %swap3A_93 : vector<37x1x256xf32> to vector<37x256xf32>
    %swap3A_95 = vector.shape_cast %select_n3A_89 : vector<37x256xf32> to vector<37x1x256xf32>
    tpu.vector_store %arg6[%swap3A_90, %swap3A_91, %swap3A_92], %swap3A_95 {strides = array<i32>} : memref<37x64x256xf32, #tpu.memory_space<vmem>>, vector<37x1x256xf32>,
    %eq3A_96 = arith.constant 3 : i32
    %eq3A_97 = vector.broadcast %eq3A_96 : i32 to vector<37x1xi32>
    %eq3A_98 = arith.cmpi eq, %get3A_46, %eq3A_97 : vector<37x1xi32>
    %and3A_99 = arith.andi %eq3A_98, %gt3A_43 : vector<37x1xi1>
    %get3A_100 = arith.constant 0 : index
    %get3A_101 = arith.constant 3 : index
    %get3A_102 = arith.constant 0 : index
    %get3A_103 = vector.load %arg4[%get3A_100, %get3A_101, %get3A_102] : memref<37x64x256xf32, #tpu.memory_space<vmem>>, vector<37x1x256xf32>
    %get3A_104 = vector.shape_cast %get3A_103 : vector<37x1x256xf32> to vector<37x256xf32>
    %broadcast_in_dim3A_105 = vector.shape_cast %and3A_99 : vector<37x1xi1> to vector<37x1xi1>
    %broadcast_in_dim3A_106 = vector.broadcast %broadcast_in_dim3A_105 : vector<37x1xi1> to vector<37x256xi1>
    %select_n3A_107 = arith.select %broadcast_in_dim3A_106, %div3A_41, %get3A_104 : vector<37x256xi1>, vector<37x256xf32>
    %swap3A_108 = arith.constant 0 : index
    %swap3A_109 = arith.constant 3 : index
    %swap3A_110 = arith.constant 0 : index
    %swap3A_111 = vector.load %arg6[%swap3A_108, %swap3A_109, %swap3A_110] : memref<37x64x256xf32, #tpu.memory_space<vmem>>, vector<37x1x256xf32>
    %swap3A_112 = vector.shape_cast %swap3A_111 : vector<37x1x256xf32> to vector<37x256xf32>
    %swap3A_113 = vector.shape_cast %select_n3A_107 : vector<37x256xf32> to vector<37x1x256xf32>
    tpu.vector_store %arg6[%swap3A_108, %swap3A_109, %swap3A_110], %swap3A_113 {strides = array<i32>} : memref<37x64x256xf32, #tpu.memory_space<vmem>>, vector<37x1x256xf32>,
    %eq3A_114 = arith.constant 4 : i32
    %eq3A_115 = vector.broadcast %eq3A_114 : i32 to vector<37x1xi32>
    %eq3A_116 = arith.cmpi eq, %get3A_46, %eq3A_115 : vector<37x1xi32>
    %and3A_117 = arith.andi %eq3A_116, %gt3A_43 : vector<37x1xi1>
    %get3A_118 = arith.constant 0 : index
    %get3A_119 = arith.constant 4 : index
    %get3A_120 = arith.constant 0 : index
    %get3A_121 = vector.load %arg4[%get3A_118, %get3A_119, %get3A_120] : memref<37x64x256xf32, #tpu.memory_space<vmem>>, vector<37x1x256xf32>
    %get3A_122 = vector.shape_cast %get3A_121 : vector<37x1x256xf32> to vector<37x256xf32>
    %broadcast_in_dim3A_123 = vector.shape_cast %and3A_117 : vector<37x1xi1> to vector<37x1xi1>
    %broadcast_in_dim3A_124 = vector.broadcast %broadcast_in_dim3A_123 : vector<37x1xi1> to vector<37x256xi1>
    %select_n3A_125 = arith.select %broadcast_in_dim3A_124, %div3A_41, %get3A_122 : vector<37x256xi1>, vector<37x256xf32>
    %swap3A_126 = arith.constant 0 : index
    %swap3A_127 = arith.constant 4 : index
    %swap3A_128 = arith.constant 0 : index
    %swap3A_129 = vector.load %arg6[%swap3A_126, %swap3A_127, %swap3A_128] : memref<37x64x256xf32, #tpu.memory_space<vmem>>, vector<37x1x256xf32>
    %swap3A_130 = vector.shape_cast %swap3A_129 : vector<37x1x256xf32> to vector<37x256xf32>
    %swap3A_131 = vector.shape_cast %select_n3A_125 : vector<37x256xf32> to vector<37x1x256xf32>
    tpu.vector_store %arg6[%swap3A_126, %swap3A_127, %swap3A_128], %swap3A_131 {strides = array<i32>} : memref<37x64x256xf32, #tpu.memory_space<vmem>>, vector<37x1x256xf32>,
    %eq3A_132 = arith.constant 5 : i32
    %eq3A_133 = vector.broadcast %eq3A_132 : i32 to vector<37x1xi32>
    %eq3A_134 = arith.cmpi eq, %get3A_46, %eq3A_133 : vector<37x1xi32>
    %and3A_135 = arith.andi %eq3A_134, %gt3A_43 : vector<37x1xi1>
    %get3A_136 = arith.constant 0 : index
    %get3A_137 = arith.constant 5 : index
    %get3A_138 = arith.constant 0 : index
    %get3A_139 = vector.load %arg4[%get3A_136, %get3A_137, %get3A_138] : memref<37x64x256xf32, #tpu.memory_space<vmem>>, vector<37x1x256xf32>
    %get3A_140 = vector.shape_cast %get3A_139 : vector<37x1x256xf32> to vector<37x256xf32>
    %broadcast_in_dim3A_141 = vector.shape_cast %and3A_135 : vector<37x1xi1> to vector<37x1xi1>
    %broadcast_in_dim3A_142 = vector.broadcast %broadcast_in_dim3A_141 : vector<37x1xi1> to vector<37x256xi1>
    %select_n3A_143 = arith.select %broadcast_in_dim3A_142, %div3A_41, %get3A_140 : vector<37x256xi1>, vector<37x256xf32>
    %swap3A_144 = arith.constant 0 : index
    %swap3A_145 = arith.constant 5 : index
    %swap3A_146 = arith.constant 0 : index
    %swap3A_147 = vector.load %arg6[%swap3A_144, %swap3A_145, %swap3A_146] : memref<37x64x256xf32, #tpu.memory_space<vmem>>, vector<37x1x256xf32>
    %swap3A_148 = vector.shape_cast %swap3A_147 : vector<37x1x256xf32> to vector<37x256xf32>
    %swap3A_149 = vector.shape_cast %select_n3A_143 : vector<37x256xf32> to vector<37x1x256xf32>
    tpu.vector_store %arg6[%swap3A_144, %swap3A_145, %swap3A_146], %swap3A_149 {strides = array<i32>} : memref<37x64x256xf32, #tpu.memory_space<vmem>>, vector<37x1x256xf32>,
    %eq3A_150 = arith.constant 6 : i32
    %eq3A_151 = vector.broadcast %eq3A_150 : i32 to vector<37x1xi32>
    %eq3A_152 = arith.cmpi eq, %get3A_46, %eq3A_151 : vector<37x1xi32>
    %and3A_153 = arith.andi %eq3A_152, %gt3A_43 : vector<37x1xi1>
    %get3A_154 = arith.constant 0 : index
    %get3A_155 = arith.constant 6 : index
    %get3A_156 = arith.constant 0 : index
    %get3A_157 = vector.load %arg4[%get3A_154, %get3A_155, %get3A_156] : memref<37x64x256xf32, #tpu.memory_space<vmem>>, vector<37x1x256xf32>
    %get3A_158 = vector.shape_cast %get3A_157 : vector<37x1x256xf32> to vector<37x256xf32>
    %broadcast_in_dim3A_159 = vector.shape_cast %and3A_153 : vector<37x1xi1> to vector<37x1xi1>
    %broadcast_in_dim3A_160 = vector.broadcast %broadcast_in_dim3A_159 : vector<37x1xi1> to vector<37x256xi1>
    %select_n3A_161 = arith.select %broadcast_in_dim3A_160, %div3A_41, %get3A_158 : vector<37x256xi1>, vector<37x256xf32>
    %swap3A_162 = arith.constant 0 : index
    %swap3A_163 = arith.constant 6 : index
    %swap3A_164 = arith.constant 0 : index
    %swap3A_165 = vector.load %arg6[%swap3A_162, %swap3A_163, %swap3A_164] : memref<37x64x256xf32, #tpu.memory_space<vmem>>, vector<37x1x256xf32>
    %swap3A_166 = vector.shape_cast %swap3A_165 : vector<37x1x256xf32> to vector<37x256xf32>
    %swap3A_167 = vector.shape_cast %select_n3A_161 : vector<37x256xf32> to vector<37x1x256xf32>
    tpu.vector_store %arg6[%swap3A_162, %swap3A_163, %swap3A_164], %swap3A_167 {strides = array<i32>} : memref<37x64x256xf32, #tpu.memory_space<vmem>>, vector<37x1x256xf32>,
    %eq3A_168 = arith.constant 7 : i32
    %eq3A_169 = vector.broadcast %eq3A_168 : i32 to vector<37x1xi32>
    %eq3A_170 = arith.cmpi eq, %get3A_46, %eq3A_169 : vector<37x1xi32>
    %and3A_171 = arith.andi %eq3A_170, %gt3A_43 : vector<37x1xi1>
    %get3A_172 = arith.constant 0 : index
    %get3A_173 = arith.constant 7 : index
    %get3A_174 = arith.constant 0 : index
    %get3A_175 = vector.load %arg4[%get3A_172, %get3A_173, %get3A_174] : memref<37x64x256xf32, #tpu.memory_space<vmem>>, vector<37x1x256xf32>
    %get3A_176 = vector.shape_cast %get3A_175 : vector<37x1x256xf32> to vector<37x256xf32>
    %broadcast_in_dim3A_177 = vector.shape_cast %and3A_171 : vector<37x1xi1> to vector<37x1xi1>
    %broadcast_in_dim3A_178 = vector.broadcast %broadcast_in_dim3A_177 : vector<37x1xi1> to vector<37x256xi1>
    %select_n3A_179 = arith.select %broadcast_in_dim3A_178, %div3A_41, %get3A_176 : vector<37x256xi1>, vector<37x256xf32>
    %swap3A_180 = arith.constant 0 : index
    %swap3A_181 = arith.constant 7 : index
    %swap3A_182 = arith.constant 0 : index
    %swap3A_183 = vector.load %arg6[%swap3A_180, %swap3A_181, %swap3A_182] : memref<37x64x256xf32, #tpu.memory_space<vmem>>, vector<37x1x256xf32>
    %swap3A_184 = vector.shape_cast %swap3A_183 : vector<37x1x256xf32> to vector<37x256xf32>
    %swap3A_185 = vector.shape_cast %select_n3A_179 : vector<37x256xf32> to vector<37x1x256xf32>
    tpu.vector_store %arg6[%swap3A_180, %swap3A_181, %swap3A_182], %swap3A_185 {strides = array<i32>} : memref<37x64x256xf32, #tpu.memory_space<vmem>>, vector<37x1x256xf32>,
    %eq3A_186 = arith.constant 8 : i32
    %eq3A_187 = vector.broadcast %eq3A_186 : i32 to vector<37x1xi32>
    %eq3A_188 = arith.cmpi eq, %get3A_46, %eq3A_187 : vector<37x1xi32>
    %and3A_189 = arith.andi %eq3A_188, %gt3A_43 : vector<37x1xi1>
    %get3A_190 = arith.constant 0 : index
    %get3A_191 = arith.constant 8 : index
    %get3A_192 = arith.constant 0 : index
    %get3A_193 = vector.load %arg4[%get3A_190, %get3A_191, %get3A_192] : memref<37x64x256xf32, #tpu.memory_space<vmem>>, vector<37x1x256xf32>
    %get3A_194 = vector.shape_cast %get3A_193 : vector<37x1x256xf32> to vector<37x256xf32>
    %broadcast_in_dim3A_195 = vector.shape_cast %and3A_189 : vector<37x1xi1> to vector<37x1xi1>
    %broadcast_in_dim3A_196 = vector.broadcast %broadcast_in_dim3A_195 : vector<37x1xi1> to vector<37x256xi1>
    %select_n3A_197 = arith.select %broadcast_in_dim3A_196, %div3A_41, %get3A_194 : vector<37x256xi1>, vector<37x256xf32>
    %swap3A_198 = arith.constant 0 : index
    %swap3A_199 = arith.constant 8 : index
    %swap3A_200 = arith.constant 0 : index
    %swap3A_201 = vector.load %arg6[%swap3A_198, %swap3A_199, %swap3A_200] : memref<37x64x256xf32, #tpu.memory_space<vmem>>, vector<37x1x256xf32>
    %swap3A_202 = vector.shape_cast %swap3A_201 : vector<37x1x256xf32> to vector<37x256xf32>
    %swap3A_203 = vector.shape_cast %select_n3A_197 : vector<37x256xf32> to vector<37x1x256xf32>
    tpu.vector_store %arg6[%swap3A_198, %swap3A_199, %swap3A_200], %swap3A_203 {strides = array<i32>} : memref<37x64x256xf32, #tpu.memory_space<vmem>>, vector<37x1x256xf32>,
    %eq3A_204 = arith.constant 9 : i32
    %eq3A_205 = vector.broadcast %eq3A_204 : i32 to vector<37x1xi32>
    %eq3A_206 = arith.cmpi eq, %get3A_46, %eq3A_205 : vector<37x1xi32>
    %and3A_207 = arith.andi %eq3A_206, %gt3A_43 : vector<37x1xi1>
    %get3A_208 = arith.constant 0 : index
    %get3A_209 = arith.constant 9 : index
    %get3A_210 = arith.constant 0 : index
    %get3A_211 = vector.load %arg4[%get3A_208, %get3A_209, %get3A_210] : memref<37x64x256xf32, #tpu.memory_space<vmem>>, vector<37x1x256xf32>
    %get3A_212 = vector.shape_cast %get3A_211 : vector<37x1x256xf32> to vector<37x256xf32>
    %broadcast_in_dim3A_213 = vector.shape_cast %and3A_207 : vector<37x1xi1> to vector<37x1xi1>
    %broadcast_in_dim3A_214 = vector.broadcast %broadcast_in_dim3A_213 : vector<37x1xi1> to vector<37x256xi1>
    %select_n3A_215 = arith.select %broadcast_in_dim3A_214, %div3A_41, %get3A_212 : vector<37x256xi1>, vector<37x256xf32>
    %swap3A_216 = arith.constant 0 : index
    %swap3A_217 = arith.constant 9 : index
    %swap3A_218 = arith.constant 0 : index
    %swap3A_219 = vector.load %arg6[%swap3A_216, %swap3A_217, %swap3A_218] : memref<37x64x256xf32, #tpu.memory_space<vmem>>, vector<37x1x256xf32>
    %swap3A_220 = vector.shape_cast %swap3A_219 : vector<37x1x256xf32> to vector<37x256xf32>
    %swap3A_221 = vector.shape_cast %select_n3A_215 : vector<37x256xf32> to vector<37x1x256xf32>
    tpu.vector_store %arg6[%swap3A_216, %swap3A_217, %swap3A_218], %swap3A_221 {strides = array<i32>} : memref<37x64x256xf32, #tpu.memory_space<vmem>>, vector<37x1x256xf32>,
    %eq3A_222 = arith.constant 10 : i32
    %eq3A_223 = vector.broadcast %eq3A_222 : i32 to vector<37x1xi32>
    %eq3A_224 = arith.cmpi eq, %get3A_46, %eq3A_223 : vector<37x1xi32>
    %and3A_225 = arith.andi %eq3A_224, %gt3A_43 : vector<37x1xi1>
    %get3A_226 = arith.constant 0 : index
    %get3A_227 = arith.constant 10 : index
    %get3A_228 = arith.constant 0 : index
    %get3A_229 = vector.load %arg4[%get3A_226, %get3A_227, %get3A_228] : memref<37x64x256xf32, #tpu.memory_space<vmem>>, vector<37x1x256xf32>
    %get3A_230 = vector.shape_cast %get3A_229 : vector<37x1x256xf32> to vector<37x256xf32>
    %broadcast_in_dim3A_231 = vector.shape_cast %and3A_225 : vector<37x1xi1> to vector<37x1xi1>
    %broadcast_in_dim3A_232 = vector.broadcast %broadcast_in_dim3A_231 : vector<37x1xi1> to vector<37x256xi1>
    %select_n3A_233 = arith.select %broadcast_in_dim3A_232, %div3A_41, %get3A_230 : vector<37x256xi1>, vector<37x256xf32>
    %swap3A_234 = arith.constant 0 : index
    %swap3A_235 = arith.constant 10 : index
    %swap3A_236 = arith.constant 0 : index
    %swap3A_237 = vector.load %arg6[%swap3A_234, %swap3A_235, %swap3A_236] : memref<37x64x256xf32, #tpu.memory_space<vmem>>, vector<37x1x256xf32>
    %swap3A_238 = vector.shape_cast %swap3A_237 : vector<37x1x256xf32> to vector<37x256xf32>
    %swap3A_239 = vector.shape_cast %select_n3A_233 : vector<37x256xf32> to vector<37x1x256xf32>
    tpu.vector_store %arg6[%swap3A_234, %swap3A_235, %swap3A_236], %swap3A_239 {strides = array<i32>} : memref<37x64x256xf32, #tpu.memory_space<vmem>>, vector<37x1x256xf32>,
    %eq3A_240 = arith.constant 11 : i32
    %eq3A_241 = vector.broadcast %eq3A_240 : i32 to vector<37x1xi32>
    %eq3A_242 = arith.cmpi eq, %get3A_46, %eq3A_241 : vector<37x1xi32>
    %and3A_243 = arith.andi %eq3A_242, %gt3A_43 : vector<37x1xi1>
    %get3A_244 = arith.constant 0 : index
    %get3A_245 = arith.constant 11 : index
    %get3A_246 = arith.constant 0 : index
    %get3A_247 = vector.load %arg4[%get3A_244, %get3A_245, %get3A_246] : memref<37x64x256xf32, #tpu.memory_space<vmem>>, vector<37x1x256xf32>
    %get3A_248 = vector.shape_cast %get3A_247 : vector<37x1x256xf32> to vector<37x256xf32>
    %broadcast_in_dim3A_249 = vector.shape_cast %and3A_243 : vector<37x1xi1> to vector<37x1xi1>
    %broadcast_in_dim3A_250 = vector.broadcast %broadcast_in_dim3A_249 : vector<37x1xi1> to vector<37x256xi1>
    %select_n3A_251 = arith.select %broadcast_in_dim3A_250, %div3A_41, %get3A_248 : vector<37x256xi1>, vector<37x256xf32>
    %swap3A_252 = arith.constant 0 : index
    %swap3A_253 = arith.constant 11 : index
    %swap3A_254 = arith.constant 0 : index
    %swap3A_255 = vector.load %arg6[%swap3A_252, %swap3A_253, %swap3A_254] : memref<37x64x256xf32, #tpu.memory_space<vmem>>, vector<37x1x256xf32>
    %swap3A_256 = vector.shape_cast %swap3A_255 : vector<37x1x256xf32> to vector<37x256xf32>
    %swap3A_257 = vector.shape_cast %select_n3A_251 : vector<37x256xf32> to vector<37x1x256xf32>
    tpu.vector_store %arg6[%swap3A_252, %swap3A_253, %swap3A_254], %swap3A_257 {strides = array<i32>} : memref<37x64x256xf32, #tpu.memory_space<vmem>>, vector<37x1x256xf32>,
    %eq3A_258 = arith.constant 12 : i32
    %eq3A_259 = vector.broadcast %eq3A_258 : i32 to vector<37x1xi32>
    %eq3A_260 = arith.cmpi eq, %get3A_46, %eq3A_259 : vector<37x1xi32>
    %and3A_261 = arith.andi %eq3A_260, %gt3A_43 : vector<37x1xi1>
    %get3A_262 = arith.constant 0 : index
    %get3A_263 = arith.constant 12 : index
    %get3A_264 = arith.constant 0 : index
    %get3A_265 = vector.load %arg4[%get3A_262, %get3A_263, %get3A_264] : memref<37x64x256xf32, #tpu.memory_space<vmem>>, vector<37x1x256xf32>
    %get3A_266 = vector.shape_cast %get3A_265 : vector<37x1x256xf32> to vector<37x256xf32>
    %broadcast_in_dim3A_267 = vector.shape_cast %and3A_261 : vector<37x1xi1> to vector<37x1xi1>
    %broadcast_in_dim3A_268 = vector.broadcast %broadcast_in_dim3A_267 : vector<37x1xi1> to vector<37x256xi1>
    %select_n3A_269 = arith.select %broadcast_in_dim3A_268, %div3A_41, %get3A_266 : vector<37x256xi1>, vector<37x256xf32>
    %swap3A_270 = arith.constant 0 : index
    %swap3A_271 = arith.constant 12 : index
    %swap3A_272 = arith.constant 0 : index
    %swap3A_273 = vector.load %arg6[%swap3A_270, %swap3A_271, %swap3A_272] : memref<37x64x256xf32, #tpu.memory_space<vmem>>, vector<37x1x256xf32>
    %swap3A_274 = vector.shape_cast %swap3A_273 : vector<37x1x256xf32> to vector<37x256xf32>
    %swap3A_275 = vector.shape_cast %select_n3A_269 : vector<37x256xf32> to vector<37x1x256xf32>
    tpu.vector_store %arg6[%swap3A_270, %swap3A_271, %swap3A_272], %swap3A_275 {strides = array<i32>} : memref<37x64x256xf32, #tpu.memory_space<vmem>>, vector<37x1x256xf32>,
    %eq3A_276 = arith.constant 13 : i32
    %eq3A_277 = vector.broadcast %eq3A_276 : i32 to vector<37x1xi32>
    %eq3A_278 = arith.cmpi eq, %get3A_46, %eq3A_277 : vector<37x1xi32>
    %and3A_279 = arith.andi %eq3A_278, %gt3A_43 : vector<37x1xi1>
    %get3A_280 = arith.constant 0 : index
    %get3A_281 = arith.constant 13 : index
    %get3A_282 = arith.constant 0 : index
    %get3A_283 = vector.load %arg4[%get3A_280, %get3A_281, %get3A_282] : memref<37x64x256xf32, #tpu.memory_space<vmem>>, vector<37x1x256xf32>
    %get3A_284 = vector.shape_cast %get3A_283 : vector<37x1x256xf32> to vector<37x256xf32>
    %broadcast_in_dim3A_285 = vector.shape_cast %and3A_279 : vector<37x1xi1> to vector<37x1xi1>
    %broadcast_in_dim3A_286 = vector.broadcast %broadcast_in_dim3A_285 : vector<37x1xi1> to vector<37x256xi1>
    %select_n3A_287 = arith.select %broadcast_in_dim3A_286, %div3A_41, %get3A_284 : vector<37x256xi1>, vector<37x256xf32>
    %swap3A_288 = arith.constant 0 : index
    %swap3A_289 = arith.constant 13 : index
    %swap3A_290 = arith.constant 0 : index
    %swap3A_291 = vector.load %arg6[%swap3A_288, %swap3A_289, %swap3A_290] : memref<37x64x256xf32, #tpu.memory_space<vmem>>, vector<37x1x256xf32>
    %swap3A_292 = vector.shape_cast %swap3A_291 : vector<37x1x256xf32> to vector<37x256xf32>
    %swap3A_293 = vector.shape_cast %select_n3A_287 : vector<37x256xf32> to vector<37x1x256xf32>
    tpu.vector_store %arg6[%swap3A_288, %swap3A_289, %swap3A_290], %swap3A_293 {strides = array<i32>} : memref<37x64x256xf32, #tpu.memory_space<vmem>>, vector<37x1x256xf32>,
    %eq3A_294 = arith.constant 14 : i32
    %eq3A_295 = vector.broadcast %eq3A_294 : i32 to vector<37x1xi32>
    %eq3A_296 = arith.cmpi eq, %get3A_46, %eq3A_295 : vector<37x1xi32>
    %and3A_297 = arith.andi %eq3A_296, %gt3A_43 : vector<37x1xi1>
    %get3A_298 = arith.constant 0 : index
    %get3A_299 = arith.constant 14 : index
    %get3A_300 = arith.constant 0 : index
    %get3A_301 = vector.load %arg4[%get3A_298, %get3A_299, %get3A_300] : memref<37x64x256xf32, #tpu.memory_space<vmem>>, vector<37x1x256xf32>
    %get3A_302 = vector.shape_cast %get3A_301 : vector<37x1x256xf32> to vector<37x256xf32>
    %broadcast_in_dim3A_303 = vector.shape_cast %and3A_297 : vector<37x1xi1> to vector<37x1xi1>
    %broadcast_in_dim3A_304 = vector.broadcast %broadcast_in_dim3A_303 : vector<37x1xi1> to vector<37x256xi1>
    %select_n3A_305 = arith.select %broadcast_in_dim3A_304, %div3A_41, %get3A_302 : vector<37x256xi1>, vector<37x256xf32>
    %swap3A_306 = arith.constant 0 : index
    %swap3A_307 = arith.constant 14 : index
    %swap3A_308 = arith.constant 0 : index
    %swap3A_309 = vector.load %arg6[%swap3A_306, %swap3A_307, %swap3A_308] : memref<37x64x256xf32, #tpu.memory_space<vmem>>, vector<37x1x256xf32>
    %swap3A_310 = vector.shape_cast %swap3A_309 : vector<37x1x256xf32> to vector<37x256xf32>
    %swap3A_311 = vector.shape_cast %select_n3A_305 : vector<37x256xf32> to vector<37x1x256xf32>
    tpu.vector_store %arg6[%swap3A_306, %swap3A_307, %swap3A_308], %swap3A_311 {strides = array<i32>} : memref<37x64x256xf32, #tpu.memory_space<vmem>>, vector<37x1x256xf32>,
    %eq3A_312 = arith.constant 15 : i32
    %eq3A_313 = vector.broadcast %eq3A_312 : i32 to vector<37x1xi32>
    %eq3A_314 = arith.cmpi eq, %get3A_46, %eq3A_313 : vector<37x1xi32>
    %and3A_315 = arith.andi %eq3A_314, %gt3A_43 : vector<37x1xi1>
    %get3A_316 = arith.constant 0 : index
    %get3A_317 = arith.constant 15 : index
    %get3A_318 = arith.constant 0 : index
    %get3A_319 = vector.load %arg4[%get3A_316, %get3A_317, %get3A_318] : memref<37x64x256xf32, #tpu.memory_space<vmem>>, vector<37x1x256xf32>
    %get3A_320 = vector.shape_cast %get3A_319 : vector<37x1x256xf32> to vector<37x256xf32>
    %broadcast_in_dim3A_321 = vector.shape_cast %and3A_315 : vector<37x1xi1> to vector<37x1xi1>
    %broadcast_in_dim3A_322 = vector.broadcast %broadcast_in_dim3A_321 : vector<37x1xi1> to vector<37x256xi1>
    %select_n3A_323 = arith.select %broadcast_in_dim3A_322, %div3A_41, %get3A_320 : vector<37x256xi1>, vector<37x256xf32>
    %swap3A_324 = arith.constant 0 : index
    %swap3A_325 = arith.constant 15 : index
    %swap3A_326 = arith.constant 0 : index
    %swap3A_327 = vector.load %arg6[%swap3A_324, %swap3A_325, %swap3A_326] : memref<37x64x256xf32, #tpu.memory_space<vmem>>, vector<37x1x256xf32>
    %swap3A_328 = vector.shape_cast %swap3A_327 : vector<37x1x256xf32> to vector<37x256xf32>
    %swap3A_329 = vector.shape_cast %select_n3A_323 : vector<37x256xf32> to vector<37x1x256xf32>
    tpu.vector_store %arg6[%swap3A_324, %swap3A_325, %swap3A_326], %swap3A_329 {strides = array<i32>} : memref<37x64x256xf32, #tpu.memory_space<vmem>>, vector<37x1x256xf32>,
    %eq3A_330 = arith.constant 16 : i32
    %eq3A_331 = vector.broadcast %eq3A_330 : i32 to vector<37x1xi32>
    %eq3A_332 = arith.cmpi eq, %get3A_46, %eq3A_331 : vector<37x1xi32>
    %and3A_333 = arith.andi %eq3A_332, %gt3A_43 : vector<37x1xi1>
    %get3A_334 = arith.constant 0 : index
    %get3A_335 = arith.constant 16 : index
    %get3A_336 = arith.constant 0 : index
    %get3A_337 = vector.load %arg4[%get3A_334, %get3A_335, %get3A_336] : memref<37x64x256xf32, #tpu.memory_space<vmem>>, vector<37x1x256xf32>
    %get3A_338 = vector.shape_cast %get3A_337 : vector<37x1x256xf32> to vector<37x256xf32>
    %broadcast_in_dim3A_339 = vector.shape_cast %and3A_333 : vector<37x1xi1> to vector<37x1xi1>
    %broadcast_in_dim3A_340 = vector.broadcast %broadcast_in_dim3A_339 : vector<37x1xi1> to vector<37x256xi1>
    %select_n3A_341 = arith.select %broadcast_in_dim3A_340, %div3A_41, %get3A_338 : vector<37x256xi1>, vector<37x256xf32>
    %swap3A_342 = arith.constant 0 : index
    %swap3A_343 = arith.constant 16 : index
    %swap3A_344 = arith.constant 0 : index
    %swap3A_345 = vector.load %arg6[%swap3A_342, %swap3A_343, %swap3A_344] : memref<37x64x256xf32, #tpu.memory_space<vmem>>, vector<37x1x256xf32>
    %swap3A_346 = vector.shape_cast %swap3A_345 : vector<37x1x256xf32> to vector<37x256xf32>
    %swap3A_347 = vector.shape_cast %select_n3A_341 : vector<37x256xf32> to vector<37x1x256xf32>
    tpu.vector_store %arg6[%swap3A_342, %swap3A_343, %swap3A_344], %swap3A_347 {strides = array<i32>} : memref<37x64x256xf32, #tpu.memory_space<vmem>>, vector<37x1x256xf32>,
    %eq3A_348 = arith.constant 17 : i32
    %eq3A_349 = vector.broadcast %eq3A_348 : i32 to vector<37x1xi32>
    %eq3A_350 = arith.cmpi eq, %get3A_46, %eq3A_349 : vector<37x1xi32>
    %and3A_351 = arith.andi %eq3A_350, %gt3A_43 : vector<37x1xi1>
    %get3A_352 = arith.constant 0 : index
    %get3A_353 = arith.constant 17 : index
    %get3A_354 = arith.constant 0 : index
    %get3A_355 = vector.load %arg4[%get3A_352, %get3A_353, %get3A_354] : memref<37x64x256xf32, #tpu.memory_space<vmem>>, vector<37x1x256xf32>
    %get3A_356 = vector.shape_cast %get3A_355 : vector<37x1x256xf32> to vector<37x256xf32>
    %broadcast_in_dim3A_357 = vector.shape_cast %and3A_351 : vector<37x1xi1> to vector<37x1xi1>
    %broadcast_in_dim3A_358 = vector.broadcast %broadcast_in_dim3A_357 : vector<37x1xi1> to vector<37x256xi1>
    %select_n3A_359 = arith.select %broadcast_in_dim3A_358, %div3A_41, %get3A_356 : vector<37x256xi1>, vector<37x256xf32>
    %swap3A_360 = arith.constant 0 : index
    %swap3A_361 = arith.constant 17 : index
    %swap3A_362 = arith.constant 0 : index
    %swap3A_363 = vector.load %arg6[%swap3A_360, %swap3A_361, %swap3A_362] : memref<37x64x256xf32, #tpu.memory_space<vmem>>, vector<37x1x256xf32>
    %swap3A_364 = vector.shape_cast %swap3A_363 : vector<37x1x256xf32> to vector<37x256xf32>
    %swap3A_365 = vector.shape_cast %select_n3A_359 : vector<37x256xf32> to vector<37x1x256xf32>
    tpu.vector_store %arg6[%swap3A_360, %swap3A_361, %swap3A_362], %swap3A_365 {strides = array<i32>} : memref<37x64x256xf32, #tpu.memory_space<vmem>>, vector<37x1x256xf32>,
    %eq3A_366 = arith.constant 18 : i32
    %eq3A_367 = vector.broadcast %eq3A_366 : i32 to vector<37x1xi32>
    %eq3A_368 = arith.cmpi eq, %get3A_46, %eq3A_367 : vector<37x1xi32>
    %and3A_369 = arith.andi %eq3A_368, %gt3A_43 : vector<37x1xi1>
    %get3A_370 = arith.constant 0 : index
    %get3A_371 = arith.constant 18 : index
    %get3A_372 = arith.constant 0 : index
    %get3A_373 = vector.load %arg4[%get3A_370, %get3A_371, %get3A_372] : memref<37x64x256xf32, #tpu.memory_space<vmem>>, vector<37x1x256xf32>
    %get3A_374 = vector.shape_cast %get3A_373 : vector<37x1x256xf32> to vector<37x256xf32>
    %broadcast_in_dim3A_375 = vector.shape_cast %and3A_369 : vector<37x1xi1> to vector<37x1xi1>
    %broadcast_in_dim3A_376 = vector.broadcast %broadcast_in_dim3A_375 : vector<37x1xi1> to vector<37x256xi1>
    %select_n3A_377 = arith.select %broadcast_in_dim3A_376, %div3A_41, %get3A_374 : vector<37x256xi1>, vector<37x256xf32>
    %swap3A_378 = arith.constant 0 : index
    %swap3A_379 = arith.constant 18 : index
    %swap3A_380 = arith.constant 0 : index
    %swap3A_381 = vector.load %arg6[%swap3A_378, %swap3A_379, %swap3A_380] : memref<37x64x256xf32, #tpu.memory_space<vmem>>, vector<37x1x256xf32>
    %swap3A_382 = vector.shape_cast %swap3A_381 : vector<37x1x256xf32> to vector<37x256xf32>
    %swap3A_383 = vector.shape_cast %select_n3A_377 : vector<37x256xf32> to vector<37x1x256xf32>
    tpu.vector_store %arg6[%swap3A_378, %swap3A_379, %swap3A_380], %swap3A_383 {strides = array<i32>} : memref<37x64x256xf32, #tpu.memory_space<vmem>>, vector<37x1x256xf32>,
    %eq3A_384 = arith.constant 19 : i32
    %eq3A_385 = vector.broadcast %eq3A_384 : i32 to vector<37x1xi32>
    %eq3A_386 = arith.cmpi eq, %get3A_46, %eq3A_385 : vector<37x1xi32>
    %and3A_387 = arith.andi %eq3A_386, %gt3A_43 : vector<37x1xi1>
    %get3A_388 = arith.constant 0 : index
    %get3A_389 = arith.constant 19 : index
    %get3A_390 = arith.constant 0 : index
    %get3A_391 = vector.load %arg4[%get3A_388, %get3A_389, %get3A_390] : memref<37x64x256xf32, #tpu.memory_space<vmem>>, vector<37x1x256xf32>
    %get3A_392 = vector.shape_cast %get3A_391 : vector<37x1x256xf32> to vector<37x256xf32>
    %broadcast_in_dim3A_393 = vector.shape_cast %and3A_387 : vector<37x1xi1> to vector<37x1xi1>
    %broadcast_in_dim3A_394 = vector.broadcast %broadcast_in_dim3A_393 : vector<37x1xi1> to vector<37x256xi1>
    %select_n3A_395 = arith.select %broadcast_in_dim3A_394, %div3A_41, %get3A_392 : vector<37x256xi1>, vector<37x256xf32>
    %swap3A_396 = arith.constant 0 : index
    %swap3A_397 = arith.constant 19 : index
    %swap3A_398 = arith.constant 0 : index
    %swap3A_399 = vector.load %arg6[%swap3A_396, %swap3A_397, %swap3A_398] : memref<37x64x256xf32, #tpu.memory_space<vmem>>, vector<37x1x256xf32>
    %swap3A_400 = vector.shape_cast %swap3A_399 : vector<37x1x256xf32> to vector<37x256xf32>
    %swap3A_401 = vector.shape_cast %select_n3A_395 : vector<37x256xf32> to vector<37x1x256xf32>
    tpu.vector_store %arg6[%swap3A_396, %swap3A_397, %swap3A_398], %swap3A_401 {strides = array<i32>} : memref<37x64x256xf32, #tpu.memory_space<vmem>>, vector<37x1x256xf32>,
    %eq3A_402 = arith.constant 20 : i32
    %eq3A_403 = vector.broadcast %eq3A_402 : i32 to vector<37x1xi32>
    %eq3A_404 = arith.cmpi eq, %get3A_46, %eq3A_403 : vector<37x1xi32>
    %and3A_405 = arith.andi %eq3A_404, %gt3A_43 : vector<37x1xi1>
    %get3A_406 = arith.constant 0 : index
    %get3A_407 = arith.constant 20 : index
    %get3A_408 = arith.constant 0 : index
    %get3A_409 = vector.load %arg4[%get3A_406, %get3A_407, %get3A_408] : memref<37x64x256xf32, #tpu.memory_space<vmem>>, vector<37x1x256xf32>
    %get3A_410 = vector.shape_cast %get3A_409 : vector<37x1x256xf32> to vector<37x256xf32>
    %broadcast_in_dim3A_411 = vector.shape_cast %and3A_405 : vector<37x1xi1> to vector<37x1xi1>
    %broadcast_in_dim3A_412 = vector.broadcast %broadcast_in_dim3A_411 : vector<37x1xi1> to vector<37x256xi1>
    %select_n3A_413 = arith.select %broadcast_in_dim3A_412, %div3A_41, %get3A_410 : vector<37x256xi1>, vector<37x256xf32>
    %swap3A_414 = arith.constant 0 : index
    %swap3A_415 = arith.constant 20 : index
    %swap3A_416 = arith.constant 0 : index
    %swap3A_417 = vector.load %arg6[%swap3A_414, %swap3A_415, %swap3A_416] : memref<37x64x256xf32, #tpu.memory_space<vmem>>, vector<37x1x256xf32>
    %swap3A_418 = vector.shape_cast %swap3A_417 : vector<37x1x256xf32> to vector<37x256xf32>
    %swap3A_419 = vector.shape_cast %select_n3A_413 : vector<37x256xf32> to vector<37x1x256xf32>
    tpu.vector_store %arg6[%swap3A_414, %swap3A_415, %swap3A_416], %swap3A_419 {strides = array<i32>} : memref<37x64x256xf32, #tpu.memory_space<vmem>>, vector<37x1x256xf32>,
    %eq3A_420 = arith.constant 21 : i32
    %eq3A_421 = vector.broadcast %eq3A_420 : i32 to vector<37x1xi32>
    %eq3A_422 = arith.cmpi eq, %get3A_46, %eq3A_421 : vector<37x1xi32>
    %and3A_423 = arith.andi %eq3A_422, %gt3A_43 : vector<37x1xi1>
    %get3A_424 = arith.constant 0 : index
    %get3A_425 = arith.constant 21 : index
    %get3A_426 = arith.constant 0 : index
    %get3A_427 = vector.load %arg4[%get3A_424, %get3A_425, %get3A_426] : memref<37x64x256xf32, #tpu.memory_space<vmem>>, vector<37x1x256xf32>
    %get3A_428 = vector.shape_cast %get3A_427 : vector<37x1x256xf32> to vector<37x256xf32>
    %broadcast_in_dim3A_429 = vector.shape_cast %and3A_423 : vector<37x1xi1> to vector<37x1xi1>
    %broadcast_in_dim3A_430 = vector.broadcast %broadcast_in_dim3A_429 : vector<37x1xi1> to vector<37x256xi1>
    %select_n3A_431 = arith.select %broadcast_in_dim3A_430, %div3A_41, %get3A_428 : vector<37x256xi1>, vector<37x256xf32>
    %swap3A_432 = arith.constant 0 : index
    %swap3A_433 = arith.constant 21 : index
    %swap3A_434 = arith.constant 0 : index
    %swap3A_435 = vector.load %arg6[%swap3A_432, %swap3A_433, %swap3A_434] : memref<37x64x256xf32, #tpu.memory_space<vmem>>, vector<37x1x256xf32>
    %swap3A_436 = vector.shape_cast %swap3A_435 : vector<37x1x256xf32> to vector<37x256xf32>
    %swap3A_437 = vector.shape_cast %select_n3A_431 : vector<37x256xf32> to vector<37x1x256xf32>
    tpu.vector_store %arg6[%swap3A_432, %swap3A_433, %swap3A_434], %swap3A_437 {strides = array<i32>} : memref<37x64x256xf32, #tpu.memory_space<vmem>>, vector<37x1x256xf32>,
    %eq3A_438 = arith.constant 22 : i32
    %eq3A_439 = vector.broadcast %eq3A_438 : i32 to vector<37x1xi32>
    %eq3A_440 = arith.cmpi eq, %get3A_46, %eq3A_439 : vector<37x1xi32>
    %and3A_441 = arith.andi %eq3A_440, %gt3A_43 : vector<37x1xi1>
    %get3A_442 = arith.constant 0 : index
    %get3A_443 = arith.constant 22 : index
    %get3A_444 = arith.constant 0 : index
    %get3A_445 = vector.load %arg4[%get3A_442, %get3A_443, %get3A_444] : memref<37x64x256xf32, #tpu.memory_space<vmem>>, vector<37x1x256xf32>
    %get3A_446 = vector.shape_cast %get3A_445 : vector<37x1x256xf32> to vector<37x256xf32>
    %broadcast_in_dim3A_447 = vector.shape_cast %and3A_441 : vector<37x1xi1> to vector<37x1xi1>
    %broadcast_in_dim3A_448 = vector.broadcast %broadcast_in_dim3A_447 : vector<37x1xi1> to vector<37x256xi1>
    %select_n3A_449 = arith.select %broadcast_in_dim3A_448, %div3A_41, %get3A_446 : vector<37x256xi1>, vector<37x256xf32>
    %swap3A_450 = arith.constant 0 : index
    %swap3A_451 = arith.constant 22 : index
    %swap3A_452 = arith.constant 0 : index
    %swap3A_453 = vector.load %arg6[%swap3A_450, %swap3A_451, %swap3A_452] : memref<37x64x256xf32, #tpu.memory_space<vmem>>, vector<37x1x256xf32>
    %swap3A_454 = vector.shape_cast %swap3A_453 : vector<37x1x256xf32> to vector<37x256xf32>
    %swap3A_455 = vector.shape_cast %select_n3A_449 : vector<37x256xf32> to vector<37x1x256xf32>
    tpu.vector_store %arg6[%swap3A_450, %swap3A_451, %swap3A_452], %swap3A_455 {strides = array<i32>} : memref<37x64x256xf32, #tpu.memory_space<vmem>>, vector<37x1x256xf32>,
    %eq3A_456 = arith.constant 23 : i32
    %eq3A_457 = vector.broadcast %eq3A_456 : i32 to vector<37x1xi32>
    %eq3A_458 = arith.cmpi eq, %get3A_46, %eq3A_457 : vector<37x1xi32>
    %and3A_459 = arith.andi %eq3A_458, %gt3A_43 : vector<37x1xi1>
    %get3A_460 = arith.constant 0 : index
    %get3A_461 = arith.constant 23 : index
    %get3A_462 = arith.constant 0 : index
    %get3A_463 = vector.load %arg4[%get3A_460, %get3A_461, %get3A_462] : memref<37x64x256xf32, #tpu.memory_space<vmem>>, vector<37x1x256xf32>
    %get3A_464 = vector.shape_cast %get3A_463 : vector<37x1x256xf32> to vector<37x256xf32>
    %broadcast_in_dim3A_465 = vector.shape_cast %and3A_459 : vector<37x1xi1> to vector<37x1xi1>
    %broadcast_in_dim3A_466 = vector.broadcast %broadcast_in_dim3A_465 : vector<37x1xi1> to vector<37x256xi1>
    %select_n3A_467 = arith.select %broadcast_in_dim3A_466, %div3A_41, %get3A_464 : vector<37x256xi1>, vector<37x256xf32>
    %swap3A_468 = arith.constant 0 : index
    %swap3A_469 = arith.constant 23 : index
    %swap3A_470 = arith.constant 0 : index
    %swap3A_471 = vector.load %arg6[%swap3A_468, %swap3A_469, %swap3A_470] : memref<37x64x256xf32, #tpu.memory_space<vmem>>, vector<37x1x256xf32>
    %swap3A_472 = vector.shape_cast %swap3A_471 : vector<37x1x256xf32> to vector<37x256xf32>
    %swap3A_473 = vector.shape_cast %select_n3A_467 : vector<37x256xf32> to vector<37x1x256xf32>
    tpu.vector_store %arg6[%swap3A_468, %swap3A_469, %swap3A_470], %swap3A_473 {strides = array<i32>} : memref<37x64x256xf32, #tpu.memory_space<vmem>>, vector<37x1x256xf32>,
    %eq3A_474 = arith.constant 24 : i32
    %eq3A_475 = vector.broadcast %eq3A_474 : i32 to vector<37x1xi32>
    %eq3A_476 = arith.cmpi eq, %get3A_46, %eq3A_475 : vector<37x1xi32>
    %and3A_477 = arith.andi %eq3A_476, %gt3A_43 : vector<37x1xi1>
    %get3A_478 = arith.constant 0 : index
    %get3A_479 = arith.constant 24 : index
    %get3A_480 = arith.constant 0 : index
    %get3A_481 = vector.load %arg4[%get3A_478, %get3A_479, %get3A_480] : memref<37x64x256xf32, #tpu.memory_space<vmem>>, vector<37x1x256xf32>
    %get3A_482 = vector.shape_cast %get3A_481 : vector<37x1x256xf32> to vector<37x256xf32>
    %broadcast_in_dim3A_483 = vector.shape_cast %and3A_477 : vector<37x1xi1> to vector<37x1xi1>
    %broadcast_in_dim3A_484 = vector.broadcast %broadcast_in_dim3A_483 : vector<37x1xi1> to vector<37x256xi1>
    %select_n3A_485 = arith.select %broadcast_in_dim3A_484, %div3A_41, %get3A_482 : vector<37x256xi1>, vector<37x256xf32>
    %swap3A_486 = arith.constant 0 : index
    %swap3A_487 = arith.constant 24 : index
    %swap3A_488 = arith.constant 0 : index
    %swap3A_489 = vector.load %arg6[%swap3A_486, %swap3A_487, %swap3A_488] : memref<37x64x256xf32, #tpu.memory_space<vmem>>, vector<37x1x256xf32>
    %swap3A_490 = vector.shape_cast %swap3A_489 : vector<37x1x256xf32> to vector<37x256xf32>
    %swap3A_491 = vector.shape_cast %select_n3A_485 : vector<37x256xf32> to vector<37x1x256xf32>
    tpu.vector_store %arg6[%swap3A_486, %swap3A_487, %swap3A_488], %swap3A_491 {strides = array<i32>} : memref<37x64x256xf32, #tpu.memory_space<vmem>>, vector<37x1x256xf32>,
    %eq3A_492 = arith.constant 25 : i32
    %eq3A_493 = vector.broadcast %eq3A_492 : i32 to vector<37x1xi32>
    %eq3A_494 = arith.cmpi eq, %get3A_46, %eq3A_493 : vector<37x1xi32>
    %and3A_495 = arith.andi %eq3A_494, %gt3A_43 : vector<37x1xi1>
    %get3A_496 = arith.constant 0 : index
    %get3A_497 = arith.constant 25 : index
    %get3A_498 = arith.constant 0 : index
    %get3A_499 = vector.load %arg4[%get3A_496, %get3A_497, %get3A_498] : memref<37x64x256xf32, #tpu.memory_space<vmem>>, vector<37x1x256xf32>
    %get3A_500 = vector.shape_cast %get3A_499 : vector<37x1x256xf32> to vector<37x256xf32>
    %broadcast_in_dim3A_501 = vector.shape_cast %and3A_495 : vector<37x1xi1> to vector<37x1xi1>
    %broadcast_in_dim3A_502 = vector.broadcast %broadcast_in_dim3A_501 : vector<37x1xi1> to vector<37x256xi1>
    %select_n3A_503 = arith.select %broadcast_in_dim3A_502, %div3A_41, %get3A_500 : vector<37x256xi1>, vector<37x256xf32>
    %swap3A_504 = arith.constant 0 : index
    %swap3A_505 = arith.constant 25 : index
    %swap3A_506 = arith.constant 0 : index
    %swap3A_507 = vector.load %arg6[%swap3A_504, %swap3A_505, %swap3A_506] : memref<37x64x256xf32, #tpu.memory_space<vmem>>, vector<37x1x256xf32>
    %swap3A_508 = vector.shape_cast %swap3A_507 : vector<37x1x256xf32> to vector<37x256xf32>
    %swap3A_509 = vector.shape_cast %select_n3A_503 : vector<37x256xf32> to vector<37x1x256xf32>
    tpu.vector_store %arg6[%swap3A_504, %swap3A_505, %swap3A_506], %swap3A_509 {strides = array<i32>} : memref<37x64x256xf32, #tpu.memory_space<vmem>>, vector<37x1x256xf32>,
    %eq3A_510 = arith.constant 26 : i32
    %eq3A_511 = vector.broadcast %eq3A_510 : i32 to vector<37x1xi32>
    %eq3A_512 = arith.cmpi eq, %get3A_46, %eq3A_511 : vector<37x1xi32>
    %and3A_513 = arith.andi %eq3A_512, %gt3A_43 : vector<37x1xi1>
    %get3A_514 = arith.constant 0 : index
    %get3A_515 = arith.constant 26 : index
    %get3A_516 = arith.constant 0 : index
    %get3A_517 = vector.load %arg4[%get3A_514, %get3A_515, %get3A_516] : memref<37x64x256xf32, #tpu.memory_space<vmem>>, vector<37x1x256xf32>
    %get3A_518 = vector.shape_cast %get3A_517 : vector<37x1x256xf32> to vector<37x256xf32>
    %broadcast_in_dim3A_519 = vector.shape_cast %and3A_513 : vector<37x1xi1> to vector<37x1xi1>
    %broadcast_in_dim3A_520 = vector.broadcast %broadcast_in_dim3A_519 : vector<37x1xi1> to vector<37x256xi1>
    %select_n3A_521 = arith.select %broadcast_in_dim3A_520, %div3A_41, %get3A_518 : vector<37x256xi1>, vector<37x256xf32>
    %swap3A_522 = arith.constant 0 : index
    %swap3A_523 = arith.constant 26 : index
    %swap3A_524 = arith.constant 0 : index
    %swap3A_525 = vector.load %arg6[%swap3A_522, %swap3A_523, %swap3A_524] : memref<37x64x256xf32, #tpu.memory_space<vmem>>, vector<37x1x256xf32>
    %swap3A_526 = vector.shape_cast %swap3A_525 : vector<37x1x256xf32> to vector<37x256xf32>
    %swap3A_527 = vector.shape_cast %select_n3A_521 : vector<37x256xf32> to vector<37x1x256xf32>
    tpu.vector_store %arg6[%swap3A_522, %swap3A_523, %swap3A_524], %swap3A_527 {strides = array<i32>} : memref<37x64x256xf32, #tpu.memory_space<vmem>>, vector<37x1x256xf32>,
    %eq3A_528 = arith.constant 27 : i32
    %eq3A_529 = vector.broadcast %eq3A_528 : i32 to vector<37x1xi32>
    %eq3A_530 = arith.cmpi eq, %get3A_46, %eq3A_529 : vector<37x1xi32>
    %and3A_531 = arith.andi %eq3A_530, %gt3A_43 : vector<37x1xi1>
    %get3A_532 = arith.constant 0 : index
    %get3A_533 = arith.constant 27 : index
    %get3A_534 = arith.constant 0 : index
    %get3A_535 = vector.load %arg4[%get3A_532, %get3A_533, %get3A_534] : memref<37x64x256xf32, #tpu.memory_space<vmem>>, vector<37x1x256xf32>
    %get3A_536 = vector.shape_cast %get3A_535 : vector<37x1x256xf32> to vector<37x256xf32>
    %broadcast_in_dim3A_537 = vector.shape_cast %and3A_531 : vector<37x1xi1> to vector<37x1xi1>
    %broadcast_in_dim3A_538 = vector.broadcast %broadcast_in_dim3A_537 : vector<37x1xi1> to vector<37x256xi1>
    %select_n3A_539 = arith.select %broadcast_in_dim3A_538, %div3A_41, %get3A_536 : vector<37x256xi1>, vector<37x256xf32>
    %swap3A_540 = arith.constant 0 : index
    %swap3A_541 = arith.constant 27 : index
    %swap3A_542 = arith.constant 0 : index
    %swap3A_543 = vector.load %arg6[%swap3A_540, %swap3A_541, %swap3A_542] : memref<37x64x256xf32, #tpu.memory_space<vmem>>, vector<37x1x256xf32>
    %swap3A_544 = vector.shape_cast %swap3A_543 : vector<37x1x256xf32> to vector<37x256xf32>
    %swap3A_545 = vector.shape_cast %select_n3A_539 : vector<37x256xf32> to vector<37x1x256xf32>
    tpu.vector_store %arg6[%swap3A_540, %swap3A_541, %swap3A_542], %swap3A_545 {strides = array<i32>} : memref<37x64x256xf32, #tpu.memory_space<vmem>>, vector<37x1x256xf32>,
    %eq3A_546 = arith.constant 28 : i32
    %eq3A_547 = vector.broadcast %eq3A_546 : i32 to vector<37x1xi32>
    %eq3A_548 = arith.cmpi eq, %get3A_46, %eq3A_547 : vector<37x1xi32>
    %and3A_549 = arith.andi %eq3A_548, %gt3A_43 : vector<37x1xi1>
    %get3A_550 = arith.constant 0 : index
    %get3A_551 = arith.constant 28 : index
    %get3A_552 = arith.constant 0 : index
    %get3A_553 = vector.load %arg4[%get3A_550, %get3A_551, %get3A_552] : memref<37x64x256xf32, #tpu.memory_space<vmem>>, vector<37x1x256xf32>
    %get3A_554 = vector.shape_cast %get3A_553 : vector<37x1x256xf32> to vector<37x256xf32>
    %broadcast_in_dim3A_555 = vector.shape_cast %and3A_549 : vector<37x1xi1> to vector<37x1xi1>
    %broadcast_in_dim3A_556 = vector.broadcast %broadcast_in_dim3A_555 : vector<37x1xi1> to vector<37x256xi1>
    %select_n3A_557 = arith.select %broadcast_in_dim3A_556, %div3A_41, %get3A_554 : vector<37x256xi1>, vector<37x256xf32>
    %swap3A_558 = arith.constant 0 : index
    %swap3A_559 = arith.constant 28 : index
    %swap3A_560 = arith.constant 0 : index
    %swap3A_561 = vector.load %arg6[%swap3A_558, %swap3A_559, %swap3A_560] : memref<37x64x256xf32, #tpu.memory_space<vmem>>, vector<37x1x256xf32>
    %swap3A_562 = vector.shape_cast %swap3A_561 : vector<37x1x256xf32> to vector<37x256xf32>
    %swap3A_563 = vector.shape_cast %select_n3A_557 : vector<37x256xf32> to vector<37x1x256xf32>
    tpu.vector_store %arg6[%swap3A_558, %swap3A_559, %swap3A_560], %swap3A_563 {strides = array<i32>} : memref<37x64x256xf32, #tpu.memory_space<vmem>>, vector<37x1x256xf32>,
    %eq3A_564 = arith.constant 29 : i32
    %eq3A_565 = vector.broadcast %eq3A_564 : i32 to vector<37x1xi32>
    %eq3A_566 = arith.cmpi eq, %get3A_46, %eq3A_565 : vector<37x1xi32>
    %and3A_567 = arith.andi %eq3A_566, %gt3A_43 : vector<37x1xi1>
    %get3A_568 = arith.constant 0 : index
    %get3A_569 = arith.constant 29 : index
    %get3A_570 = arith.constant 0 : index
    %get3A_571 = vector.load %arg4[%get3A_568, %get3A_569, %get3A_570] : memref<37x64x256xf32, #tpu.memory_space<vmem>>, vector<37x1x256xf32>
    %get3A_572 = vector.shape_cast %get3A_571 : vector<37x1x256xf32> to vector<37x256xf32>
    %broadcast_in_dim3A_573 = vector.shape_cast %and3A_567 : vector<37x1xi1> to vector<37x1xi1>
    %broadcast_in_dim3A_574 = vector.broadcast %broadcast_in_dim3A_573 : vector<37x1xi1> to vector<37x256xi1>
    %select_n3A_575 = arith.select %broadcast_in_dim3A_574, %div3A_41, %get3A_572 : vector<37x256xi1>, vector<37x256xf32>
    %swap3A_576 = arith.constant 0 : index
    %swap3A_577 = arith.constant 29 : index
    %swap3A_578 = arith.constant 0 : index
    %swap3A_579 = vector.load %arg6[%swap3A_576, %swap3A_577, %swap3A_578] : memref<37x64x256xf32, #tpu.memory_space<vmem>>, vector<37x1x256xf32>
    %swap3A_580 = vector.shape_cast %swap3A_579 : vector<37x1x256xf32> to vector<37x256xf32>
    %swap3A_581 = vector.shape_cast %select_n3A_575 : vector<37x256xf32> to vector<37x1x256xf32>
    tpu.vector_store %arg6[%swap3A_576, %swap3A_577, %swap3A_578], %swap3A_581 {strides = array<i32>} : memref<37x64x256xf32, #tpu.memory_space<vmem>>, vector<37x1x256xf32>,
    %eq3A_582 = arith.constant 30 : i32
    %eq3A_583 = vector.broadcast %eq3A_582 : i32 to vector<37x1xi32>
    %eq3A_584 = arith.cmpi eq, %get3A_46, %eq3A_583 : vector<37x1xi32>
    %and3A_585 = arith.andi %eq3A_584, %gt3A_43 : vector<37x1xi1>
    %get3A_586 = arith.constant 0 : index
    %get3A_587 = arith.constant 30 : index
    %get3A_588 = arith.constant 0 : index
    %get3A_589 = vector.load %arg4[%get3A_586, %get3A_587, %get3A_588] : memref<37x64x256xf32, #tpu.memory_space<vmem>>, vector<37x1x256xf32>
    %get3A_590 = vector.shape_cast %get3A_589 : vector<37x1x256xf32> to vector<37x256xf32>
    %broadcast_in_dim3A_591 = vector.shape_cast %and3A_585 : vector<37x1xi1> to vector<37x1xi1>
    %broadcast_in_dim3A_592 = vector.broadcast %broadcast_in_dim3A_591 : vector<37x1xi1> to vector<37x256xi1>
    %select_n3A_593 = arith.select %broadcast_in_dim3A_592, %div3A_41, %get3A_590 : vector<37x256xi1>, vector<37x256xf32>
    %swap3A_594 = arith.constant 0 : index
    %swap3A_595 = arith.constant 30 : index
    %swap3A_596 = arith.constant 0 : index
    %swap3A_597 = vector.load %arg6[%swap3A_594, %swap3A_595, %swap3A_596] : memref<37x64x256xf32, #tpu.memory_space<vmem>>, vector<37x1x256xf32>
    %swap3A_598 = vector.shape_cast %swap3A_597 : vector<37x1x256xf32> to vector<37x256xf32>
    %swap3A_599 = vector.shape_cast %select_n3A_593 : vector<37x256xf32> to vector<37x1x256xf32>
    tpu.vector_store %arg6[%swap3A_594, %swap3A_595, %swap3A_596], %swap3A_599 {strides = array<i32>} : memref<37x64x256xf32, #tpu.memory_space<vmem>>, vector<37x1x256xf32>,
    %eq3A_600 = arith.constant 31 : i32
    %eq3A_601 = vector.broadcast %eq3A_600 : i32 to vector<37x1xi32>
    %eq3A_602 = arith.cmpi eq, %get3A_46, %eq3A_601 : vector<37x1xi32>
    %and3A_603 = arith.andi %eq3A_602, %gt3A_43 : vector<37x1xi1>
    %get3A_604 = arith.constant 0 : index
    %get3A_605 = arith.constant 31 : index
    %get3A_606 = arith.constant 0 : index
    %get3A_607 = vector.load %arg4[%get3A_604, %get3A_605, %get3A_606] : memref<37x64x256xf32, #tpu.memory_space<vmem>>, vector<37x1x256xf32>
    %get3A_608 = vector.shape_cast %get3A_607 : vector<37x1x256xf32> to vector<37x256xf32>
    %broadcast_in_dim3A_609 = vector.shape_cast %and3A_603 : vector<37x1xi1> to vector<37x1xi1>
    %broadcast_in_dim3A_610 = vector.broadcast %broadcast_in_dim3A_609 : vector<37x1xi1> to vector<37x256xi1>
    %select_n3A_611 = arith.select %broadcast_in_dim3A_610, %div3A_41, %get3A_608 : vector<37x256xi1>, vector<37x256xf32>
    %swap3A_612 = arith.constant 0 : index
    %swap3A_613 = arith.constant 31 : index
    %swap3A_614 = arith.constant 0 : index
    %swap3A_615 = vector.load %arg6[%swap3A_612, %swap3A_613, %swap3A_614] : memref<37x64x256xf32, #tpu.memory_space<vmem>>, vector<37x1x256xf32>
    %swap3A_616 = vector.shape_cast %swap3A_615 : vector<37x1x256xf32> to vector<37x256xf32>
    %swap3A_617 = vector.shape_cast %select_n3A_611 : vector<37x256xf32> to vector<37x1x256xf32>
    tpu.vector_store %arg6[%swap3A_612, %swap3A_613, %swap3A_614], %swap3A_617 {strides = array<i32>} : memref<37x64x256xf32, #tpu.memory_space<vmem>>, vector<37x1x256xf32>,
    %eq3A_618 = arith.constant 32 : i32
    %eq3A_619 = vector.broadcast %eq3A_618 : i32 to vector<37x1xi32>
    %eq3A_620 = arith.cmpi eq, %get3A_46, %eq3A_619 : vector<37x1xi32>
    %and3A_621 = arith.andi %eq3A_620, %gt3A_43 : vector<37x1xi1>
    %get3A_622 = arith.constant 0 : index
    %get3A_623 = arith.constant 32 : index
    %get3A_624 = arith.constant 0 : index
    %get3A_625 = vector.load %arg4[%get3A_622, %get3A_623, %get3A_624] : memref<37x64x256xf32, #tpu.memory_space<vmem>>, vector<37x1x256xf32>
    %get3A_626 = vector.shape_cast %get3A_625 : vector<37x1x256xf32> to vector<37x256xf32>
    %broadcast_in_dim3A_627 = vector.shape_cast %and3A_621 : vector<37x1xi1> to vector<37x1xi1>
    %broadcast_in_dim3A_628 = vector.broadcast %broadcast_in_dim3A_627 : vector<37x1xi1> to vector<37x256xi1>
    %select_n3A_629 = arith.select %broadcast_in_dim3A_628, %div3A_41, %get3A_626 : vector<37x256xi1>, vector<37x256xf32>
    %swap3A_630 = arith.constant 0 : index
    %swap3A_631 = arith.constant 32 : index
    %swap3A_632 = arith.constant 0 : index
    %swap3A_633 = vector.load %arg6[%swap3A_630, %swap3A_631, %swap3A_632] : memref<37x64x256xf32, #tpu.memory_space<vmem>>, vector<37x1x256xf32>
    %swap3A_634 = vector.shape_cast %swap3A_633 : vector<37x1x256xf32> to vector<37x256xf32>
    %swap3A_635 = vector.shape_cast %select_n3A_629 : vector<37x256xf32> to vector<37x1x256xf32>
    tpu.vector_store %arg6[%swap3A_630, %swap3A_631, %swap3A_632], %swap3A_635 {strides = array<i32>} : memref<37x64x256xf32, #tpu.memory_space<vmem>>, vector<37x1x256xf32>,
    %eq3A_636 = arith.constant 33 : i32
    %eq3A_637 = vector.broadcast %eq3A_636 : i32 to vector<37x1xi32>
    %eq3A_638 = arith.cmpi eq, %get3A_46, %eq3A_637 : vector<37x1xi32>
    %and3A_639 = arith.andi %eq3A_638, %gt3A_43 : vector<37x1xi1>
    %get3A_640 = arith.constant 0 : index
    %get3A_641 = arith.constant 33 : index
    %get3A_642 = arith.constant 0 : index
    %get3A_643 = vector.load %arg4[%get3A_640, %get3A_641, %get3A_642] : memref<37x64x256xf32, #tpu.memory_space<vmem>>, vector<37x1x256xf32>
    %get3A_644 = vector.shape_cast %get3A_643 : vector<37x1x256xf32> to vector<37x256xf32>
    %broadcast_in_dim3A_645 = vector.shape_cast %and3A_639 : vector<37x1xi1> to vector<37x1xi1>
    %broadcast_in_dim3A_646 = vector.broadcast %broadcast_in_dim3A_645 : vector<37x1xi1> to vector<37x256xi1>
    %select_n3A_647 = arith.select %broadcast_in_dim3A_646, %div3A_41, %get3A_644 : vector<37x256xi1>, vector<37x256xf32>
    %swap3A_648 = arith.constant 0 : index
    %swap3A_649 = arith.constant 33 : index
    %swap3A_650 = arith.constant 0 : index
    %swap3A_651 = vector.load %arg6[%swap3A_648, %swap3A_649, %swap3A_650] : memref<37x64x256xf32, #tpu.memory_space<vmem>>, vector<37x1x256xf32>
    %swap3A_652 = vector.shape_cast %swap3A_651 : vector<37x1x256xf32> to vector<37x256xf32>
    %swap3A_653 = vector.shape_cast %select_n3A_647 : vector<37x256xf32> to vector<37x1x256xf32>
    tpu.vector_store %arg6[%swap3A_648, %swap3A_649, %swap3A_650], %swap3A_653 {strides = array<i32>} : memref<37x64x256xf32, #tpu.memory_space<vmem>>, vector<37x1x256xf32>,
    %eq3A_654 = arith.constant 34 : i32
    %eq3A_655 = vector.broadcast %eq3A_654 : i32 to vector<37x1xi32>
    %eq3A_656 = arith.cmpi eq, %get3A_46, %eq3A_655 : vector<37x1xi32>
    %and3A_657 = arith.andi %eq3A_656, %gt3A_43 : vector<37x1xi1>
    %get3A_658 = arith.constant 0 : index
    %get3A_659 = arith.constant 34 : index
    %get3A_660 = arith.constant 0 : index
    %get3A_661 = vector.load %arg4[%get3A_658, %get3A_659, %get3A_660] : memref<37x64x256xf32, #tpu.memory_space<vmem>>, vector<37x1x256xf32>
    %get3A_662 = vector.shape_cast %get3A_661 : vector<37x1x256xf32> to vector<37x256xf32>
    %broadcast_in_dim3A_663 = vector.shape_cast %and3A_657 : vector<37x1xi1> to vector<37x1xi1>
    %broadcast_in_dim3A_664 = vector.broadcast %broadcast_in_dim3A_663 : vector<37x1xi1> to vector<37x256xi1>
    %select_n3A_665 = arith.select %broadcast_in_dim3A_664, %div3A_41, %get3A_662 : vector<37x256xi1>, vector<37x256xf32>
    %swap3A_666 = arith.constant 0 : index
    %swap3A_667 = arith.constant 34 : index
    %swap3A_668 = arith.constant 0 : index
    %swap3A_669 = vector.load %arg6[%swap3A_666, %swap3A_667, %swap3A_668] : memref<37x64x256xf32, #tpu.memory_space<vmem>>, vector<37x1x256xf32>
    %swap3A_670 = vector.shape_cast %swap3A_669 : vector<37x1x256xf32> to vector<37x256xf32>
    %swap3A_671 = vector.shape_cast %select_n3A_665 : vector<37x256xf32> to vector<37x1x256xf32>
    tpu.vector_store %arg6[%swap3A_666, %swap3A_667, %swap3A_668], %swap3A_671 {strides = array<i32>} : memref<37x64x256xf32, #tpu.memory_space<vmem>>, vector<37x1x256xf32>,
    %eq3A_672 = arith.constant 35 : i32
    %eq3A_673 = vector.broadcast %eq3A_672 : i32 to vector<37x1xi32>
    %eq3A_674 = arith.cmpi eq, %get3A_46, %eq3A_673 : vector<37x1xi32>
    %and3A_675 = arith.andi %eq3A_674, %gt3A_43 : vector<37x1xi1>
    %get3A_676 = arith.constant 0 : index
    %get3A_677 = arith.constant 35 : index
    %get3A_678 = arith.constant 0 : index
    %get3A_679 = vector.load %arg4[%get3A_676, %get3A_677, %get3A_678] : memref<37x64x256xf32, #tpu.memory_space<vmem>>, vector<37x1x256xf32>
    %get3A_680 = vector.shape_cast %get3A_679 : vector<37x1x256xf32> to vector<37x256xf32>
    %broadcast_in_dim3A_681 = vector.shape_cast %and3A_675 : vector<37x1xi1> to vector<37x1xi1>
    %broadcast_in_dim3A_682 = vector.broadcast %broadcast_in_dim3A_681 : vector<37x1xi1> to vector<37x256xi1>
    %select_n3A_683 = arith.select %broadcast_in_dim3A_682, %div3A_41, %get3A_680 : vector<37x256xi1>, vector<37x256xf32>
    %swap3A_684 = arith.constant 0 : index
    %swap3A_685 = arith.constant 35 : index
    %swap3A_686 = arith.constant 0 : index
    %swap3A_687 = vector.load %arg6[%swap3A_684, %swap3A_685, %swap3A_686] : memref<37x64x256xf32, #tpu.memory_space<vmem>>, vector<37x1x256xf32>
    %swap3A_688 = vector.shape_cast %swap3A_687 : vector<37x1x256xf32> to vector<37x256xf32>
    %swap3A_689 = vector.shape_cast %select_n3A_683 : vector<37x256xf32> to vector<37x1x256xf32>
    tpu.vector_store %arg6[%swap3A_684, %swap3A_685, %swap3A_686], %swap3A_689 {strides = array<i32>} : memref<37x64x256xf32, #tpu.memory_space<vmem>>, vector<37x1x256xf32>,
    %eq3A_690 = arith.constant 36 : i32
    %eq3A_691 = vector.broadcast %eq3A_690 : i32 to vector<37x1xi32>
    %eq3A_692 = arith.cmpi eq, %get3A_46, %eq3A_691 : vector<37x1xi32>
    %and3A_693 = arith.andi %eq3A_692, %gt3A_43 : vector<37x1xi1>
    %get3A_694 = arith.constant 0 : index
    %get3A_695 = arith.constant 36 : index
    %get3A_696 = arith.constant 0 : index
    %get3A_697 = vector.load %arg4[%get3A_694, %get3A_695, %get3A_696] : memref<37x64x256xf32, #tpu.memory_space<vmem>>, vector<37x1x256xf32>
    %get3A_698 = vector.shape_cast %get3A_697 : vector<37x1x256xf32> to vector<37x256xf32>
    %broadcast_in_dim3A_699 = vector.shape_cast %and3A_693 : vector<37x1xi1> to vector<37x1xi1>
    %broadcast_in_dim3A_700 = vector.broadcast %broadcast_in_dim3A_699 : vector<37x1xi1> to vector<37x256xi1>
    %select_n3A_701 = arith.select %broadcast_in_dim3A_700, %div3A_41, %get3A_698 : vector<37x256xi1>, vector<37x256xf32>
    %swap3A_702 = arith.constant 0 : index
    %swap3A_703 = arith.constant 36 : index
    %swap3A_704 = arith.constant 0 : index
    %swap3A_705 = vector.load %arg6[%swap3A_702, %swap3A_703, %swap3A_704] : memref<37x64x256xf32, #tpu.memory_space<vmem>>, vector<37x1x256xf32>
    %swap3A_706 = vector.shape_cast %swap3A_705 : vector<37x1x256xf32> to vector<37x256xf32>
    %swap3A_707 = vector.shape_cast %select_n3A_701 : vector<37x256xf32> to vector<37x1x256xf32>
    tpu.vector_store %arg6[%swap3A_702, %swap3A_703, %swap3A_704], %swap3A_707 {strides = array<i32>} : memref<37x64x256xf32, #tpu.memory_space<vmem>>, vector<37x1x256xf32>,
    %eq3A_708 = arith.constant 37 : i32
    %eq3A_709 = vector.broadcast %eq3A_708 : i32 to vector<37x1xi32>
    %eq3A_710 = arith.cmpi eq, %get3A_46, %eq3A_709 : vector<37x1xi32>
    %and3A_711 = arith.andi %eq3A_710, %gt3A_43 : vector<37x1xi1>
    %get3A_712 = arith.constant 0 : index
    %get3A_713 = arith.constant 37 : index
    %get3A_714 = arith.constant 0 : index
    %get3A_715 = vector.load %arg4[%get3A_712, %get3A_713, %get3A_714] : memref<37x64x256xf32, #tpu.memory_space<vmem>>, vector<37x1x256xf32>
    %get3A_716 = vector.shape_cast %get3A_715 : vector<37x1x256xf32> to vector<37x256xf32>
    %broadcast_in_dim3A_717 = vector.shape_cast %and3A_711 : vector<37x1xi1> to vector<37x1xi1>
    %broadcast_in_dim3A_718 = vector.broadcast %broadcast_in_dim3A_717 : vector<37x1xi1> to vector<37x256xi1>
    %select_n3A_719 = arith.select %broadcast_in_dim3A_718, %div3A_41, %get3A_716 : vector<37x256xi1>, vector<37x256xf32>
    %swap3A_720 = arith.constant 0 : index
    %swap3A_721 = arith.constant 37 : index
    %swap3A_722 = arith.constant 0 : index
    %swap3A_723 = vector.load %arg6[%swap3A_720, %swap3A_721, %swap3A_722] : memref<37x64x256xf32, #tpu.memory_space<vmem>>, vector<37x1x256xf32>
    %swap3A_724 = vector.shape_cast %swap3A_723 : vector<37x1x256xf32> to vector<37x256xf32>
    %swap3A_725 = vector.shape_cast %select_n3A_719 : vector<37x256xf32> to vector<37x1x256xf32>
    tpu.vector_store %arg6[%swap3A_720, %swap3A_721, %swap3A_722], %swap3A_725 {strides = array<i32>} : memref<37x64x256xf32, #tpu.memory_space<vmem>>, vector<37x1x256xf32>,
    %eq3A_726 = arith.constant 38 : i32
    %eq3A_727 = vector.broadcast %eq3A_726 : i32 to vector<37x1xi32>
    %eq3A_728 = arith.cmpi eq, %get3A_46, %eq3A_727 : vector<37x1xi32>
    %and3A_729 = arith.andi %eq3A_728, %gt3A_43 : vector<37x1xi1>
    %get3A_730 = arith.constant 0 : index
    %get3A_731 = arith.constant 38 : index
    %get3A_732 = arith.constant 0 : index
    %get3A_733 = vector.load %arg4[%get3A_730, %get3A_731, %get3A_732] : memref<37x64x256xf32, #tpu.memory_space<vmem>>, vector<37x1x256xf32>
    %get3A_734 = vector.shape_cast %get3A_733 : vector<37x1x256xf32> to vector<37x256xf32>
    %broadcast_in_dim3A_735 = vector.shape_cast %and3A_729 : vector<37x1xi1> to vector<37x1xi1>
    %broadcast_in_dim3A_736 = vector.broadcast %broadcast_in_dim3A_735 : vector<37x1xi1> to vector<37x256xi1>
    %select_n3A_737 = arith.select %broadcast_in_dim3A_736, %div3A_41, %get3A_734 : vector<37x256xi1>, vector<37x256xf32>
    %swap3A_738 = arith.constant 0 : index
    %swap3A_739 = arith.constant 38 : index
    %swap3A_740 = arith.constant 0 : index
    %swap3A_741 = vector.load %arg6[%swap3A_738, %swap3A_739, %swap3A_740] : memref<37x64x256xf32, #tpu.memory_space<vmem>>, vector<37x1x256xf32>
    %swap3A_742 = vector.shape_cast %swap3A_741 : vector<37x1x256xf32> to vector<37x256xf32>
    %swap3A_743 = vector.shape_cast %select_n3A_737 : vector<37x256xf32> to vector<37x1x256xf32>
    tpu.vector_store %arg6[%swap3A_738, %swap3A_739, %swap3A_740], %swap3A_743 {strides = array<i32>} : memref<37x64x256xf32, #tpu.memory_space<vmem>>, vector<37x1x256xf32>,
    %eq3A_744 = arith.constant 39 : i32
    %eq3A_745 = vector.broadcast %eq3A_744 : i32 to vector<37x1xi32>
    %eq3A_746 = arith.cmpi eq, %get3A_46, %eq3A_745 : vector<37x1xi32>
    %and3A_747 = arith.andi %eq3A_746, %gt3A_43 : vector<37x1xi1>
    %get3A_748 = arith.constant 0 : index
    %get3A_749 = arith.constant 39 : index
    %get3A_750 = arith.constant 0 : index
    %get3A_751 = vector.load %arg4[%get3A_748, %get3A_749, %get3A_750] : memref<37x64x256xf32, #tpu.memory_space<vmem>>, vector<37x1x256xf32>
    %get3A_752 = vector.shape_cast %get3A_751 : vector<37x1x256xf32> to vector<37x256xf32>
    %broadcast_in_dim3A_753 = vector.shape_cast %and3A_747 : vector<37x1xi1> to vector<37x1xi1>
    %broadcast_in_dim3A_754 = vector.broadcast %broadcast_in_dim3A_753 : vector<37x1xi1> to vector<37x256xi1>
    %select_n3A_755 = arith.select %broadcast_in_dim3A_754, %div3A_41, %get3A_752 : vector<37x256xi1>, vector<37x256xf32>
    %swap3A_756 = arith.constant 0 : index
    %swap3A_757 = arith.constant 39 : index
    %swap3A_758 = arith.constant 0 : index
    %swap3A_759 = vector.load %arg6[%swap3A_756, %swap3A_757, %swap3A_758] : memref<37x64x256xf32, #tpu.memory_space<vmem>>, vector<37x1x256xf32>
    %swap3A_760 = vector.shape_cast %swap3A_759 : vector<37x1x256xf32> to vector<37x256xf32>
    %swap3A_761 = vector.shape_cast %select_n3A_755 : vector<37x256xf32> to vector<37x1x256xf32>
    tpu.vector_store %arg6[%swap3A_756, %swap3A_757, %swap3A_758], %swap3A_761 {strides = array<i32>} : memref<37x64x256xf32, #tpu.memory_space<vmem>>, vector<37x1x256xf32>,
    %eq3A_762 = arith.constant 40 : i32
    %eq3A_763 = vector.broadcast %eq3A_762 : i32 to vector<37x1xi32>
    %eq3A_764 = arith.cmpi eq, %get3A_46, %eq3A_763 : vector<37x1xi32>
    %and3A_765 = arith.andi %eq3A_764, %gt3A_43 : vector<37x1xi1>
    %get3A_766 = arith.constant 0 : index
    %get3A_767 = arith.constant 40 : index
    %get3A_768 = arith.constant 0 : index
    %get3A_769 = vector.load %arg4[%get3A_766, %get3A_767, %get3A_768] : memref<37x64x256xf32, #tpu.memory_space<vmem>>, vector<37x1x256xf32>
    %get3A_770 = vector.shape_cast %get3A_769 : vector<37x1x256xf32> to vector<37x256xf32>
    %broadcast_in_dim3A_771 = vector.shape_cast %and3A_765 : vector<37x1xi1> to vector<37x1xi1>
    %broadcast_in_dim3A_772 = vector.broadcast %broadcast_in_dim3A_771 : vector<37x1xi1> to vector<37x256xi1>
    %select_n3A_773 = arith.select %broadcast_in_dim3A_772, %div3A_41, %get3A_770 : vector<37x256xi1>, vector<37x256xf32>
    %swap3A_774 = arith.constant 0 : index
    %swap3A_775 = arith.constant 40 : index
    %swap3A_776 = arith.constant 0 : index
    %swap3A_777 = vector.load %arg6[%swap3A_774, %swap3A_775, %swap3A_776] : memref<37x64x256xf32, #tpu.memory_space<vmem>>, vector<37x1x256xf32>
    %swap3A_778 = vector.shape_cast %swap3A_777 : vector<37x1x256xf32> to vector<37x256xf32>
    %swap3A_779 = vector.shape_cast %select_n3A_773 : vector<37x256xf32> to vector<37x1x256xf32>
    tpu.vector_store %arg6[%swap3A_774, %swap3A_775, %swap3A_776], %swap3A_779 {strides = array<i32>} : memref<37x64x256xf32, #tpu.memory_space<vmem>>, vector<37x1x256xf32>,
    %eq3A_780 = arith.constant 41 : i32
    %eq3A_781 = vector.broadcast %eq3A_780 : i32 to vector<37x1xi32>
    %eq3A_782 = arith.cmpi eq, %get3A_46, %eq3A_781 : vector<37x1xi32>
    %and3A_783 = arith.andi %eq3A_782, %gt3A_43 : vector<37x1xi1>
    %get3A_784 = arith.constant 0 : index
    %get3A_785 = arith.constant 41 : index
    %get3A_786 = arith.constant 0 : index
    %get3A_787 = vector.load %arg4[%get3A_784, %get3A_785, %get3A_786] : memref<37x64x256xf32, #tpu.memory_space<vmem>>, vector<37x1x256xf32>
    %get3A_788 = vector.shape_cast %get3A_787 : vector<37x1x256xf32> to vector<37x256xf32>
    %broadcast_in_dim3A_789 = vector.shape_cast %and3A_783 : vector<37x1xi1> to vector<37x1xi1>
    %broadcast_in_dim3A_790 = vector.broadcast %broadcast_in_dim3A_789 : vector<37x1xi1> to vector<37x256xi1>
    %select_n3A_791 = arith.select %broadcast_in_dim3A_790, %div3A_41, %get3A_788 : vector<37x256xi1>, vector<37x256xf32>
    %swap3A_792 = arith.constant 0 : index
    %swap3A_793 = arith.constant 41 : index
    %swap3A_794 = arith.constant 0 : index
    %swap3A_795 = vector.load %arg6[%swap3A_792, %swap3A_793, %swap3A_794] : memref<37x64x256xf32, #tpu.memory_space<vmem>>, vector<37x1x256xf32>
    %swap3A_796 = vector.shape_cast %swap3A_795 : vector<37x1x256xf32> to vector<37x256xf32>
    %swap3A_797 = vector.shape_cast %select_n3A_791 : vector<37x256xf32> to vector<37x1x256xf32>
    tpu.vector_store %arg6[%swap3A_792, %swap3A_793, %swap3A_794], %swap3A_797 {strides = array<i32>} : memref<37x64x256xf32, #tpu.memory_space<vmem>>, vector<37x1x256xf32>,
    %eq3A_798 = arith.constant 42 : i32
    %eq3A_799 = vector.broadcast %eq3A_798 : i32 to vector<37x1xi32>
    %eq3A_800 = arith.cmpi eq, %get3A_46, %eq3A_799 : vector<37x1xi32>
    %and3A_801 = arith.andi %eq3A_800, %gt3A_43 : vector<37x1xi1>
    %get3A_802 = arith.constant 0 : index
    %get3A_803 = arith.constant 42 : index
    %get3A_804 = arith.constant 0 : index
    %get3A_805 = vector.load %arg4[%get3A_802, %get3A_803, %get3A_804] : memref<37x64x256xf32, #tpu.memory_space<vmem>>, vector<37x1x256xf32>
    %get3A_806 = vector.shape_cast %get3A_805 : vector<37x1x256xf32> to vector<37x256xf32>
    %broadcast_in_dim3A_807 = vector.shape_cast %and3A_801 : vector<37x1xi1> to vector<37x1xi1>
    %broadcast_in_dim3A_808 = vector.broadcast %broadcast_in_dim3A_807 : vector<37x1xi1> to vector<37x256xi1>
    %select_n3A_809 = arith.select %broadcast_in_dim3A_808, %div3A_41, %get3A_806 : vector<37x256xi1>, vector<37x256xf32>
    %swap3A_810 = arith.constant 0 : index
    %swap3A_811 = arith.constant 42 : index
    %swap3A_812 = arith.constant 0 : index
    %swap3A_813 = vector.load %arg6[%swap3A_810, %swap3A_811, %swap3A_812] : memref<37x64x256xf32, #tpu.memory_space<vmem>>, vector<37x1x256xf32>
    %swap3A_814 = vector.shape_cast %swap3A_813 : vector<37x1x256xf32> to vector<37x256xf32>
    %swap3A_815 = vector.shape_cast %select_n3A_809 : vector<37x256xf32> to vector<37x1x256xf32>
    tpu.vector_store %arg6[%swap3A_810, %swap3A_811, %swap3A_812], %swap3A_815 {strides = array<i32>} : memref<37x64x256xf32, #tpu.memory_space<vmem>>, vector<37x1x256xf32>,
    %eq3A_816 = arith.constant 43 : i32
    %eq3A_817 = vector.broadcast %eq3A_816 : i32 to vector<37x1xi32>
    %eq3A_818 = arith.cmpi eq, %get3A_46, %eq3A_817 : vector<37x1xi32>
    %and3A_819 = arith.andi %eq3A_818, %gt3A_43 : vector<37x1xi1>
    %get3A_820 = arith.constant 0 : index
    %get3A_821 = arith.constant 43 : index
    %get3A_822 = arith.constant 0 : index
    %get3A_823 = vector.load %arg4[%get3A_820, %get3A_821, %get3A_822] : memref<37x64x256xf32, #tpu.memory_space<vmem>>, vector<37x1x256xf32>
    %get3A_824 = vector.shape_cast %get3A_823 : vector<37x1x256xf32> to vector<37x256xf32>
    %broadcast_in_dim3A_825 = vector.shape_cast %and3A_819 : vector<37x1xi1> to vector<37x1xi1>
    %broadcast_in_dim3A_826 = vector.broadcast %broadcast_in_dim3A_825 : vector<37x1xi1> to vector<37x256xi1>
    %select_n3A_827 = arith.select %broadcast_in_dim3A_826, %div3A_41, %get3A_824 : vector<37x256xi1>, vector<37x256xf32>
    %swap3A_828 = arith.constant 0 : index
    %swap3A_829 = arith.constant 43 : index
    %swap3A_830 = arith.constant 0 : index
    %swap3A_831 = vector.load %arg6[%swap3A_828, %swap3A_829, %swap3A_830] : memref<37x64x256xf32, #tpu.memory_space<vmem>>, vector<37x1x256xf32>
    %swap3A_832 = vector.shape_cast %swap3A_831 : vector<37x1x256xf32> to vector<37x256xf32>
    %swap3A_833 = vector.shape_cast %select_n3A_827 : vector<37x256xf32> to vector<37x1x256xf32>
    tpu.vector_store %arg6[%swap3A_828, %swap3A_829, %swap3A_830], %swap3A_833 {strides = array<i32>} : memref<37x64x256xf32, #tpu.memory_space<vmem>>, vector<37x1x256xf32>,
    %eq3A_834 = arith.constant 44 : i32
    %eq3A_835 = vector.broadcast %eq3A_834 : i32 to vector<37x1xi32>
    %eq3A_836 = arith.cmpi eq, %get3A_46, %eq3A_835 : vector<37x1xi32>
    %and3A_837 = arith.andi %eq3A_836, %gt3A_43 : vector<37x1xi1>
    %get3A_838 = arith.constant 0 : index
    %get3A_839 = arith.constant 44 : index
    %get3A_840 = arith.constant 0 : index
    %get3A_841 = vector.load %arg4[%get3A_838, %get3A_839, %get3A_840] : memref<37x64x256xf32, #tpu.memory_space<vmem>>, vector<37x1x256xf32>
    %get3A_842 = vector.shape_cast %get3A_841 : vector<37x1x256xf32> to vector<37x256xf32>
    %broadcast_in_dim3A_843 = vector.shape_cast %and3A_837 : vector<37x1xi1> to vector<37x1xi1>
    %broadcast_in_dim3A_844 = vector.broadcast %broadcast_in_dim3A_843 : vector<37x1xi1> to vector<37x256xi1>
    %select_n3A_845 = arith.select %broadcast_in_dim3A_844, %div3A_41, %get3A_842 : vector<37x256xi1>, vector<37x256xf32>
    %swap3A_846 = arith.constant 0 : index
    %swap3A_847 = arith.constant 44 : index
    %swap3A_848 = arith.constant 0 : index
    %swap3A_849 = vector.load %arg6[%swap3A_846, %swap3A_847, %swap3A_848] : memref<37x64x256xf32, #tpu.memory_space<vmem>>, vector<37x1x256xf32>
    %swap3A_850 = vector.shape_cast %swap3A_849 : vector<37x1x256xf32> to vector<37x256xf32>
    %swap3A_851 = vector.shape_cast %select_n3A_845 : vector<37x256xf32> to vector<37x1x256xf32>
    tpu.vector_store %arg6[%swap3A_846, %swap3A_847, %swap3A_848], %swap3A_851 {strides = array<i32>} : memref<37x64x256xf32, #tpu.memory_space<vmem>>, vector<37x1x256xf32>,
    %eq3A_852 = arith.constant 45 : i32
    %eq3A_853 = vector.broadcast %eq3A_852 : i32 to vector<37x1xi32>
    %eq3A_854 = arith.cmpi eq, %get3A_46, %eq3A_853 : vector<37x1xi32>
    %and3A_855 = arith.andi %eq3A_854, %gt3A_43 : vector<37x1xi1>
    %get3A_856 = arith.constant 0 : index
    %get3A_857 = arith.constant 45 : index
    %get3A_858 = arith.constant 0 : index
    %get3A_859 = vector.load %arg4[%get3A_856, %get3A_857, %get3A_858] : memref<37x64x256xf32, #tpu.memory_space<vmem>>, vector<37x1x256xf32>
    %get3A_860 = vector.shape_cast %get3A_859 : vector<37x1x256xf32> to vector<37x256xf32>
    %broadcast_in_dim3A_861 = vector.shape_cast %and3A_855 : vector<37x1xi1> to vector<37x1xi1>
    %broadcast_in_dim3A_862 = vector.broadcast %broadcast_in_dim3A_861 : vector<37x1xi1> to vector<37x256xi1>
    %select_n3A_863 = arith.select %broadcast_in_dim3A_862, %div3A_41, %get3A_860 : vector<37x256xi1>, vector<37x256xf32>
    %swap3A_864 = arith.constant 0 : index
    %swap3A_865 = arith.constant 45 : index
    %swap3A_866 = arith.constant 0 : index
    %swap3A_867 = vector.load %arg6[%swap3A_864, %swap3A_865, %swap3A_866] : memref<37x64x256xf32, #tpu.memory_space<vmem>>, vector<37x1x256xf32>
    %swap3A_868 = vector.shape_cast %swap3A_867 : vector<37x1x256xf32> to vector<37x256xf32>
    %swap3A_869 = vector.shape_cast %select_n3A_863 : vector<37x256xf32> to vector<37x1x256xf32>
    tpu.vector_store %arg6[%swap3A_864, %swap3A_865, %swap3A_866], %swap3A_869 {strides = array<i32>} : memref<37x64x256xf32, #tpu.memory_space<vmem>>, vector<37x1x256xf32>,
    %eq3A_870 = arith.constant 46 : i32
    %eq3A_871 = vector.broadcast %eq3A_870 : i32 to vector<37x1xi32>
    %eq3A_872 = arith.cmpi eq, %get3A_46, %eq3A_871 : vector<37x1xi32>
    %and3A_873 = arith.andi %eq3A_872, %gt3A_43 : vector<37x1xi1>
    %get3A_874 = arith.constant 0 : index
    %get3A_875 = arith.constant 46 : index
    %get3A_876 = arith.constant 0 : index
    %get3A_877 = vector.load %arg4[%get3A_874, %get3A_875, %get3A_876] : memref<37x64x256xf32, #tpu.memory_space<vmem>>, vector<37x1x256xf32>
    %get3A_878 = vector.shape_cast %get3A_877 : vector<37x1x256xf32> to vector<37x256xf32>
    %broadcast_in_dim3A_879 = vector.shape_cast %and3A_873 : vector<37x1xi1> to vector<37x1xi1>
    %broadcast_in_dim3A_880 = vector.broadcast %broadcast_in_dim3A_879 : vector<37x1xi1> to vector<37x256xi1>
    %select_n3A_881 = arith.select %broadcast_in_dim3A_880, %div3A_41, %get3A_878 : vector<37x256xi1>, vector<37x256xf32>
    %swap3A_882 = arith.constant 0 : index
    %swap3A_883 = arith.constant 46 : index
    %swap3A_884 = arith.constant 0 : index
    %swap3A_885 = vector.load %arg6[%swap3A_882, %swap3A_883, %swap3A_884] : memref<37x64x256xf32, #tpu.memory_space<vmem>>, vector<37x1x256xf32>
    %swap3A_886 = vector.shape_cast %swap3A_885 : vector<37x1x256xf32> to vector<37x256xf32>
    %swap3A_887 = vector.shape_cast %select_n3A_881 : vector<37x256xf32> to vector<37x1x256xf32>
    tpu.vector_store %arg6[%swap3A_882, %swap3A_883, %swap3A_884], %swap3A_887 {strides = array<i32>} : memref<37x64x256xf32, #tpu.memory_space<vmem>>, vector<37x1x256xf32>,
    %eq3A_888 = arith.constant 47 : i32
    %eq3A_889 = vector.broadcast %eq3A_888 : i32 to vector<37x1xi32>
    %eq3A_890 = arith.cmpi eq, %get3A_46, %eq3A_889 : vector<37x1xi32>
    %and3A_891 = arith.andi %eq3A_890, %gt3A_43 : vector<37x1xi1>
    %get3A_892 = arith.constant 0 : index
    %get3A_893 = arith.constant 47 : index
    %get3A_894 = arith.constant 0 : index
    %get3A_895 = vector.load %arg4[%get3A_892, %get3A_893, %get3A_894] : memref<37x64x256xf32, #tpu.memory_space<vmem>>, vector<37x1x256xf32>
    %get3A_896 = vector.shape_cast %get3A_895 : vector<37x1x256xf32> to vector<37x256xf32>
    %broadcast_in_dim3A_897 = vector.shape_cast %and3A_891 : vector<37x1xi1> to vector<37x1xi1>
    %broadcast_in_dim3A_898 = vector.broadcast %broadcast_in_dim3A_897 : vector<37x1xi1> to vector<37x256xi1>
    %select_n3A_899 = arith.select %broadcast_in_dim3A_898, %div3A_41, %get3A_896 : vector<37x256xi1>, vector<37x256xf32>
    %swap3A_900 = arith.constant 0 : index
    %swap3A_901 = arith.constant 47 : index
    %swap3A_902 = arith.constant 0 : index
    %swap3A_903 = vector.load %arg6[%swap3A_900, %swap3A_901, %swap3A_902] : memref<37x64x256xf32, #tpu.memory_space<vmem>>, vector<37x1x256xf32>
    %swap3A_904 = vector.shape_cast %swap3A_903 : vector<37x1x256xf32> to vector<37x256xf32>
    %swap3A_905 = vector.shape_cast %select_n3A_899 : vector<37x256xf32> to vector<37x1x256xf32>
    tpu.vector_store %arg6[%swap3A_900, %swap3A_901, %swap3A_902], %swap3A_905 {strides = array<i32>} : memref<37x64x256xf32, #tpu.memory_space<vmem>>, vector<37x1x256xf32>,
    %eq3A_906 = arith.constant 48 : i32
    %eq3A_907 = vector.broadcast %eq3A_906 : i32 to vector<37x1xi32>
    %eq3A_908 = arith.cmpi eq, %get3A_46, %eq3A_907 : vector<37x1xi32>
    %and3A_909 = arith.andi %eq3A_908, %gt3A_43 : vector<37x1xi1>
    %get3A_910 = arith.constant 0 : index
    %get3A_911 = arith.constant 48 : index
    %get3A_912 = arith.constant 0 : index
    %get3A_913 = vector.load %arg4[%get3A_910, %get3A_911, %get3A_912] : memref<37x64x256xf32, #tpu.memory_space<vmem>>, vector<37x1x256xf32>
    %get3A_914 = vector.shape_cast %get3A_913 : vector<37x1x256xf32> to vector<37x256xf32>
    %broadcast_in_dim3A_915 = vector.shape_cast %and3A_909 : vector<37x1xi1> to vector<37x1xi1>
    %broadcast_in_dim3A_916 = vector.broadcast %broadcast_in_dim3A_915 : vector<37x1xi1> to vector<37x256xi1>
    %select_n3A_917 = arith.select %broadcast_in_dim3A_916, %div3A_41, %get3A_914 : vector<37x256xi1>, vector<37x256xf32>
    %swap3A_918 = arith.constant 0 : index
    %swap3A_919 = arith.constant 48 : index
    %swap3A_920 = arith.constant 0 : index
    %swap3A_921 = vector.load %arg6[%swap3A_918, %swap3A_919, %swap3A_920] : memref<37x64x256xf32, #tpu.memory_space<vmem>>, vector<37x1x256xf32>
    %swap3A_922 = vector.shape_cast %swap3A_921 : vector<37x1x256xf32> to vector<37x256xf32>
    %swap3A_923 = vector.shape_cast %select_n3A_917 : vector<37x256xf32> to vector<37x1x256xf32>
    tpu.vector_store %arg6[%swap3A_918, %swap3A_919, %swap3A_920], %swap3A_923 {strides = array<i32>} : memref<37x64x256xf32, #tpu.memory_space<vmem>>, vector<37x1x256xf32>,
    %eq3A_924 = arith.constant 49 : i32
    %eq3A_925 = vector.broadcast %eq3A_924 : i32 to vector<37x1xi32>
    %eq3A_926 = arith.cmpi eq, %get3A_46, %eq3A_925 : vector<37x1xi32>
    %and3A_927 = arith.andi %eq3A_926, %gt3A_43 : vector<37x1xi1>
    %get3A_928 = arith.constant 0 : index
    %get3A_929 = arith.constant 49 : index
    %get3A_930 = arith.constant 0 : index
    %get3A_931 = vector.load %arg4[%get3A_928, %get3A_929, %get3A_930] : memref<37x64x256xf32, #tpu.memory_space<vmem>>, vector<37x1x256xf32>
    %get3A_932 = vector.shape_cast %get3A_931 : vector<37x1x256xf32> to vector<37x256xf32>
    %broadcast_in_dim3A_933 = vector.shape_cast %and3A_927 : vector<37x1xi1> to vector<37x1xi1>
    %broadcast_in_dim3A_934 = vector.broadcast %broadcast_in_dim3A_933 : vector<37x1xi1> to vector<37x256xi1>
    %select_n3A_935 = arith.select %broadcast_in_dim3A_934, %div3A_41, %get3A_932 : vector<37x256xi1>, vector<37x256xf32>
    %swap3A_936 = arith.constant 0 : index
    %swap3A_937 = arith.constant 49 : index
    %swap3A_938 = arith.constant 0 : index
    %swap3A_939 = vector.load %arg6[%swap3A_936, %swap3A_937, %swap3A_938] : memref<37x64x256xf32, #tpu.memory_space<vmem>>, vector<37x1x256xf32>
    %swap3A_940 = vector.shape_cast %swap3A_939 : vector<37x1x256xf32> to vector<37x256xf32>
    %swap3A_941 = vector.shape_cast %select_n3A_935 : vector<37x256xf32> to vector<37x1x256xf32>
    tpu.vector_store %arg6[%swap3A_936, %swap3A_937, %swap3A_938], %swap3A_941 {strides = array<i32>} : memref<37x64x256xf32, #tpu.memory_space<vmem>>, vector<37x1x256xf32>,
    %eq3A_942 = arith.constant 50 : i32
    %eq3A_943 = vector.broadcast %eq3A_942 : i32 to vector<37x1xi32>
    %eq3A_944 = arith.cmpi eq, %get3A_46, %eq3A_943 : vector<37x1xi32>
    %and3A_945 = arith.andi %eq3A_944, %gt3A_43 : vector<37x1xi1>
    %get3A_946 = arith.constant 0 : index
    %get3A_947 = arith.constant 50 : index
    %get3A_948 = arith.constant 0 : index
    %get3A_949 = vector.load %arg4[%get3A_946, %get3A_947, %get3A_948] : memref<37x64x256xf32, #tpu.memory_space<vmem>>, vector<37x1x256xf32>
    %get3A_950 = vector.shape_cast %get3A_949 : vector<37x1x256xf32> to vector<37x256xf32>
    %broadcast_in_dim3A_951 = vector.shape_cast %and3A_945 : vector<37x1xi1> to vector<37x1xi1>
    %broadcast_in_dim3A_952 = vector.broadcast %broadcast_in_dim3A_951 : vector<37x1xi1> to vector<37x256xi1>
    %select_n3A_953 = arith.select %broadcast_in_dim3A_952, %div3A_41, %get3A_950 : vector<37x256xi1>, vector<37x256xf32>
    %swap3A_954 = arith.constant 0 : index
    %swap3A_955 = arith.constant 50 : index
    %swap3A_956 = arith.constant 0 : index
    %swap3A_957 = vector.load %arg6[%swap3A_954, %swap3A_955, %swap3A_956] : memref<37x64x256xf32, #tpu.memory_space<vmem>>, vector<37x1x256xf32>
    %swap3A_958 = vector.shape_cast %swap3A_957 : vector<37x1x256xf32> to vector<37x256xf32>
    %swap3A_959 = vector.shape_cast %select_n3A_953 : vector<37x256xf32> to vector<37x1x256xf32>
    tpu.vector_store %arg6[%swap3A_954, %swap3A_955, %swap3A_956], %swap3A_959 {strides = array<i32>} : memref<37x64x256xf32, #tpu.memory_space<vmem>>, vector<37x1x256xf32>,
    %eq3A_960 = arith.constant 51 : i32
    %eq3A_961 = vector.broadcast %eq3A_960 : i32 to vector<37x1xi32>
    %eq3A_962 = arith.cmpi eq, %get3A_46, %eq3A_961 : vector<37x1xi32>
    %and3A_963 = arith.andi %eq3A_962, %gt3A_43 : vector<37x1xi1>
    %get3A_964 = arith.constant 0 : index
    %get3A_965 = arith.constant 51 : index
    %get3A_966 = arith.constant 0 : index
    %get3A_967 = vector.load %arg4[%get3A_964, %get3A_965, %get3A_966] : memref<37x64x256xf32, #tpu.memory_space<vmem>>, vector<37x1x256xf32>
    %get3A_968 = vector.shape_cast %get3A_967 : vector<37x1x256xf32> to vector<37x256xf32>
    %broadcast_in_dim3A_969 = vector.shape_cast %and3A_963 : vector<37x1xi1> to vector<37x1xi1>
    %broadcast_in_dim3A_970 = vector.broadcast %broadcast_in_dim3A_969 : vector<37x1xi1> to vector<37x256xi1>
    %select_n3A_971 = arith.select %broadcast_in_dim3A_970, %div3A_41, %get3A_968 : vector<37x256xi1>, vector<37x256xf32>
    %swap3A_972 = arith.constant 0 : index
    %swap3A_973 = arith.constant 51 : index
    %swap3A_974 = arith.constant 0 : index
    %swap3A_975 = vector.load %arg6[%swap3A_972, %swap3A_973, %swap3A_974] : memref<37x64x256xf32, #tpu.memory_space<vmem>>, vector<37x1x256xf32>
    %swap3A_976 = vector.shape_cast %swap3A_975 : vector<37x1x256xf32> to vector<37x256xf32>
    %swap3A_977 = vector.shape_cast %select_n3A_971 : vector<37x256xf32> to vector<37x1x256xf32>
    tpu.vector_store %arg6[%swap3A_972, %swap3A_973, %swap3A_974], %swap3A_977 {strides = array<i32>} : memref<37x64x256xf32, #tpu.memory_space<vmem>>, vector<37x1x256xf32>,
    %eq3A_978 = arith.constant 52 : i32
    %eq3A_979 = vector.broadcast %eq3A_978 : i32 to vector<37x1xi32>
    %eq3A_980 = arith.cmpi eq, %get3A_46, %eq3A_979 : vector<37x1xi32>
    %and3A_981 = arith.andi %eq3A_980, %gt3A_43 : vector<37x1xi1>
    %get3A_982 = arith.constant 0 : index
    %get3A_983 = arith.constant 52 : index
    %get3A_984 = arith.constant 0 : index
    %get3A_985 = vector.load %arg4[%get3A_982, %get3A_983, %get3A_984] : memref<37x64x256xf32, #tpu.memory_space<vmem>>, vector<37x1x256xf32>
    %get3A_986 = vector.shape_cast %get3A_985 : vector<37x1x256xf32> to vector<37x256xf32>
    %broadcast_in_dim3A_987 = vector.shape_cast %and3A_981 : vector<37x1xi1> to vector<37x1xi1>
    %broadcast_in_dim3A_988 = vector.broadcast %broadcast_in_dim3A_987 : vector<37x1xi1> to vector<37x256xi1>
    %select_n3A_989 = arith.select %broadcast_in_dim3A_988, %div3A_41, %get3A_986 : vector<37x256xi1>, vector<37x256xf32>
    %swap3A_990 = arith.constant 0 : index
    %swap3A_991 = arith.constant 52 : index
    %swap3A_992 = arith.constant 0 : index
    %swap3A_993 = vector.load %arg6[%swap3A_990, %swap3A_991, %swap3A_992] : memref<37x64x256xf32, #tpu.memory_space<vmem>>, vector<37x1x256xf32>
    %swap3A_994 = vector.shape_cast %swap3A_993 : vector<37x1x256xf32> to vector<37x256xf32>
    %swap3A_995 = vector.shape_cast %select_n3A_989 : vector<37x256xf32> to vector<37x1x256xf32>
    tpu.vector_store %arg6[%swap3A_990, %swap3A_991, %swap3A_992], %swap3A_995 {strides = array<i32>} : memref<37x64x256xf32, #tpu.memory_space<vmem>>, vector<37x1x256xf32>,
    %eq3A_996 = arith.constant 53 : i32
    %eq3A_997 = vector.broadcast %eq3A_996 : i32 to vector<37x1xi32>
    %eq3A_998 = arith.cmpi eq, %get3A_46, %eq3A_997 : vector<37x1xi32>
    %and3A_999 = arith.andi %eq3A_998, %gt3A_43 : vector<37x1xi1>
    %get3A_1000 = arith.constant 0 : index
    %get3A_1001 = arith.constant 53 : index
    %get3A_1002 = arith.constant 0 : index
    %get3A_1003 = vector.load %arg4[%get3A_1000, %get3A_1001, %get3A_1002] : memref<37x64x256xf32, #tpu.memory_space<vmem>>, vector<37x1x256xf32>
    %get3A_1004 = vector.shape_cast %get3A_1003 : vector<37x1x256xf32> to vector<37x256xf32>
    %broadcast_in_dim3A_1005 = vector.shape_cast %and3A_999 : vector<37x1xi1> to vector<37x1xi1>
    %broadcast_in_dim3A_1006 = vector.broadcast %broadcast_in_dim3A_1005 : vector<37x1xi1> to vector<37x256xi1>
    %select_n3A_1007 = arith.select %broadcast_in_dim3A_1006, %div3A_41, %get3A_1004 : vector<37x256xi1>, vector<37x256xf32>
    %swap3A_1008 = arith.constant 0 : index
    %swap3A_1009 = arith.constant 53 : index
    %swap3A_1010 = arith.constant 0 : index
    %swap3A_1011 = vector.load %arg6[%swap3A_1008, %swap3A_1009, %swap3A_1010] : memref<37x64x256xf32, #tpu.memory_space<vmem>>, vector<37x1x256xf32>
    %swap3A_1012 = vector.shape_cast %swap3A_1011 : vector<37x1x256xf32> to vector<37x256xf32>
    %swap3A_1013 = vector.shape_cast %select_n3A_1007 : vector<37x256xf32> to vector<37x1x256xf32>
    tpu.vector_store %arg6[%swap3A_1008, %swap3A_1009, %swap3A_1010], %swap3A_1013 {strides = array<i32>} : memref<37x64x256xf32, #tpu.memory_space<vmem>>, vector<37x1x256xf32>,
    %eq3A_1014 = arith.constant 54 : i32
    %eq3A_1015 = vector.broadcast %eq3A_1014 : i32 to vector<37x1xi32>
    %eq3A_1016 = arith.cmpi eq, %get3A_46, %eq3A_1015 : vector<37x1xi32>
    %and3A_1017 = arith.andi %eq3A_1016, %gt3A_43 : vector<37x1xi1>
    %get3A_1018 = arith.constant 0 : index
    %get3A_1019 = arith.constant 54 : index
    %get3A_1020 = arith.constant 0 : index
    %get3A_1021 = vector.load %arg4[%get3A_1018, %get3A_1019, %get3A_1020] : memref<37x64x256xf32, #tpu.memory_space<vmem>>, vector<37x1x256xf32>
    %get3A_1022 = vector.shape_cast %get3A_1021 : vector<37x1x256xf32> to vector<37x256xf32>
    %broadcast_in_dim3A_1023 = vector.shape_cast %and3A_1017 : vector<37x1xi1> to vector<37x1xi1>
    %broadcast_in_dim3A_1024 = vector.broadcast %broadcast_in_dim3A_1023 : vector<37x1xi1> to vector<37x256xi1>
    %select_n3A_1025 = arith.select %broadcast_in_dim3A_1024, %div3A_41, %get3A_1022 : vector<37x256xi1>, vector<37x256xf32>
    %swap3A_1026 = arith.constant 0 : index
    %swap3A_1027 = arith.constant 54 : index
    %swap3A_1028 = arith.constant 0 : index
    %swap3A_1029 = vector.load %arg6[%swap3A_1026, %swap3A_1027, %swap3A_1028] : memref<37x64x256xf32, #tpu.memory_space<vmem>>, vector<37x1x256xf32>
    %swap3A_1030 = vector.shape_cast %swap3A_1029 : vector<37x1x256xf32> to vector<37x256xf32>
    %swap3A_1031 = vector.shape_cast %select_n3A_1025 : vector<37x256xf32> to vector<37x1x256xf32>
    tpu.vector_store %arg6[%swap3A_1026, %swap3A_1027, %swap3A_1028], %swap3A_1031 {strides = array<i32>} : memref<37x64x256xf32, #tpu.memory_space<vmem>>, vector<37x1x256xf32>,
    %eq3A_1032 = arith.constant 55 : i32
    %eq3A_1033 = vector.broadcast %eq3A_1032 : i32 to vector<37x1xi32>
    %eq3A_1034 = arith.cmpi eq, %get3A_46, %eq3A_1033 : vector<37x1xi32>
    %and3A_1035 = arith.andi %eq3A_1034, %gt3A_43 : vector<37x1xi1>
    %get3A_1036 = arith.constant 0 : index
    %get3A_1037 = arith.constant 55 : index
    %get3A_1038 = arith.constant 0 : index
    %get3A_1039 = vector.load %arg4[%get3A_1036, %get3A_1037, %get3A_1038] : memref<37x64x256xf32, #tpu.memory_space<vmem>>, vector<37x1x256xf32>
    %get3A_1040 = vector.shape_cast %get3A_1039 : vector<37x1x256xf32> to vector<37x256xf32>
    %broadcast_in_dim3A_1041 = vector.shape_cast %and3A_1035 : vector<37x1xi1> to vector<37x1xi1>
    %broadcast_in_dim3A_1042 = vector.broadcast %broadcast_in_dim3A_1041 : vector<37x1xi1> to vector<37x256xi1>
    %select_n3A_1043 = arith.select %broadcast_in_dim3A_1042, %div3A_41, %get3A_1040 : vector<37x256xi1>, vector<37x256xf32>
    %swap3A_1044 = arith.constant 0 : index
    %swap3A_1045 = arith.constant 55 : index
    %swap3A_1046 = arith.constant 0 : index
    %swap3A_1047 = vector.load %arg6[%swap3A_1044, %swap3A_1045, %swap3A_1046] : memref<37x64x256xf32, #tpu.memory_space<vmem>>, vector<37x1x256xf32>
    %swap3A_1048 = vector.shape_cast %swap3A_1047 : vector<37x1x256xf32> to vector<37x256xf32>
    %swap3A_1049 = vector.shape_cast %select_n3A_1043 : vector<37x256xf32> to vector<37x1x256xf32>
    tpu.vector_store %arg6[%swap3A_1044, %swap3A_1045, %swap3A_1046], %swap3A_1049 {strides = array<i32>} : memref<37x64x256xf32, #tpu.memory_space<vmem>>, vector<37x1x256xf32>,
    %eq3A_1050 = arith.constant 56 : i32
    %eq3A_1051 = vector.broadcast %eq3A_1050 : i32 to vector<37x1xi32>
    %eq3A_1052 = arith.cmpi eq, %get3A_46, %eq3A_1051 : vector<37x1xi32>
    %and3A_1053 = arith.andi %eq3A_1052, %gt3A_43 : vector<37x1xi1>
    %get3A_1054 = arith.constant 0 : index
    %get3A_1055 = arith.constant 56 : index
    %get3A_1056 = arith.constant 0 : index
    %get3A_1057 = vector.load %arg4[%get3A_1054, %get3A_1055, %get3A_1056] : memref<37x64x256xf32, #tpu.memory_space<vmem>>, vector<37x1x256xf32>
    %get3A_1058 = vector.shape_cast %get3A_1057 : vector<37x1x256xf32> to vector<37x256xf32>
    %broadcast_in_dim3A_1059 = vector.shape_cast %and3A_1053 : vector<37x1xi1> to vector<37x1xi1>
    %broadcast_in_dim3A_1060 = vector.broadcast %broadcast_in_dim3A_1059 : vector<37x1xi1> to vector<37x256xi1>
    %select_n3A_1061 = arith.select %broadcast_in_dim3A_1060, %div3A_41, %get3A_1058 : vector<37x256xi1>, vector<37x256xf32>
    %swap3A_1062 = arith.constant 0 : index
    %swap3A_1063 = arith.constant 56 : index
    %swap3A_1064 = arith.constant 0 : index
    %swap3A_1065 = vector.load %arg6[%swap3A_1062, %swap3A_1063, %swap3A_1064] : memref<37x64x256xf32, #tpu.memory_space<vmem>>, vector<37x1x256xf32>
    %swap3A_1066 = vector.shape_cast %swap3A_1065 : vector<37x1x256xf32> to vector<37x256xf32>
    %swap3A_1067 = vector.shape_cast %select_n3A_1061 : vector<37x256xf32> to vector<37x1x256xf32>
    tpu.vector_store %arg6[%swap3A_1062, %swap3A_1063, %swap3A_1064], %swap3A_1067 {strides = array<i32>} : memref<37x64x256xf32, #tpu.memory_space<vmem>>, vector<37x1x256xf32>,
    %eq3A_1068 = arith.constant 57 : i32
    %eq3A_1069 = vector.broadcast %eq3A_1068 : i32 to vector<37x1xi32>
    %eq3A_1070 = arith.cmpi eq, %get3A_46, %eq3A_1069 : vector<37x1xi32>
    %and3A_1071 = arith.andi %eq3A_1070, %gt3A_43 : vector<37x1xi1>
    %get3A_1072 = arith.constant 0 : index
    %get3A_1073 = arith.constant 57 : index
    %get3A_1074 = arith.constant 0 : index
    %get3A_1075 = vector.load %arg4[%get3A_1072, %get3A_1073, %get3A_1074] : memref<37x64x256xf32, #tpu.memory_space<vmem>>, vector<37x1x256xf32>
    %get3A_1076 = vector.shape_cast %get3A_1075 : vector<37x1x256xf32> to vector<37x256xf32>
    %broadcast_in_dim3A_1077 = vector.shape_cast %and3A_1071 : vector<37x1xi1> to vector<37x1xi1>
    %broadcast_in_dim3A_1078 = vector.broadcast %broadcast_in_dim3A_1077 : vector<37x1xi1> to vector<37x256xi1>
    %select_n3A_1079 = arith.select %broadcast_in_dim3A_1078, %div3A_41, %get3A_1076 : vector<37x256xi1>, vector<37x256xf32>
    %swap3A_1080 = arith.constant 0 : index
    %swap3A_1081 = arith.constant 57 : index
    %swap3A_1082 = arith.constant 0 : index
    %swap3A_1083 = vector.load %arg6[%swap3A_1080, %swap3A_1081, %swap3A_1082] : memref<37x64x256xf32, #tpu.memory_space<vmem>>, vector<37x1x256xf32>
    %swap3A_1084 = vector.shape_cast %swap3A_1083 : vector<37x1x256xf32> to vector<37x256xf32>
    %swap3A_1085 = vector.shape_cast %select_n3A_1079 : vector<37x256xf32> to vector<37x1x256xf32>
    tpu.vector_store %arg6[%swap3A_1080, %swap3A_1081, %swap3A_1082], %swap3A_1085 {strides = array<i32>} : memref<37x64x256xf32, #tpu.memory_space<vmem>>, vector<37x1x256xf32>,
    %eq3A_1086 = arith.constant 58 : i32
    %eq3A_1087 = vector.broadcast %eq3A_1086 : i32 to vector<37x1xi32>
    %eq3A_1088 = arith.cmpi eq, %get3A_46, %eq3A_1087 : vector<37x1xi32>
    %and3A_1089 = arith.andi %eq3A_1088, %gt3A_43 : vector<37x1xi1>
    %get3A_1090 = arith.constant 0 : index
    %get3A_1091 = arith.constant 58 : index
    %get3A_1092 = arith.constant 0 : index
    %get3A_1093 = vector.load %arg4[%get3A_1090, %get3A_1091, %get3A_1092] : memref<37x64x256xf32, #tpu.memory_space<vmem>>, vector<37x1x256xf32>
    %get3A_1094 = vector.shape_cast %get3A_1093 : vector<37x1x256xf32> to vector<37x256xf32>
    %broadcast_in_dim3A_1095 = vector.shape_cast %and3A_1089 : vector<37x1xi1> to vector<37x1xi1>
    %broadcast_in_dim3A_1096 = vector.broadcast %broadcast_in_dim3A_1095 : vector<37x1xi1> to vector<37x256xi1>
    %select_n3A_1097 = arith.select %broadcast_in_dim3A_1096, %div3A_41, %get3A_1094 : vector<37x256xi1>, vector<37x256xf32>
    %swap3A_1098 = arith.constant 0 : index
    %swap3A_1099 = arith.constant 58 : index
    %swap3A_1100 = arith.constant 0 : index
    %swap3A_1101 = vector.load %arg6[%swap3A_1098, %swap3A_1099, %swap3A_1100] : memref<37x64x256xf32, #tpu.memory_space<vmem>>, vector<37x1x256xf32>
    %swap3A_1102 = vector.shape_cast %swap3A_1101 : vector<37x1x256xf32> to vector<37x256xf32>
    %swap3A_1103 = vector.shape_cast %select_n3A_1097 : vector<37x256xf32> to vector<37x1x256xf32>
    tpu.vector_store %arg6[%swap3A_1098, %swap3A_1099, %swap3A_1100], %swap3A_1103 {strides = array<i32>} : memref<37x64x256xf32, #tpu.memory_space<vmem>>, vector<37x1x256xf32>,
    %eq3A_1104 = arith.constant 59 : i32
    %eq3A_1105 = vector.broadcast %eq3A_1104 : i32 to vector<37x1xi32>
    %eq3A_1106 = arith.cmpi eq, %get3A_46, %eq3A_1105 : vector<37x1xi32>
    %and3A_1107 = arith.andi %eq3A_1106, %gt3A_43 : vector<37x1xi1>
    %get3A_1108 = arith.constant 0 : index
    %get3A_1109 = arith.constant 59 : index
    %get3A_1110 = arith.constant 0 : index
    %get3A_1111 = vector.load %arg4[%get3A_1108, %get3A_1109, %get3A_1110] : memref<37x64x256xf32, #tpu.memory_space<vmem>>, vector<37x1x256xf32>
    %get3A_1112 = vector.shape_cast %get3A_1111 : vector<37x1x256xf32> to vector<37x256xf32>
    %broadcast_in_dim3A_1113 = vector.shape_cast %and3A_1107 : vector<37x1xi1> to vector<37x1xi1>
    %broadcast_in_dim3A_1114 = vector.broadcast %broadcast_in_dim3A_1113 : vector<37x1xi1> to vector<37x256xi1>
    %select_n3A_1115 = arith.select %broadcast_in_dim3A_1114, %div3A_41, %get3A_1112 : vector<37x256xi1>, vector<37x256xf32>
    %swap3A_1116 = arith.constant 0 : index
    %swap3A_1117 = arith.constant 59 : index
    %swap3A_1118 = arith.constant 0 : index
    %swap3A_1119 = vector.load %arg6[%swap3A_1116, %swap3A_1117, %swap3A_1118] : memref<37x64x256xf32, #tpu.memory_space<vmem>>, vector<37x1x256xf32>
    %swap3A_1120 = vector.shape_cast %swap3A_1119 : vector<37x1x256xf32> to vector<37x256xf32>
    %swap3A_1121 = vector.shape_cast %select_n3A_1115 : vector<37x256xf32> to vector<37x1x256xf32>
    tpu.vector_store %arg6[%swap3A_1116, %swap3A_1117, %swap3A_1118], %swap3A_1121 {strides = array<i32>} : memref<37x64x256xf32, #tpu.memory_space<vmem>>, vector<37x1x256xf32>,
    %eq3A_1122 = arith.constant 60 : i32
    %eq3A_1123 = vector.broadcast %eq3A_1122 : i32 to vector<37x1xi32>
    %eq3A_1124 = arith.cmpi eq, %get3A_46, %eq3A_1123 : vector<37x1xi32>
    %and3A_1125 = arith.andi %eq3A_1124, %gt3A_43 : vector<37x1xi1>
    %get3A_1126 = arith.constant 0 : index
    %get3A_1127 = arith.constant 60 : index
    %get3A_1128 = arith.constant 0 : index
    %get3A_1129 = vector.load %arg4[%get3A_1126, %get3A_1127, %get3A_1128] : memref<37x64x256xf32, #tpu.memory_space<vmem>>, vector<37x1x256xf32>
    %get3A_1130 = vector.shape_cast %get3A_1129 : vector<37x1x256xf32> to vector<37x256xf32>
    %broadcast_in_dim3A_1131 = vector.shape_cast %and3A_1125 : vector<37x1xi1> to vector<37x1xi1>
    %broadcast_in_dim3A_1132 = vector.broadcast %broadcast_in_dim3A_1131 : vector<37x1xi1> to vector<37x256xi1>
    %select_n3A_1133 = arith.select %broadcast_in_dim3A_1132, %div3A_41, %get3A_1130 : vector<37x256xi1>, vector<37x256xf32>
    %swap3A_1134 = arith.constant 0 : index
    %swap3A_1135 = arith.constant 60 : index
    %swap3A_1136 = arith.constant 0 : index
    %swap3A_1137 = vector.load %arg6[%swap3A_1134, %swap3A_1135, %swap3A_1136] : memref<37x64x256xf32, #tpu.memory_space<vmem>>, vector<37x1x256xf32>
    %swap3A_1138 = vector.shape_cast %swap3A_1137 : vector<37x1x256xf32> to vector<37x256xf32>
    %swap3A_1139 = vector.shape_cast %select_n3A_1133 : vector<37x256xf32> to vector<37x1x256xf32>
    tpu.vector_store %arg6[%swap3A_1134, %swap3A_1135, %swap3A_1136], %swap3A_1139 {strides = array<i32>} : memref<37x64x256xf32, #tpu.memory_space<vmem>>, vector<37x1x256xf32>,
    %eq3A_1140 = arith.constant 61 : i32
    %eq3A_1141 = vector.broadcast %eq3A_1140 : i32 to vector<37x1xi32>
    %eq3A_1142 = arith.cmpi eq, %get3A_46, %eq3A_1141 : vector<37x1xi32>
    %and3A_1143 = arith.andi %eq3A_1142, %gt3A_43 : vector<37x1xi1>
    %get3A_1144 = arith.constant 0 : index
    %get3A_1145 = arith.constant 61 : index
    %get3A_1146 = arith.constant 0 : index
    %get3A_1147 = vector.load %arg4[%get3A_1144, %get3A_1145, %get3A_1146] : memref<37x64x256xf32, #tpu.memory_space<vmem>>, vector<37x1x256xf32>
    %get3A_1148 = vector.shape_cast %get3A_1147 : vector<37x1x256xf32> to vector<37x256xf32>
    %broadcast_in_dim3A_1149 = vector.shape_cast %and3A_1143 : vector<37x1xi1> to vector<37x1xi1>
    %broadcast_in_dim3A_1150 = vector.broadcast %broadcast_in_dim3A_1149 : vector<37x1xi1> to vector<37x256xi1>
    %select_n3A_1151 = arith.select %broadcast_in_dim3A_1150, %div3A_41, %get3A_1148 : vector<37x256xi1>, vector<37x256xf32>
    %swap3A_1152 = arith.constant 0 : index
    %swap3A_1153 = arith.constant 61 : index
    %swap3A_1154 = arith.constant 0 : index
    %swap3A_1155 = vector.load %arg6[%swap3A_1152, %swap3A_1153, %swap3A_1154] : memref<37x64x256xf32, #tpu.memory_space<vmem>>, vector<37x1x256xf32>
    %swap3A_1156 = vector.shape_cast %swap3A_1155 : vector<37x1x256xf32> to vector<37x256xf32>
    %swap3A_1157 = vector.shape_cast %select_n3A_1151 : vector<37x256xf32> to vector<37x1x256xf32>
    tpu.vector_store %arg6[%swap3A_1152, %swap3A_1153, %swap3A_1154], %swap3A_1157 {strides = array<i32>} : memref<37x64x256xf32, #tpu.memory_space<vmem>>, vector<37x1x256xf32>,
    %eq3A_1158 = arith.constant 62 : i32
    %eq3A_1159 = vector.broadcast %eq3A_1158 : i32 to vector<37x1xi32>
    %eq3A_1160 = arith.cmpi eq, %get3A_46, %eq3A_1159 : vector<37x1xi32>
    %and3A_1161 = arith.andi %eq3A_1160, %gt3A_43 : vector<37x1xi1>
    %get3A_1162 = arith.constant 0 : index
    %get3A_1163 = arith.constant 62 : index
    %get3A_1164 = arith.constant 0 : index
    %get3A_1165 = vector.load %arg4[%get3A_1162, %get3A_1163, %get3A_1164] : memref<37x64x256xf32, #tpu.memory_space<vmem>>, vector<37x1x256xf32>
    %get3A_1166 = vector.shape_cast %get3A_1165 : vector<37x1x256xf32> to vector<37x256xf32>
    %broadcast_in_dim3A_1167 = vector.shape_cast %and3A_1161 : vector<37x1xi1> to vector<37x1xi1>
    %broadcast_in_dim3A_1168 = vector.broadcast %broadcast_in_dim3A_1167 : vector<37x1xi1> to vector<37x256xi1>
    %select_n3A_1169 = arith.select %broadcast_in_dim3A_1168, %div3A_41, %get3A_1166 : vector<37x256xi1>, vector<37x256xf32>
    %swap3A_1170 = arith.constant 0 : index
    %swap3A_1171 = arith.constant 62 : index
    %swap3A_1172 = arith.constant 0 : index
    %swap3A_1173 = vector.load %arg6[%swap3A_1170, %swap3A_1171, %swap3A_1172] : memref<37x64x256xf32, #tpu.memory_space<vmem>>, vector<37x1x256xf32>
    %swap3A_1174 = vector.shape_cast %swap3A_1173 : vector<37x1x256xf32> to vector<37x256xf32>
    %swap3A_1175 = vector.shape_cast %select_n3A_1169 : vector<37x256xf32> to vector<37x1x256xf32>
    tpu.vector_store %arg6[%swap3A_1170, %swap3A_1171, %swap3A_1172], %swap3A_1175 {strides = array<i32>} : memref<37x64x256xf32, #tpu.memory_space<vmem>>, vector<37x1x256xf32>,
    %eq3A_1176 = arith.constant 63 : i32
    %eq3A_1177 = vector.broadcast %eq3A_1176 : i32 to vector<37x1xi32>
    %eq3A_1178 = arith.cmpi eq, %get3A_46, %eq3A_1177 : vector<37x1xi32>
    %and3A_1179 = arith.andi %eq3A_1178, %gt3A_43 : vector<37x1xi1>
    %get3A_1180 = arith.constant 0 : index
    %get3A_1181 = arith.constant 63 : index
    %get3A_1182 = arith.constant 0 : index
    %get3A_1183 = vector.load %arg4[%get3A_1180, %get3A_1181, %get3A_1182] : memref<37x64x256xf32, #tpu.memory_space<vmem>>, vector<37x1x256xf32>
    %get3A_1184 = vector.shape_cast %get3A_1183 : vector<37x1x256xf32> to vector<37x256xf32>
    %broadcast_in_dim3A_1185 = vector.shape_cast %and3A_1179 : vector<37x1xi1> to vector<37x1xi1>
    %broadcast_in_dim3A_1186 = vector.broadcast %broadcast_in_dim3A_1185 : vector<37x1xi1> to vector<37x256xi1>
    %select_n3A_1187 = arith.select %broadcast_in_dim3A_1186, %div3A_41, %get3A_1184 : vector<37x256xi1>, vector<37x256xf32>
    %swap3A_1188 = arith.constant 0 : index
    %swap3A_1189 = arith.constant 63 : index
    %swap3A_1190 = arith.constant 0 : index
    %swap3A_1191 = vector.load %arg6[%swap3A_1188, %swap3A_1189, %swap3A_1190] : memref<37x64x256xf32, #tpu.memory_space<vmem>>, vector<37x1x256xf32>
    %swap3A_1192 = vector.shape_cast %swap3A_1191 : vector<37x1x256xf32> to vector<37x256xf32>
    %swap3A_1193 = vector.shape_cast %select_n3A_1187 : vector<37x256xf32> to vector<37x1x256xf32>
    tpu.vector_store %arg6[%swap3A_1188, %swap3A_1189, %swap3A_1190], %swap3A_1193 {strides = array<i32>} : memref<37x64x256xf32, #tpu.memory_space<vmem>>, vector<37x1x256xf32>,
    return
  }
}

</mosaic_0001>

<sc_bundles>
// kernel: kernel.5.cloned.1.call-start
scs
__scs_entry_jumppad:
0x0: {  	(pc) =	sbr.rel $0x88, $3  }
0x1: {  	(tag) =	ssettag $0x0;
	lr =	simm.s32 $0x1  }
0x2: {  	[smem:$0x3F9D] =	sst lr;
	_ =	strace $0xD0000000  }
0x3: {  	_ = 	snop  }
0x4: {  	_ = 	snop  }
0x5: {  	_ = 	snop  }
0x6: {  	_ = 	snop  }
0x7: {  	_ = 	snop  }
__scs_overlays_trampoline_lowered:
0x8: {  	[smem:$0x3FAC] =	sst s0  }
0x9: {  	[smem:$0x3FAD] =	sst s1  }
0xa: {  	[smem:$0x3FAE] =	sst s2  }
0xb: {  	[smem:$0x3FAF] =	sst s3  }
0xc: {  	[smem:$0x3FB0] =	sst s4  }
0xd: {  	[smem:$0x3FB1] =	sst s5  }
0xe: {  	[smem:$0x3FB2] =	sst s6  }
0xf: {  	[smem:$0x3FB3] =	sst s7  }
0x10: {  	[smem:$0x3FB4] =	sst s8  }
0x11: {  	[smem:$0x3FB5] =	sst s9;
	s0 =	simm.s32 @!p0 $0x0  }
0x12: {  	s1 =	sld [smem:$0x3F9B];
	s0 =	simm.s32 @p0 $0x1  }
0x13: {  	[smem:$0x3FB6] =	sst s0;
	s0 =	simm.s32 @!p1 $0x0  }
0x14: {  	s2 =	sld [smem:$0x3F9A];
	s0 =	simm.s32 @p1 $0x1  }
0x15: {  	[smem:$0x3FB7] =	sst s0;
	s0 =	simm.s32 @!p2 $0x0  }
0x16: {  	s3 =	sld [smem:$0x3FDB];
	s0 =	simm.s32 @p2 $0x1  }
0x17: {  	s4 =	simm.s32 $0x1BF5;
	[smem:$0x3FB9] =	sst s0  }
0x18: {  	s0 =	sld [smem:$0x3F9C];
	_ =	swait.ge [sflag:s4], $0x0  }
0x19: {  	s7 =	sld [smem:$0x3F9D]  }
0x1a: {  	s8 =	sadd.s32 $0xFFFFE003, lr  }
0x1b: {  	s9 =	sadd.s32 $0xFFFFFEF7, lr;
	s5 =	simm.s32 $0xFFFFFFFF;
	p2 =	slt.u32 s8, $0xFFFFF086  }
0x1c: {  	p1 =	slt.u32 s9, $0xF7A;
	s5 =	simm.s32 @!p2 $0x0  }
0x1d: {  	s5 =	simm.s32 @p1 $0x1;
	p0 =	seq.s32 s7, s2  }
0x1e: {  	s7 =	smul.u32 @!p0 $0xF7A, s2;
	p2 =	seq.s32 @!p0 s5, $0x0  }
0x1f: {  	s9 =	smul.u32 $0xF7A, s1;
	s8 =	simm.s32 @!p0 $0x1BF5;
	p2 =	por !p2, p0  }
0x20: {  	[sflag:s8] =	ssyncset.s32 @!p0 $0xFFFFF086;
	s6 =	sadd.s32 @!p0 s3, s7;
	s7 =	simm.s32 @!p0 $0x108  }
0x21: {  	s3 =	sadd.s32 s3, s9;
	s6 =	sadd.s32 @!p0 $0x88, s6;
	s7 =	simm.s32 @p2 $0x1082  }
0x22: {  	[simem:s7], [sflag:s8] =	dma.local @!p0 [hbm:s6], $0xF7A  }
0x23: {  	s9 =	sor.u32 $0xD0000000, s2;
	s6 =	simm.s32 $0x108;
	_ =	swait.ge @!p0 [sflag:s8], $0x0  }
0x24: {  	s3 =	sadd.s32 $0x88, s3;
	s6 =	simm.s32 @!p1 $0x1082;
	[sflag:s4] =	ssyncset.s32 $0xFFFFF086  }
0x25: {  	[simem:s6], [sflag:s4] =	dma.local [hbm:s3], $0xF7A  }
0x26: {  	[smem:$0x3F9D] =	sst s1;
	(tag) =	ssettag s2;
	_ =	strace s9  }
0x27: {  	s1 =	sld [smem:$0x3FAD]  }
0x28: {  	s2 =	sld [smem:$0x3FAE]  }
0x29: {  	s4 =	sld [smem:$0x3FB0]  }
0x2a: {  	p0 =	seq.s32 s5, $0x0;
	s5 =	sld [smem:$0x3FB1]  }
0x2b: {  	s6 =	sld [smem:$0x3FB2]  }
0x2c: {  	s7 =	sld [smem:$0x3FB3]  }
0x2d: {  	s3 =	simm.s32 $0x108;
	s8 =	sld [smem:$0x3FB4]  }
0x2e: {  	s3 =	simm.s32 @!p0 $0x1082;
	s9 =	sld [smem:$0x3FB5]  }
0x2f: {  	lr =	sadd.s32 s0, s3;
	s0 =	sld [smem:$0x3FAC]  }
0x30: {  	s3 =	sld [smem:$0x3FAF]  }
0x31: {  	[smem:$0x3FB8] =	sst s10  }
0x32: {  	s10 =	sld [smem:$0x3FB6];
	_ =	sdelay $0x3  }
0x33: {  	p0 =	seq.s32 s10, $0x1;
	s10 =	sld [smem:$0x3FB8];
	_ =	sdelay $0x3  }
0x34: {  	[smem:$0x3FB8] =	sst s10  }
0x35: {  	s10 =	sld [smem:$0x3FB7];
	_ =	sdelay $0x3  }
0x36: {  	p1 =	seq.s32 s10, $0x1;
	s10 =	sld [smem:$0x3FB8];
	_ =	sdelay $0x3  }
0x37: {  	[smem:$0x3FB8] =	sst s10  }
0x38: {  	s10 =	sld [smem:$0x3FB9]  }
0x39: {  	_ = 	snop;
	(pc) =	sbr.ind lr, $3  }
0x3a: {  	_ = 	snop  }
0x3b: {  	_ = 	snop  }
0x3c: {  	p2 =	seq.s32 s10, $0x1;
	s10 =	sld [smem:$0x3FB8]  }
0x3d: {  	_ =	shalt  }
0x3e: {  	_ =	shalt  }
0x3f: {  	_ =	shalt  }
0x40: {  	_ =	shalt  }
0x41: {  	_ =	shalt  }
0x42: {  	_ =	shalt  }
0x43: {  	_ =	shalt  }
0x44: {  	_ =	shalt  }
0x45: {  	_ =	shalt  }
0x46: {  	_ =	shalt  }
0x47: {  	_ =	shalt  }
0x48: {  	_ =	shalt  }
0x49: {  	_ =	shalt  }
0x4a: {  	_ =	shalt  }
0x4b: {  	_ =	shalt  }
0x4c: {  	_ =	shalt  }
0x4d: {  	_ =	shalt  }
0x4e: {  	_ =	shalt  }
0x4f: {  	_ =	shalt  }
0x50: {  	_ =	shalt  }
0x51: {  	_ =	shalt  }
0x52: {  	_ =	shalt  }
0x53: {  	_ =	shalt  }
0x54: {  	_ =	shalt  }
0x55: {  	_ =	shalt  }
0x56: {  	_ =	shalt  }
0x57: {  	_ =	shalt  }
0x58: {  	_ =	shalt  }
0x59: {  	_ =	shalt  }
0x5a: {  	_ =	shalt  }
0x5b: {  	_ =	shalt  }
0x5c: {  	_ =	shalt  }
0x5d: {  	_ =	shalt  }
0x5e: {  	_ =	shalt  }
0x5f: {  	_ =	shalt  }
0x60: {  	_ =	shalt  }
0x61: {  	_ =	shalt  }
0x62: {  	_ =	shalt  }
0x63: {  	_ =	shalt  }
0x64: {  	_ =	shalt  }
0x65: {  	_ =	shalt  }
0x66: {  	_ =	shalt  }
0x67: {  	_ =	shalt  }
0x68: {  	_ =	shalt  }
0x69: {  	_ =	shalt  }
0x6a: {  	_ =	shalt  }
0x6b: {  	_ =	shalt  }
0x6c: {  	_ =	shalt  }
0x6d: {  	_ =	shalt  }
0x6e: {  	_ =	shalt  }
0x6f: {  	_ =	shalt  }
0x70: {  	_ =	shalt  }
0x71: {  	_ =	shalt  }
0x72: {  	_ =	shalt  }
0x73: {  	_ =	shalt  }
0x74: {  	_ =	shalt  }
0x75: {  	_ =	shalt  }
0x76: {  	_ =	shalt  }
0x77: {  	_ =	shalt  }
0x78: {  	_ =	shalt  }
0x79: {  	_ =	shalt  }
0x7a: {  	_ =	shalt  }
0x7b: {  	_ =	shalt  }
0x7c: {  	_ =	shalt  }
0x7d: {  	_ =	shalt  }
0x7e: {  	_ =	shalt  }
0x7f: {  	_ =	shalt  }
0x80: {  	_ =	shalt  }
0x81: {  	_ =	shalt  }
0x82: {  	_ =	shalt  }
0x83: {  	_ =	shalt  }
0x84: {  	_ =	shalt  }
0x85: {  	_ =	shalt  }
0x86: {  	_ =	shalt  }
0x87: {  	_ =	shalt  }
.Lfunc_end0:
.L_simem_size_0:
called_computation_lowered:
.L_overlay_start_0:
0x88: {  	s2 =	sld [smem:$0x3FD9]  }
0x89: {  	s3 =	sld [smem:$0x3FFE];
	_ =	sdelay $0x1  }
0x8a: {  	s1 =	srdreg.scid  }
0x8b: {  	s0 =	sand.u32 $0x1, s1  }
0x8c: {  	s17 =	sshll.u32 s0, $0xA;
	s2 =	sadd.s32 s3, s2  }
0x8d: {  	s2 =	sadd.s32 s2, s17  }
0x8e: {  	[smem:$0x3FC4] =	sst s2  }
0x8f: {  	_ = 	snop  }
0x90: {  	s2 =	sld [smem:$0x3FC9]  }
0x91: {  	s18 =	sld [smem:$0x3FD0];
	(tm) =	ssettm $0x1  }
0x92: {  	s4 =	sld [smem:$0x3FFB];
	_ =	sdelay $0x3  }
0x93: {  	_ =	strace s4  }
0x94: {  	s4 =	sld [smem:$0x3FFC];
	_ =	sdelay $0x3  }
0x95: {  	_ =	strace s4  }
0x96: {  	s4 =	sld [smem:$0x3FFD];
	_ =	sdelay $0x3  }
0x97: {  	_ =	strace s4  }
0x98: {  	_ =	strace $0x8FFFFFFF  }
0x99: {  	s19 =	sld [smem:$0x3FDB];
	_ =	sdelay $0x1  }
0x9a: {  	s5 =	simm.s32 $_scs_section_size  }
0x9b: {  	s6 =	simm.s32 $_size__tile_overlayer_lowered;
	s7 =	simm.s32 $_tile_overlayer_lowered  }
0x9c: {  	s22 =	simm.s32 $0x1BFF;
	s21 =	sshll.u32 s7, $0x1;
	s4 =	sadd.s32 s5, s19  }
0x9d: {  	s8 =	simm.s32 $0x0;
	s20 =	sshll.u32 s6, $0x1;
	s6 =	sadd.s32 s21, s4  }
0x9e: {  	[timem:s8], [sflag:s22] =	dma.local [hbm:s6], s20  }
0x9f: {  	_ =	swait.ge [sflag:s22], s20  }
0xa0: {  	s5 =	ssub.s32 $0x0, s20;
	[sflag:s22] =	ssyncset.done $0x0  }
0xa1: {  	[sflag:s22] =	ssyncadd.s32 s5;
	_ =	sdelay $0x1  }
0xa2: {  	s23 =	simm.s32 $0x1B8B  }
0xa3: {  	_ =	swait.ge [sflag:s23], $0x1  }
0xa4: {  	[sflag:s23] =	ssyncset.done $0x0  }
0xa5: {  	s25 =	simm.s32 $0x1B8E;
	s24 =	sld [smem:$0x3FFE];
	[sflag:s23] =	ssyncadd.s32 $0xFFFFFFFF  }
0xa6: {  	s26 =	simm.s32 $execute0_lowered;
	[smem:$0x3FD2] =	sst s25  }
0xa7: {  	s6 =	sshll.u32 s26, $0x1;
	_ =	strace $0x80000046;
	[dreg:$0x1] =	wrdreg $0xFFFFFFFF  }
0xa8: {  	s28 =	simm.s32 $_size_execute0_lowered;
	s4 =	sadd.s32 s4, s6;
	[dreg:$0x0] =	wrdreg $0x0  }
0xa9: {  	s6 =	sshll.u32 s28, $0x1;
	[dreg:$0x2] =	wrdreg s4  }
0xaa: {  	[dreg:$0x3] =	wrdreg s6  }
0xab: {  	[dreg:$0x4] =	wrdreg $0xC0  }
0xac: {  	_ =	task [dreg:s8], $0x5FFFF  }
0xad: {  	[dreg:$0x1] =	wrdreg $0xFFFFFFFF  }
0xae: {  	[dreg:$0x0] =	wrdreg $0x60  }
0xaf: {  	[dreg:$0x2] =	wrdreg s2  }
0xb0: {  	[dreg:$0x3] =	wrdreg s18  }
0xb1: {  	[dreg:$0x4] =	wrdreg s24  }
0xb2: {  	[dreg:$0x5] =	wrdreg $0x112800  }
0xb3: {  	[dreg:$0x6] =	wrdreg $0x115000  }
0xb4: {  	[dreg:$0x7] =	wrdreg $0x9  }
0xb5: {  	_ =	task.clear_ibuf [dreg:s8], $0x8FFFF;
	_ =	strace $0x90000046  }
0xb6: {  	s29 =	simm.s32 $0x9;
	_ =	strace $0x80000048  }
0xb7: {  	_ =	swait.ge [sflag:s29], $0x1  }
0xb8: {  	[sflag:s29] =	ssyncadd.s32 $0xFFFFFFFF  }
0xb9: {  	_ =	strace $0x90000048  }
0xba: {  	_ =	sfence  }
0xbb: {  	s30 =	sld [smem:$0x0];
	_ =	sdelay $0x2  }
0xbc: {  	s31 =	sshll.u32 s1, $0xD;
	s1 =	sshrl.u32 s1, $0x2  }
0xbd: {  	s3 =	sand.u32 $0x4000, s31;
	s1 =	sadd.s32 s1, s30  }
0xbe: {  	s0 =	sor.u32 s3, s0;
	s1 =	sshll.u32 s1, $0x11  }
0xbf: {  	s0 =	sor.u32 s1, s0  }
0xc0: {  	s0 =	sadd.s32 $0x8F2B, s0  }
0xc1: {  	[sflag:s0] =	ssyncadd.remote.s32 $0x1  }
0xc2: {  	_ =	sfence.sel $0xFFFF  }
0xc3: {  	[dreg:$0x0] =	wrdreg $0xFFFFFFFF;
	(pc) =	sbr.abs _section_cstart, $3  }
0xc4: {  	[dreg:$0x1] =	wrdreg $0xFFFFFFFF  }
0xc5: {  	_ =	task.clear_ibuf [dreg:s8], $0x2FFFF;
	_ =	strace $0x9FFFFFFF  }
0xc6: {  	(tm) =	ssettm $0x7FFFFFFF  }
0xc7: {  	_ =	shalt  }
tec
execute0_lowered:
.L_overlay_start_1:
0x0: {  	(tag) =	ssettag $0x1  }
0x1: {  	s0 =	rddreg [dreg:$0x0]  }
0x2: {  	s4 =	rddreg [dreg:$0x1]  }
0x3: {  	s5 =	rddreg [dreg:$0x2]  }
0x4: {  	s1 =	rddreg [dreg:$0x3]  }
0x5: {  	s2 =	rddreg [dreg:$0x4]  }
0x6: {  	s3 =	srdreg.scid;
	s15 =	stileid.u32;
	s16 =	simm.s32 $0x10A80  }
0x7: {  	s17 =	simm.s32 $0x10700;
	s18 =	simm.s32 $0x80;
	s25 =	simm.s32 $0x1  }
0x8: {  	s26 =	simm.s32 $0x8000;
	s30 =	simm.s32 $0x4000;
	s19 =	simm.s32 $0xC000  }
0x9: {  	s20 =	simm.s32 $0x10680;
	s21 =	simm.s32 $0x0;
	s6 =	sand.u32 $0x1, s3  }
0xa: {  	s3 =	simm.s32 $0x0;
	s7 =	smul.u32 $0x500, s6;
	s8 =	sshll.u32 s6, $0x4  }
0xb: {  	p0 =	sne.s32 s15, $0x0;
	s9 =	smul.u32 $0x50, s6;
	s8 =	sor.u32 s15, s8  }
0xc: {  	[smem:$0x7FF] =	sst s3;
	s6 =	ssub.s32 $0x2, s6;
	s10 =	smul.u32 $0x70, s8  }
0xd: {  	_ =	strace $0x80000047;
	s12 =	sshrl.u32 s6, $0x1;
	s11 =	smul.u32 $0x7000, s8  }
0xe: {  	s15 =	simm.s32 $0x2;
	s7 =	sadd.s32 s7, s5;
	s8 =	smul.u32 $0x38000, s8  }
0xf: {  	s9 =	sadd.s32 s9, s5;
	s12 =	ssub.s32 s6, s12;
	s6 =	sadd.s32 $0x1400, s7  }
0x10: {  	s7 =	sadd.s32 $0x1200, s9;
	s4 =	sadd.s32 s4, s10;
	s31 =	sshrl.u32 s8, $0x3  }
0x11: {  	v1 =	vimm.s32 $0x0;
	vm0 =	vcmask $0x300;
	v3 =	vlaneseq.u32;
	s5 =	sadd.s32 s0, s11;
	s8 =	smax.u32 s12, $0x1;
	s0 =	sadd.s32 s0, s31  }
0x12: {  	v0 =	vimm.f32 $0.0e+00;
	v2 =	vimm.f32 $1.000000000e+00;
	v4 =	vshrl.u32 v3, $0x3;
	s9 =	sadd.s32 $0x1000, s0;
	s10 =	sadd.s32 $0x2000, s0;
	s11 =	sadd.s32 $0x3000, s0  }
0x13: {  	v1 =	vsel vm0, $0x3, v1;
	v3 =	vand.u32 $0x7, v3;
	v4 =	vmul.u32 $0x28, v4;
	s12 =	sadd.s32 $0x4000, s0;
	s13 =	sadd.s32 $0x5000, s0;
	s14 =	sadd.s32 $0x6000, s0  }
.LBB2_1:
.Ltmp0:
0x14: {  	(pc) =	sbr.rel @p0 .LBB2_5-.Ltmp0, $1  }
0x15: {  	_ =	sdelay $0x3  }
0x16: {  	s22 =	simm.s32 $0x40  }
0x17: {  	[tilespmem:s22+$0xFFFFFFD0] =	vst v0  }
0x18: {  	[tilespmem:s22+$0xFFFFFFE0] =	vst v0  }
0x19: {  	[tilespmem:s22+$0xFFFFFFF0] =	vst v0  }
0x1a: {  	[tilespmem:s22+$0x0] =	vst v0  }
0x1b: {  	[tilespmem:s22+$0x10] =	vst v0  }
0x1c: {  	[tilespmem:s22+$0x20] =	vst v0  }
0x1d: {  	[tilespmem:s22+$0x30] =	vst v0  }
0x1e: {  	s24 =	simm.s32 $0x0;
	s23 =	simm.s32 $0x40;
	[tilespmem:s22+$0xFFFFFFC0] =	vst v0  }
.LBB2_3:
0x1f: {  	p1 =	sne.s32 s23, $0x13C0;
	[tilespmem:s24+$0x10A80] =	vst v0;
	s22 =	sadd.s32 $0x80, s22  }
0x20: {  	[tilespmem:s22+$0xFFFFFFD0] =	vst v0  }
0x21: {  	[tilespmem:s22+$0xFFFFFFE0] =	vst v0  }
0x22: {  	[tilespmem:s22+$0xFFFFFFF0] =	vst v0  }
.Ltmp1:
0x23: {  	[tilespmem:s22+$0x0] =	vst v0;
	(pc) =	sbr.rel @p1 .LBB2_3-.Ltmp1, $4  }
0x24: {  	[tilespmem:s22+$0x10] =	vst v0  }
0x25: {  	[tilespmem:s22+$0x20] =	vst v0  }
0x26: {  	[tilespmem:s22+$0x30] =	vst v0  }
0x27: {  	s24 =	sshra.s32 s23, $0x2;
	s23 =	sadd.s32 $0x40, s23;
	[tilespmem:s22+$0xFFFFFFC0] =	vst v0  }
0x28: {  	[tilespmem:s24+$0x10A80] =	vst v0  }
0x29: {  	[spmem:s1] =	stream.linear.scatter [tilespmem:s3], [sflag:$0x2], $0x2800, $0x38;
	[tilespmem:$0x11528] =	vst v63  }
0x2a: {  	_ =	swait.ge [sflag:s15], $0x2800  }
0x2b: {  	[sflag:s15] =	ssyncset.done $0x0  }
0x2c: {  	[sflag:s15] =	ssyncadd.s32 $0xFFFFD800  }
0x2d: {  	[spmem:s2] =	stream.linear.scatter [tilespmem:s16], [sflag:$0x2], $0x280, $0x38;
	[tilespmem:$0x11528] =	vst v63  }
0x2e: {  	_ =	swait.ge [sflag:s15], $0x280  }
0x2f: {  	[sflag:s15] =	ssyncset.done $0x0  }
0x30: {  	[sflag:s15] =	ssyncadd.s32 $0xFFFFFD80  }
.LBB2_5:
0x31: {  	s23 =	simm.s32 $0x40;
	s22 =	simm.s32 $0x0  }
.LBB2_6:
0x32: {  	p1 =	sne.s32 s23, $0x1FC0;
	[tilespmem:s22+$0x10A80] =	vst v2;
	s22 =	smov.u32 s23;
	s23 =	sadd.s32 $0x40, s23  }
.Ltmp2:
0x33: {  	(pc) =	sbr.rel @p1 .LBB2_6-.Ltmp2, $2  }
0x34: {  	_ =	sdelay $0x2  }
0x35: {  	s22 =	sshra.s32 s22, $0x2  }
0x36: {  	s28 =	simm.s32 $0x0  }
0x37: {  	s24 =	sand.u32 $0x40, s28  }
0x38: {  	v5 =	vmov s24  }
0x39: {  	s23 =	simm.s32 $0x0;
	v5 =	vshrl.u32 v5, $0x3  }
0x3a: {  	s23 =	sand.u32 $0xFFFFFF80, s23;
	v5 =	vshll.u32 v5, v1  }
0x3b: {  	v5 =	vor.u32 s23, v5  }
0x3c: {  	v5 =	vbroadcast v5, $0x0;
	_ =	sdelay $0x1  }
0x3d: {  	[tilespmem:s22+$0x10A80] =	vst v2;
	s0 =	sor.u32 $0x8, s24;
	v5 =	vor.u32 v3, v5  }
0x3e: {  	[tilespmem:s17], [sflag:$0x2] =	stream.linear.gather [hbm4b:s4+s28], $0x380, $0x38;
	v6 =	vmov s0;
	[tilespmem:$0x11528] =	vst v63  }
0x3f: {  	_ =	swait.ge [sflag:s15], $0x380;
	v6 =	vshrl.u32 v6, $0x3  }
0x40: {  	[sflag:s15] =	ssyncset.done $0x0;
	v6 =	vshll.u32 v6, v1  }
0x41: {  	[sflag:s15] =	ssyncadd.s32 $0xFFFFFC80;
	v6 =	vor.u32 s23, v6  }
0x42: {  	v6 =	vbroadcast v6, $0x0;
	v5 =	vld.idx.msk [tilespmem:v5+s17+$0x0], $0xffff;
	_ =	sdelay $0x1  }
0x43: {  	s31 =	sor.u32 $0x10, s24;
	v6 =	vor.u32 v3, v6  }
0x44: {  	v7 =	vmov s31  }
0x45: {  	v7 =	vshrl.u32 v7, $0x3  }
0x46: {  	s22 =	simm.s32 $0x10040;
	v7 =	vshll.u32 v7, v1;
	v5 =	vadd.s32 v4, v5  }
0x47: {  	[tilespmem:s22+$0xFFFFFFC0] =	vst v5;
	v5 =	vor.u32 s23, v7  }
0x48: {  	v6 =	vld.idx.msk [tilespmem:v6+s17+$0x0], $0xffff;
	v5 =	vbroadcast v5, $0x0;
	_ =	sdelay $0x1  }
0x49: {  	s28 =	sor.u32 $0x18, s24;
	v5 =	vor.u32 v3, v5  }
0x4a: {  	v7 =	vmov s28  }
0x4b: {  	v7 =	vshrl.u32 v7, $0x3  }
0x4c: {  	v7 =	vshll.u32 v7, v1;
	v6 =	vadd.s32 v4, v6  }
0x4d: {  	[tilespmem:s22+$0xFFFFFFD0] =	vst v6;
	v6 =	vor.u32 s23, v7  }
0x4e: {  	v5 =	vld.idx.msk [tilespmem:v5+s17+$0x0], $0xffff;
	v6 =	vbroadcast v6, $0x0;
	_ =	sdelay $0x1  }
0x4f: {  	s28 =	sor.u32 $0x20, s24;
	v6 =	vor.u32 v3, v6  }
0x50: {  	v7 =	vmov s28  }
0x51: {  	v7 =	vshrl.u32 v7, $0x3  }
0x52: {  	v7 =	vshll.u32 v7, v1;
	v5 =	vadd.s32 v4, v5  }
0x53: {  	[tilespmem:s22+$0xFFFFFFE0] =	vst v5;
	v5 =	vor.u32 s23, v7  }
0x54: {  	v6 =	vld.idx.msk [tilespmem:v6+s17+$0x0], $0xffff;
	v5 =	vbroadcast v5, $0x0;
	_ =	sdelay $0x1  }
0x55: {  	s28 =	sor.u32 $0x28, s24;
	v5 =	vor.u32 v3, v5  }
0x56: {  	v7 =	vmov s28  }
0x57: {  	v7 =	vshrl.u32 v7, $0x3  }
0x58: {  	v7 =	vshll.u32 v7, v1;
	v6 =	vadd.s32 v4, v6  }
0x59: {  	[tilespmem:s22+$0xFFFFFFF0] =	vst v6;
	v6 =	vor.u32 s23, v7  }
0x5a: {  	v5 =	vld.idx.msk [tilespmem:v5+s17+$0x0], $0xffff;
	v6 =	vbroadcast v6, $0x0;
	_ =	sdelay $0x1  }
0x5b: {  	s28 =	sor.u32 $0x30, s24;
	v6 =	vor.u32 v3, v6  }
0x5c: {  	v7 =	vmov s28  }
0x5d: {  	v7 =	vshrl.u32 v7, $0x3  }
0x5e: {  	v7 =	vshll.u32 v7, v1;
	v5 =	vadd.s32 v4, v5  }
0x5f: {  	[tilespmem:s22+$0x0] =	vst v5;
	v5 =	vor.u32 s23, v7  }
0x60: {  	v6 =	vld.idx.msk [tilespmem:v6+s17+$0x0], $0xffff;
	v5 =	vbroadcast v5, $0x0;
	_ =	sdelay $0x1  }
0x61: {  	s24 =	sor.u32 $0x38, s24;
	v5 =	vor.u32 v3, v5  }
0x62: {  	v7 =	vmov s24  }
0x63: {  	v7 =	vshrl.u32 v7, $0x3  }
0x64: {  	v7 =	vshll.u32 v7, v1;
	v6 =	vadd.s32 v4, v6  }
0x65: {  	v7 =	vor.u32 s23, v7;
	[tilespmem:s22+$0x10] =	vst v6  }
0x66: {  	v7 =	vbroadcast v7, $0x0;
	v6 =	vld.idx.msk [tilespmem:v5+s17+$0x0], $0xffff;
	_ =	sdelay $0x1  }
0x67: {  	s28 =	simm.s32 $0x40;
	v5 =	vor.u32 v3, v7  }
0x68: {  	s29 =	simm.s32 $0x2;
	s24 =	simm.s32 $0x1;
	s23 =	sand.u32 $0x40, s28  }
.LBB2_8:
0x69: {  	p1 =	sne.s32 s29, $0xD;
	v7 =	vmov s23  }
0x6a: {  	s31 =	sshll.u32 s24, $0x6;
	v6 =	vadd.s32 v4, v6;
	s24 =	smov.u32 s29;
	v7 =	vshrl.u32 v7, $0x3  }
0x6b: {  	s31 =	sand.u32 $0xFFFFFF80, s31;
	v7 =	vshll.u32 v7, v1;
	[tilespmem:s22+$0x20] =	vst v6  }
0x6c: {  	v6 =	vor.u32 s31, v7;
	v5 =	vld.idx.msk [tilespmem:v5+s17+$0x0], $0xffff  }
0x6d: {  	v6 =	vbroadcast v6, $0x0;
	_ =	sdelay $0x1  }
0x6e: {  	v6 =	vor.u32 v3, v6  }
0x6f: {  	s0 =	sor.u32 $0x8, s23  }
0x70: {  	v7 =	vmov s0  }
0x71: {  	v7 =	vshrl.u32 v7, $0x3;
	v5 =	vadd.s32 v4, v5  }
0x72: {  	v7 =	vshll.u32 v7, v1;
	[tilespmem:s22+$0x30] =	vst v5  }
0x73: {  	v5 =	vld.idx.msk [tilespmem:v6+s17+$0x0], $0xffff;
	v6 =	vor.u32 s31, v7  }
0x74: {  	v6 =	vbroadcast v6, $0x0;
	_ =	sdelay $0x1  }
0x75: {  	v6 =	vor.u32 v3, v6  }
0x76: {  	s0 =	sor.u32 $0x10, s23  }
0x77: {  	v7 =	vmov s0  }
0x78: {  	s22 =	sadd.s32 $0x80, s22;
	v7 =	vshrl.u32 v7, $0x3;
	v5 =	vadd.s32 v4, v5  }
0x79: {  	[tilespmem:s22+$0xFFFFFFC0] =	vst v5;
	v5 =	vshll.u32 v7, v1  }
0x7a: {  	v6 =	vld.idx.msk [tilespmem:v6+s17+$0x0], $0xffff;
	v5 =	vor.u32 s31, v5  }
0x7b: {  	v5 =	vbroadcast v5, $0x0;
	_ =	sdelay $0x1  }
0x7c: {  	v5 =	vor.u32 v3, v5  }
0x7d: {  	s0 =	sor.u32 $0x18, s23  }
0x7e: {  	v7 =	vmov s0  }
0x7f: {  	v7 =	vshrl.u32 v7, $0x3;
	v6 =	vadd.s32 v4, v6  }
0x80: {  	[tilespmem:s22+$0xFFFFFFD0] =	vst v6;
	v6 =	vshll.u32 v7, v1  }
0x81: {  	v5 =	vld.idx.msk [tilespmem:v5+s17+$0x0], $0xffff;
	v6 =	vor.u32 s31, v6  }
0x82: {  	v6 =	vbroadcast v6, $0x0;
	_ =	sdelay $0x1  }
0x83: {  	v6 =	vor.u32 v3, v6  }
0x84: {  	s0 =	sor.u32 $0x20, s23  }
0x85: {  	v7 =	vmov s0  }
0x86: {  	v7 =	vshrl.u32 v7, $0x3;
	v5 =	vadd.s32 v4, v5  }
0x87: {  	[tilespmem:s22+$0xFFFFFFE0] =	vst v5;
	v5 =	vshll.u32 v7, v1  }
0x88: {  	v6 =	vld.idx.msk [tilespmem:v6+s17+$0x0], $0xffff;
	v5 =	vor.u32 s31, v5  }
0x89: {  	v5 =	vbroadcast v5, $0x0;
	_ =	sdelay $0x1  }
0x8a: {  	v5 =	vor.u32 v3, v5  }
0x8b: {  	s0 =	sor.u32 $0x28, s23  }
0x8c: {  	v7 =	vmov s0  }
0x8d: {  	v7 =	vshrl.u32 v7, $0x3;
	v6 =	vadd.s32 v4, v6  }
0x8e: {  	[tilespmem:s22+$0xFFFFFFF0] =	vst v6;
	v6 =	vshll.u32 v7, v1  }
0x8f: {  	v5 =	vld.idx.msk [tilespmem:v5+s17+$0x0], $0xffff;
	v6 =	vor.u32 s31, v6  }
0x90: {  	v6 =	vbroadcast v6, $0x0;
	_ =	sdelay $0x1  }
0x91: {  	v6 =	vor.u32 v3, v6  }
0x92: {  	s0 =	sor.u32 $0x30, s23  }
0x93: {  	v7 =	vmov s0  }
0x94: {  	v7 =	vshrl.u32 v7, $0x3;
	v5 =	vadd.s32 v4, v5  }
0x95: {  	[tilespmem:s22+$0x0] =	vst v5;
	v5 =	vshll.u32 v7, v1  }
0x96: {  	v6 =	vld.idx.msk [tilespmem:v6+s17+$0x0], $0xffff;
	v5 =	vor.u32 s31, v5  }
0x97: {  	v5 =	vbroadcast v5, $0x0;
	_ =	sdelay $0x1  }
0x98: {  	v5 =	vor.u32 v3, v5  }
0x99: {  	s0 =	sor.u32 $0x38, s23  }
0x9a: {  	v7 =	vmov s0  }
0x9b: {  	v7 =	vshrl.u32 v7, $0x3;
	v6 =	vadd.s32 v4, v6  }
0x9c: {  	v7 =	vshll.u32 v7, v1;
	[tilespmem:s22+$0x10] =	vst v6  }
.Ltmp3:
0x9d: {  	v6 =	vld.idx.msk [tilespmem:v5+s17+$0x0], $0xffff;
	v5 =	vor.u32 s31, v7;
	(pc) =	sbr.rel @p1 .LBB2_8-.Ltmp3, $3  }
0x9e: {  	v5 =	vbroadcast v5, $0x0;
	_ =	sdelay $0x1  }
0x9f: {  	s28 =	sadd.s32 $0x40, s28;
	v5 =	vor.u32 v3, v5  }
0xa0: {  	s29 =	sadd.s32 $0x1, s29;
	s23 =	sand.u32 $0x40, s28  }
0xa1: {  	v7 =	vmov s23  }
0xa2: {  	s0 =	sshll.u32 s24, $0x6;
	v7 =	vshrl.u32 v7, $0x3  }
0xa3: {  	v6 =	vadd.s32 v4, v6;
	s24 =	sand.u32 $0xFFFFFF80, s0;
	v7 =	vshll.u32 v7, v1  }
0xa4: {  	[tilespmem:s22+$0x20] =	vst v6;
	v6 =	vor.u32 s24, v7  }
0xa5: {  	v5 =	vld.idx.msk [tilespmem:v5+s17+$0x0], $0xffff;
	v6 =	vbroadcast v6, $0x0;
	_ =	sdelay $0x1  }
0xa6: {  	s29 =	sor.u32 $0x8, s23;
	v6 =	vor.u32 v3, v6  }
0xa7: {  	v7 =	vmov s29  }
0xa8: {  	v7 =	vshrl.u32 v7, $0x3  }
0xa9: {  	v7 =	vshll.u32 v7, v1;
	v5 =	vadd.s32 v4, v5  }
0xaa: {  	[tilespmem:s22+$0x30] =	vst v5;
	v5 =	vor.u32 s24, v7  }
0xab: {  	v5 =	vbroadcast v5, $0x0;
	v6 =	vld.idx.msk [tilespmem:v6+s17+$0x0], $0xffff;
	_ =	sdelay $0x1  }
0xac: {  	s31 =	sor.u32 $0x10, s23;
	v5 =	vor.u32 v3, v5  }
0xad: {  	v7 =	vmov s31  }
0xae: {  	v7 =	vshrl.u32 v7, $0x3  }
0xaf: {  	s0 =	sadd.s32 $0x80, s22;
	v7 =	vshll.u32 v7, v1;
	v6 =	vadd.s32 v4, v6  }
0xb0: {  	[tilespmem:s0+$0xFFFFFFC0] =	vst v6;
	v6 =	vor.u32 s24, v7  }
0xb1: {  	v5 =	vld.idx.msk [tilespmem:v5+s17+$0x0], $0xffff;
	v6 =	vbroadcast v6, $0x0;
	_ =	sdelay $0x1  }
0xb2: {  	s28 =	sor.u32 $0x18, s23;
	v6 =	vor.u32 v3, v6  }
0xb3: {  	v7 =	vmov s28  }
0xb4: {  	v7 =	vshrl.u32 v7, $0x3  }
0xb5: {  	v7 =	vshll.u32 v7, v1;
	v5 =	vadd.s32 v4, v5  }
0xb6: {  	[tilespmem:s0+$0xFFFFFFD0] =	vst v5;
	v5 =	vor.u32 s24, v7  }
0xb7: {  	v6 =	vld.idx.msk [tilespmem:v6+s17+$0x0], $0xffff;
	v5 =	vbroadcast v5, $0x0;
	_ =	sdelay $0x1  }
0xb8: {  	s29 =	sor.u32 $0x20, s23;
	v5 =	vor.u32 v3, v5  }
0xb9: {  	v7 =	vmov s29  }
0xba: {  	v7 =	vshrl.u32 v7, $0x3  }
0xbb: {  	v7 =	vshll.u32 v7, v1;
	v6 =	vadd.s32 v4, v6  }
0xbc: {  	[tilespmem:s0+$0xFFFFFFE0] =	vst v6;
	v6 =	vor.u32 s24, v7  }
0xbd: {  	v5 =	vld.idx.msk [tilespmem:v5+s17+$0x0], $0xffff;
	v6 =	vbroadcast v6, $0x0;
	_ =	sdelay $0x1  }
0xbe: {  	s31 =	sor.u32 $0x28, s23;
	v6 =	vor.u32 v3, v6  }
0xbf: {  	v7 =	vmov s31  }
0xc0: {  	v7 =	vshrl.u32 v7, $0x3  }
0xc1: {  	v7 =	vshll.u32 v7, v1;
	v5 =	vadd.s32 v4, v5  }
0xc2: {  	[tilespmem:s0+$0xFFFFFFF0] =	vst v5;
	v5 =	vor.u32 s24, v7  }
0xc3: {  	v6 =	vld.idx.msk [tilespmem:v6+s17+$0x0], $0xffff;
	v5 =	vbroadcast v5, $0x0;
	_ =	sdelay $0x1  }
0xc4: {  	s28 =	sor.u32 $0x30, s23;
	v5 =	vor.u32 v3, v5  }
0xc5: {  	v7 =	vmov s28  }
0xc6: {  	v7 =	vshrl.u32 v7, $0x3  }
0xc7: {  	v7 =	vshll.u32 v7, v1;
	v6 =	vadd.s32 v4, v6  }
0xc8: {  	[tilespmem:s0+$0x0] =	vst v6;
	v6 =	vor.u32 s24, v7  }
0xc9: {  	v5 =	vld.idx.msk [tilespmem:v5+s17+$0x0], $0xffff;
	v6 =	vbroadcast v6, $0x0;
	_ =	sdelay $0x1  }
0xca: {  	s29 =	sor.u32 $0x38, s23;
	v6 =	vor.u32 v3, v6  }
0xcb: {  	v7 =	vmov s29  }
0xcc: {  	v7 =	vshrl.u32 v7, $0x3  }
0xcd: {  	v7 =	vshll.u32 v7, v1;
	v5 =	vadd.s32 v4, v5  }
0xce: {  	[tilespmem:s0+$0x10] =	vst v5;
	v5 =	vor.u32 s24, v7  }
0xcf: {  	v6 =	vld.idx.msk [tilespmem:v6+s17+$0x0], $0xffff;
	v5 =	vbroadcast v5, $0x0;
	_ =	sdelay $0x1  }
0xd0: {  	v5 =	vor.u32 v3, v5;
	_ =	sdelay $0x2  }
0xd1: {  	v6 =	vadd.s32 v4, v6  }
0xd2: {  	[tilespmem:s0+$0x20] =	vst v6  }
0xd3: {  	v5 =	vld.idx.msk [tilespmem:v5+s17+$0x0], $0xffff;
	_ =	sdelay $0x4  }
0xd4: {  	v5 =	vadd.s32 v4, v5  }
0xd5: {  	[tilespmem:s0+$0x30] =	vst v5  }
0xd6: {  	[bflag:$0x0] =	sbarrier.arrive $0xFFFF  }
0xd7: {  	[spmem:s2] =	stream.indirect.scatter.add.f32 [tilespmem:s16], [sflag:$0x2], $0x10, s17, s18, $0xb8;
	[tilespmem:$0x11528] =	vst v63  }
0xd8: {  	_ =	swait.ge [sflag:s15], $0x800  }
0xd9: {  	[sflag:s15] =	ssyncset.done $0x0  }
0xda: {  	s31 =	simm.s32 $0x10780;
	[sflag:s15] =	ssyncadd.s32 $0xFFFFF800  }
0xdb: {  	[spmem:s2] =	stream.indirect.scatter.add.f32 [tilespmem:s16], [sflag:$0x2], $0x10, s31, s18, $0xb8;
	[tilespmem:$0x11528] =	vst v63  }
0xdc: {  	_ =	swait.ge [sflag:s15], $0x800  }
0xdd: {  	[sflag:s15] =	ssyncset.done $0x0  }
0xde: {  	s22 =	simm.s32 $0x10800;
	[sflag:s15] =	ssyncadd.s32 $0xFFFFF800  }
0xdf: {  	[spmem:s2] =	stream.indirect.scatter.add.f32 [tilespmem:s16], [sflag:$0x2], $0x10, s22, s18, $0xb8;
	[tilespmem:$0x11528] =	vst v63  }
0xe0: {  	_ =	swait.ge [sflag:s15], $0x800  }
0xe1: {  	[sflag:s15] =	ssyncset.done $0x0  }
0xe2: {  	s23 =	simm.s32 $0x10880;
	[sflag:s15] =	ssyncadd.s32 $0xFFFFF800  }
0xe3: {  	[spmem:s2] =	stream.indirect.scatter.add.f32 [tilespmem:s16], [sflag:$0x2], $0x10, s23, s18, $0xb8;
	[tilespmem:$0x11528] =	vst v63  }
0xe4: {  	_ =	swait.ge [sflag:s15], $0x800  }
0xe5: {  	[sflag:s15] =	ssyncset.done $0x0  }
0xe6: {  	s24 =	simm.s32 $0x10900;
	[sflag:s15] =	ssyncadd.s32 $0xFFFFF800  }
0xe7: {  	[spmem:s2] =	stream.indirect.scatter.add.f32 [tilespmem:s16], [sflag:$0x2], $0x10, s24, s18, $0xb8;
	[tilespmem:$0x11528] =	vst v63  }
0xe8: {  	_ =	swait.ge [sflag:s15], $0x800  }
0xe9: {  	[sflag:s15] =	ssyncset.done $0x0  }
0xea: {  	s28 =	simm.s32 $0x10980;
	[sflag:s15] =	ssyncadd.s32 $0xFFFFF800  }
0xeb: {  	[spmem:s2] =	stream.indirect.scatter.add.f32 [tilespmem:s16], [sflag:$0x2], $0x10, s28, s18, $0xb8;
	[tilespmem:$0x11528] =	vst v63  }
0xec: {  	_ =	swait.ge [sflag:s15], $0x800  }
0xed: {  	[sflag:s15] =	ssyncset.done $0x0  }
0xee: {  	s29 =	simm.s32 $0x10A00;
	[sflag:s15] =	ssyncadd.s32 $0xFFFFF800  }
0xef: {  	[spmem:s2] =	stream.indirect.scatter.add.f32 [tilespmem:s16], [sflag:$0x2], $0x10, s29, s18, $0xb8;
	[tilespmem:$0x11528] =	vst v63  }
0xf0: {  	_ =	swait.ge [sflag:s15], $0x800  }
0xf1: {  	[sflag:s15] =	ssyncset.done $0x0  }
0xf2: {  	[sflag:s15] =	ssyncadd.s32 $0xFFFFF800  }
0xf3: {  	[tilespmem:s3], [sflag:$0x1] =	stream.linear.gather [hbm4b:s5+s3], $0x8000, $0x38;
	[tilespmem:$0x11528] =	vst v63  }
0xf4: {  	_ =	swait.ge [sflag:s25], $0x8000  }
0xf5: {  	[sflag:s25] =	ssyncset.done $0x0  }
0xf6: {  	[sflag:s25] =	ssyncadd.s32 $0xFFFF8000  }
0xf7: {  	[tilespmem:s26], [sflag:$0x1] =	stream.linear.gather [hbm4b:s9+s3], $0x8000, $0x38;
	[tilespmem:$0x11528] =	vst v63  }
0xf8: {  	s31 =	simm.s32 $0x10000  }
0xf9: {  	[spmem:s1] =	stream.indirect.scatter.add.f32 [tilespmem:s3], [sflag:$0x2], $0x80, s31, s18, $0xb8;
	[tilespmem:$0x11528] =	vst v63  }
0xfa: {  	_ =	swait.ge [sflag:s15], $0x4000  }
0xfb: {  	[sflag:s15] =	ssyncset.done $0x0  }
0xfc: {  	s22 =	simm.s32 $0x10080;
	[sflag:s15] =	ssyncadd.s32 $0xFFFFC000  }
0xfd: {  	[spmem:s1] =	stream.indirect.scatter.add.f32 [tilespmem:s30], [sflag:$0x2], $0x80, s22, s18, $0xb8;
	[tilespmem:$0x11528] =	vst v63  }
0xfe: {  	_ =	swait.ge [sflag:s15], $0x4000  }
0xff: {  	[sflag:s15] =	ssyncset.done $0x0  }
0x100: {  	[sflag:s15] =	ssyncadd.s32 $0xFFFFC000  }
0x101: {  	_ =	swait.ge [sflag:s25], $0x8000  }
0x102: {  	[sflag:s25] =	ssyncset.done $0x0  }
0x103: {  	[sflag:s25] =	ssyncadd.s32 $0xFFFF8000  }
0x104: {  	[tilespmem:s3], [sflag:$0x1] =	stream.linear.gather [hbm4b:s10+s3], $0x8000, $0x38;
	[tilespmem:$0x11528] =	vst v63  }
0x105: {  	s23 =	simm.s32 $0x10100  }
0x106: {  	[spmem:s1] =	stream.indirect.scatter.add.f32 [tilespmem:s26], [sflag:$0x2], $0x80, s23, s18, $0xb8;
	[tilespmem:$0x11528] =	vst v63  }
0x107: {  	_ =	swait.ge [sflag:s15], $0x4000  }
0x108: {  	[sflag:s15] =	ssyncset.done $0x0  }
0x109: {  	s24 =	simm.s32 $0x10180;
	[sflag:s15] =	ssyncadd.s32 $0xFFFFC000  }
0x10a: {  	[spmem:s1] =	stream.indirect.scatter.add.f32 [tilespmem:s19], [sflag:$0x2], $0x80, s24, s18, $0xb8;
	[tilespmem:$0x11528] =	vst v63  }
0x10b: {  	_ =	swait.ge [sflag:s15], $0x4000  }
0x10c: {  	[sflag:s15] =	ssyncset.done $0x0  }
0x10d: {  	[sflag:s15] =	ssyncadd.s32 $0xFFFFC000  }
0x10e: {  	_ =	swait.ge [sflag:s25], $0x8000  }
0x10f: {  	[sflag:s25] =	ssyncset.done $0x0  }
0x110: {  	[sflag:s25] =	ssyncadd.s32 $0xFFFF8000  }
0x111: {  	[tilespmem:s26], [sflag:$0x1] =	stream.linear.gather [hbm4b:s11+s3], $0x8000, $0x38;
	[tilespmem:$0x11528] =	vst v63  }
0x112: {  	s28 =	simm.s32 $0x10200  }
0x113: {  	[spmem:s1] =	stream.indirect.scatter.add.f32 [tilespmem:s3], [sflag:$0x2], $0x80, s28, s18, $0xb8;
	[tilespmem:$0x11528] =	vst v63  }
0x114: {  	_ =	swait.ge [sflag:s15], $0x4000  }
0x115: {  	[sflag:s15] =	ssyncset.done $0x0  }
0x116: {  	s29 =	simm.s32 $0x10280;
	[sflag:s15] =	ssyncadd.s32 $0xFFFFC000  }
0x117: {  	[spmem:s1] =	stream.indirect.scatter.add.f32 [tilespmem:s30], [sflag:$0x2], $0x80, s29, s18, $0xb8;
	[tilespmem:$0x11528] =	vst v63  }
0x118: {  	_ =	swait.ge [sflag:s15], $0x4000  }
0x119: {  	[sflag:s15] =	ssyncset.done $0x0  }
0x11a: {  	[sflag:s15] =	ssyncadd.s32 $0xFFFFC000  }
0x11b: {  	_ =	swait.ge [sflag:s25], $0x8000  }
0x11c: {  	[sflag:s25] =	ssyncset.done $0x0  }
0x11d: {  	[sflag:s25] =	ssyncadd.s32 $0xFFFF8000  }
0x11e: {  	[tilespmem:s3], [sflag:$0x1] =	stream.linear.gather [hbm4b:s12+s3], $0x8000, $0x38;
	[tilespmem:$0x11528] =	vst v63  }
0x11f: {  	s31 =	simm.s32 $0x10300  }
0x120: {  	[spmem:s1] =	stream.indirect.scatter.add.f32 [tilespmem:s26], [sflag:$0x2], $0x80, s31, s18, $0xb8;
	[tilespmem:$0x11528] =	vst v63  }
0x121: {  	_ =	swait.ge [sflag:s15], $0x4000  }
0x122: {  	[sflag:s15] =	ssyncset.done $0x0  }
0x123: {  	s22 =	simm.s32 $0x10380;
	[sflag:s15] =	ssyncadd.s32 $0xFFFFC000  }
0x124: {  	[spmem:s1] =	stream.indirect.scatter.add.f32 [tilespmem:s19], [sflag:$0x2], $0x80, s22, s18, $0xb8;
	[tilespmem:$0x11528] =	vst v63  }
0x125: {  	_ =	swait.ge [sflag:s15], $0x4000  }
0x126: {  	[sflag:s15] =	ssyncset.done $0x0  }
0x127: {  	[sflag:s15] =	ssyncadd.s32 $0xFFFFC000  }
0x128: {  	_ =	swait.ge [sflag:s25], $0x8000  }
0x129: {  	[sflag:s25] =	ssyncset.done $0x0  }
0x12a: {  	[sflag:s25] =	ssyncadd.s32 $0xFFFF8000  }
0x12b: {  	[tilespmem:s26], [sflag:$0x1] =	stream.linear.gather [hbm4b:s13+s3], $0x8000, $0x38;
	[tilespmem:$0x11528] =	vst v63  }
0x12c: {  	s23 =	simm.s32 $0x10400  }
0x12d: {  	[spmem:s1] =	stream.indirect.scatter.add.f32 [tilespmem:s3], [sflag:$0x2], $0x80, s23, s18, $0xb8;
	[tilespmem:$0x11528] =	vst v63  }
0x12e: {  	_ =	swait.ge [sflag:s15], $0x4000  }
0x12f: {  	[sflag:s15] =	ssyncset.done $0x0  }
0x130: {  	s24 =	simm.s32 $0x10480;
	[sflag:s15] =	ssyncadd.s32 $0xFFFFC000  }
0x131: {  	[spmem:s1] =	stream.indirect.scatter.add.f32 [tilespmem:s30], [sflag:$0x2], $0x80, s24, s18, $0xb8;
	[tilespmem:$0x11528] =	vst v63  }
0x132: {  	_ =	swait.ge [sflag:s15], $0x4000  }
0x133: {  	[sflag:s15] =	ssyncset.done $0x0  }
0x134: {  	[sflag:s15] =	ssyncadd.s32 $0xFFFFC000  }
0x135: {  	_ =	swait.ge [sflag:s25], $0x8000  }
0x136: {  	[sflag:s25] =	ssyncset.done $0x0  }
0x137: {  	[sflag:s25] =	ssyncadd.s32 $0xFFFF8000  }
0x138: {  	[tilespmem:s3], [sflag:$0x1] =	stream.linear.gather [hbm4b:s14+s3], $0x8000, $0x38;
	[tilespmem:$0x11528] =	vst v63  }
0x139: {  	s28 =	simm.s32 $0x10500  }
0x13a: {  	[spmem:s1] =	stream.indirect.scatter.add.f32 [tilespmem:s26], [sflag:$0x2], $0x80, s28, s18, $0xb8;
	[tilespmem:$0x11528] =	vst v63  }
0x13b: {  	_ =	swait.ge [sflag:s15], $0x4000  }
0x13c: {  	[sflag:s15] =	ssyncset.done $0x0  }
0x13d: {  	s29 =	simm.s32 $0x10580;
	[sflag:s15] =	ssyncadd.s32 $0xFFFFC000  }
0x13e: {  	[spmem:s1] =	stream.indirect.scatter.add.f32 [tilespmem:s19], [sflag:$0x2], $0x80, s29, s18, $0xb8;
	[tilespmem:$0x11528] =	vst v63  }
0x13f: {  	_ =	swait.ge [sflag:s15], $0x4000  }
0x140: {  	[sflag:s15] =	ssyncset.done $0x0  }
0x141: {  	[sflag:s15] =	ssyncadd.s32 $0xFFFFC000  }
0x142: {  	_ =	swait.ge [sflag:s25], $0x8000  }
0x143: {  	[sflag:s25] =	ssyncset.done $0x0  }
0x144: {  	s31 =	simm.s32 $0x10600;
	[sflag:s25] =	ssyncadd.s32 $0xFFFF8000  }
0x145: {  	[spmem:s1] =	stream.indirect.scatter.add.f32 [tilespmem:s3], [sflag:$0x2], $0x80, s31, s18, $0xb8;
	[tilespmem:$0x11528] =	vst v63  }
0x146: {  	_ =	swait.ge [sflag:s15], $0x4000  }
0x147: {  	[sflag:s15] =	ssyncset.done $0x0  }
0x148: {  	[sflag:s15] =	ssyncadd.s32 $0xFFFFC000  }
0x149: {  	[spmem:s1] =	stream.indirect.scatter.add.f32 [tilespmem:s30], [sflag:$0x2], $0x80, s20, s18, $0xb8;
	[tilespmem:$0x11528] =	vst v63  }
0x14a: {  	_ =	swait.ge [sflag:s15], $0x4000  }
0x14b: {  	[sflag:s15] =	ssyncset.done $0x0  }
0x14c: {  	[sflag:s15] =	ssyncadd.s32 $0xFFFFC000  }
0x14d: {  	s0 =	sshrl.u32 @!p0 s1, $0x3;
	s22 =	simm.s32 @!p0 $0x1C02;
	[bflag:$0x0] =	sbarrier.arrive $0xFFFF  }
0x14e: {  	[hbm:s6], [sflag:s22] =	dma.local @!p0 [spmem:s0], $0x500  }
0x14f: {  	s0 =	simm.s32 @!p0 $0x2  }
0x150: {  	s21 =	sadd.s32 $0x1, s21;
	_ =	swait.ge @!p0 [sflag:s0], $0x500  }
0x151: {  	p1 =	sne.s32 s21, s8;
	[sflag:s0] =	ssyncset.done @!p0 $0x0  }
.Ltmp4:
0x152: {  	s23 =	sshrl.u32 @!p0 s2, $0x3;
	[sflag:s0] =	ssyncadd.s32 @!p0 $0xFFFFFB00;
	(pc) =	sbr.rel @p1 .LBB2_1-.Ltmp4, $4  }
0x153: {  	[hbm:s7], [sflag:s22] =	dma.local @!p0 [spmem:s23], $0x50  }
0x154: {  	_ =	swait.ge @!p0 [sflag:s0], $0x50  }
0x155: {  	[sflag:s0] =	ssyncset.done @!p0 $0x0  }
0x156: {  	[sflag:s0] =	ssyncadd.s32 @!p0 $0xFFFFFFB0  }
0x157: {  	_ =	sfence.sel $0x180000  }
0x158: {  	[bflag:$0x0] =	sbarrier.arrive $0xFFFF  }
0x159: {  	_ =	strace $0x90000047  }
0x15a: {  	[bflag:$0x2] =	sbarrier.arrive $0xFFFF  }
0x15b: {  	s0 =	rddreg [dreg:$0x5]  }
0x15c: {  	s0 =	sadd.s32 @!p0 $0x100000, s0  }
0x15d: {  	[sflag:s0] =	ssyncadd.tile.s32 @!p0 $0x1;
	_ =	shalt  }
.Lfunc_end2:
_tile_overlayer_lowered:
.L_overlay_start_2:
0x15e: {  	(tag) =	ssettag $0x2  }
0x15f: {  	s0 =	rddreg [dreg:$0x0];
	s2 =	stileid.u32  }
0x160: {  	s1 =	rddreg [dreg:$0x1];
	p0 =	sne.s32 s2, $0x0  }
0x161: {  	s3 =	rddreg [dreg:$0x2];
	[bflag:$0x3] =	sbarrier.arrive $0xFFFF;
	s2 =	simm.s32 @!p0 $0x1C02  }
0x162: {  	[timem:s3], [sflag:s2] =	dma.local @!p0 [hbm:s0], s1  }
0x163: {  	s0 =	simm.s32 @!p0 $0x2  }
0x164: {  	_ =	swait.ge @!p0 [sflag:s0], s1  }
0x165: {  	s1 =	ssub.s32 @!p0 $0x0, s1;
	[sflag:s0] =	ssyncset.done @!p0 $0x0  }
0x166: {  	[sflag:s0] =	ssyncadd.s32 @!p0 s1  }
0x167: {  	[bflag:$0x3] =	sbarrier.arrive $0xFFFF  }
0x168: {  	_ =	shalt  }

</sc_bundles>
